<compile_context>
chip_gen: v7x
topology: tpu7x:2x2x1
jax: 0.10.2.dev20260603
libtpu: 0.0.44.dev20260713+nightly
codegen_flags: <defaults>
</compile_context>

<pallas_src>
import functools

import jax
import jax.numpy as jnp
from jax import lax
from jax.experimental import pallas as pl
from jax.experimental.pallas import tpu as pltpu
from jax.experimental.pallas import tpu_sc as plsc

f32 = jnp.float32

N_NODES = 10000
N_EDGES = 320000
NC, NS = 2, 16
NW = NC * NS
EPW = N_EDGES // NW
CH = 80
STEPS = EPW // CH
K = 25
SLAB = K * CH
GROUPS = STEPS // K
NPT = N_NODES // NS

@functools.cache
def _sc_kernels():
    mesh = plsc.VectorSubcoreMesh(core_axis_name="c", subcore_axis_name="s",
                                  num_cores=NC, num_subcores=NS)
    cparams = pltpu.CompilerParams(use_tc_tiling_on_sc=False)

    @functools.partial(
        pl.kernel,
        out_type=jax.ShapeDtypeStruct((N_EDGES // 8, 128), f32),
        mesh=mesh,
        scratch_types=[
            pltpu.VMEM((STEPS, CH), jnp.int32),
            pltpu.VMEM((SLAB, 16), f32),
            pltpu.SemaphoreType.DMA,
        ],
        compiler_params=cparams,
    )
    def sc_gather(table_hbm, idx_hbm, out_hbm, idx_v, slab, sem):
        cid = lax.axis_index("c")
        sid = lax.axis_index("s")
        wid = sid * NC + cid
        row0 = (wid % 4) * EPW
        col = wid // 4
        pltpu.sync_copy(idx_hbm.at[wid], idx_v)

        def group(g, carry):
            def fire(b, c2):
                pltpu.async_copy(table_hbm.at[idx_v.at[g * K + b]],
                                 slab.at[pl.ds(b * CH, CH)], sem)
                return c2

            lax.fori_loop(0, K, fire, 0)

            def drain(b, c2):
                pltpu.make_async_copy(table_hbm.at[idx_v.at[g * K + b]],
                                      slab.at[pl.ds(b * CH, CH)], sem).wait()
                return c2

            lax.fori_loop(0, K, drain, 0)
            pltpu.sync_copy(slab, out_hbm.at[pl.ds(row0 + g * SLAB, SLAB),
                                             pl.ds(col * 16, 16)])
            return carry

        lax.fori_loop(0, GROUPS, group, 0)

    @functools.partial(
        pl.kernel,
        out_type=jax.ShapeDtypeStruct((NC * N_NODES, 16), f32),
        mesh=mesh,
        scratch_types=[
            pltpu.VMEM_SHARED((N_NODES, 16), f32),
            pltpu.VMEM((STEPS, CH), jnp.int32),
            pltpu.VMEM((SLAB, 16), f32),
            pltpu.VMEM((NPT, 16), f32),
            pltpu.SemaphoreType.DMA,
        ],
        compiler_params=cparams,
    )
    def sc_scatter(msg_hbm, dst_hbm, zeros_hbm, out_hbm, accum, idx_v, slab,
                   rbuf, sem):
        cid = lax.axis_index("c")
        sid = lax.axis_index("s")
        wid = sid * NC + cid
        row0 = (wid % 4) * EPW
        col = wid // 4
        pltpu.sync_copy(zeros_hbm, rbuf)
        pltpu.sync_copy(rbuf, accum.at[pl.ds(sid * NPT, NPT)])
        plsc.subcore_barrier()
        pltpu.sync_copy(dst_hbm.at[wid], idx_v)

        def group(g, carry):
            pltpu.sync_copy(msg_hbm.at[pl.ds(row0 + g * SLAB, SLAB),
                                       pl.ds(col * 16, 16)], slab)

            def fire(b, c2):
                pltpu.async_copy(slab.at[pl.ds(b * CH, CH)],
                                 accum.at[idx_v.at[g * K + b]], sem, add=True)
                return c2

            lax.fori_loop(0, K, fire, 0)

            def drain(b, c2):
                pltpu.make_async_copy(slab.at[pl.ds(b * CH, CH)],
                                      accum.at[idx_v.at[g * K + b]],
                                      sem).wait()
                return c2

            lax.fori_loop(0, K, drain, 0)
            return carry

        lax.fori_loop(0, GROUPS, group, 0)
        plsc.subcore_barrier()
        pltpu.sync_copy(accum.at[pl.ds(sid * NPT, NPT)], rbuf)
        pltpu.sync_copy(rbuf,
                        out_hbm.at[pl.ds(cid * N_NODES + sid * NPT, NPT)])

    return sc_gather, sc_scatter



EP = N_EDGES // 8
BP = 2000


bf16 = jnp.bfloat16


def _edge_body(*refs):
    ea_refs = refs[:8]
    xj_ref, w1_ref, b1_ref, w2_ref, b2_ref, r_ref, s_ref, out_ref = refs[8:]
    xj = xj_ref[...]
    eas = [r[...].astype(bf16) for r in ea_refs]
    xjs = [xj[:, 16 * j:16 * (j + 1)].astype(bf16) for j in range(8)]
    hs = [jnp.maximum(
        jnp.dot(e, w1_ref[...], preferred_element_type=f32)
        + b1_ref[...], 0.0).astype(bf16) for e in eas]
    ws = [jnp.maximum(
        jnp.dot(hh, w2_ref[...], preferred_element_type=f32)
        + b2_ref[...], 0.0).astype(bf16) for hh in hs]
    xjes = [jnp.dot(xx, r_ref[...], preferred_element_type=f32).astype(bf16)
            for xx in xjs]
    for j in range(8):
        msg = jnp.dot(ws[j] * xjes[j], s_ref[...], preferred_element_type=f32)
        out_ref[:, 16 * j:16 * (j + 1)] = msg


def _make_ea_spec(j):
    return pl.BlockSpec((BP, 16), lambda i, j=j: (j * (EP // BP) + i, 0))


def _tc_edge(ea, xj_p, w1t, b1, w2t, b2, rmat, smat):
    return pl.pallas_call(
        _edge_body,
        grid=(EP // BP,),
        in_specs=[_make_ea_spec(j) for j in range(8)] + [
            pl.BlockSpec((BP, 128), lambda i: (i, 0)),
            pl.BlockSpec((16, 64), lambda i: (0, 0)),
            pl.BlockSpec((1, 64), lambda i: (0, 0)),
            pl.BlockSpec((64, 256), lambda i: (0, 0)),
            pl.BlockSpec((1, 256), lambda i: (0, 0)),
            pl.BlockSpec((16, 256), lambda i: (0, 0)),
            pl.BlockSpec((256, 16), lambda i: (0, 0)),
        ],
        out_specs=pl.BlockSpec((BP, 128), lambda i: (i, 0)),
        out_shape=jax.ShapeDtypeStruct((EP, 128), f32),
    )(*([ea] * 8), xj_p, w1t, b1, w2t, b2, rmat, smat)



NPK = N_NODES // 8


def _make_combine(relu):
    def body(p0_ref, p1_ref, xin_ref, rt_ref, b_ref, out_ref):
        v = (p0_ref[...] + p1_ref[...]
             + jnp.dot(xin_ref[...].astype(bf16), rt_ref[...],
                       preferred_element_type=f32)
             + b_ref[...])
        out_ref[...] = jnp.maximum(v, 0.0) if relu else v
    return body


def _tc_combine(p, xin_p, rt_bd, b_bd, relu):
    pp = p.reshape(2 * NPK, 128)
    return pl.pallas_call(
        _make_combine(relu),
        out_shape=jax.ShapeDtypeStruct((NPK, 128), f32),
    )(pp[:NPK], pp[NPK:], xin_p, rt_bd, b_bd)



def kernel(x, edge_index, edge_attr, n1W1, n1b1, n1W2, n1b2, root1, bias1,
           n2W1, n2b1, n2W2, n2b2, root2, bias2):
    ei = edge_index.astype(jnp.int32)
    src3 = ei[0].reshape(NW, STEPS, CH)
    dst3 = ei[1].reshape(NW, STEPS, CH)
    zeros = jnp.zeros((NPT, 16), f32)
    rmat = (jnp.arange(256)[None, :] // 16 == jnp.arange(16)[:, None]).astype(f32)
    smat = (jnp.arange(256)[:, None] % 16 == jnp.arange(16)[None, :]).astype(f32)
    rmat_bf = rmat.astype(bf16)
    smat_bf = smat.astype(bf16)
    w1_1 = n1W1.T.astype(bf16)
    w2_1 = n1W2.T.astype(bf16)
    b1_1 = n1b1.reshape(1, 64)
    b2_1 = n1b2.reshape(1, 256)
    w1_2 = n2W1.T.astype(bf16)
    w2_2 = n2W2.T.astype(bf16)
    b1_2 = n2b1.reshape(1, 64)
    b2_2 = n2b2.reshape(1, 256)
    eye8 = jnp.eye(8, dtype=f32)

    def kron8_bf(w):
        a, b = w.shape
        m = eye8[:, None, :, None] * w[None, :, None, :]
        return m.reshape(8 * a, 8 * b).astype(bf16)

    rt1_bd = kron8_bf(root1.T)
    rt2_bd = kron8_bf(root2.T)
    bias1_bd = jnp.tile(bias1, 8).reshape(1, 128)
    bias2_bd = jnp.tile(bias2, 8).reshape(1, 128)
    x_p = x.reshape(NPK, 128)

    sc_gather, sc_scatter = _sc_kernels()

    xj1 = sc_gather(x, src3)
    msg1 = _tc_edge(edge_attr, xj1, w1_1, b1_1, w2_1, b2_1, rmat_bf, smat_bf)
    p1 = sc_scatter(msg1, dst3, zeros)
    h_p = _tc_combine(p1, x_p, rt1_bd, bias1_bd, relu=True)
    h = h_p.reshape(N_NODES, 16)

    xj2 = sc_gather(h, src3)
    msg2 = _tc_edge(edge_attr, xj2, w1_2, b1_2, w2_2, b2_2, rmat_bf, smat_bf)
    p2 = sc_scatter(msg2, dst3, zeros)
    out_p = _tc_combine(p2, h_p, rt2_bd, bias2_bd, relu=False)
    return out_p.reshape(N_NODES, 16)

# --- scband reference (transcript-rebuilt; emitter-appended) ---
"""Pipeline reference for scband-gnnmodel-22265110462801 (READ-ONLY COPY).

The authoritative reference and input builder live on the scoring server;
editing this copy changes nothing except your own understanding.
"""

import jax, jax.numpy as jnp
import numpy as np

C_IN, C_HID, C_OUT = 16, 16, 16
C_EIN, C_EHID = 16, 64
N_NODES, N_EDGES = 10000, 320000


def setup_inputs(seed: int = 0) -> dict:
    key = jax.random.key(seed)
    ks = jax.random.split(key, 16)
    x = jax.random.normal(ks[0], (N_NODES, C_IN), dtype=jnp.float32)
    edge_index = jax.random.randint(ks[1], (2, N_EDGES), 0, N_NODES, dtype=jnp.int64)
    edge_attr = jax.random.normal(ks[2], (N_EDGES, C_EIN), dtype=jnp.float32)
    s = 0.1
    # layer 1 edge_NN: Linear(16->64), Linear(64->256=c_in*c_hidden)
    n1W1 = jax.random.normal(ks[3], (C_EHID, C_EIN), dtype=jnp.float32) * s
    n1b1 = jnp.zeros((C_EHID,), dtype=jnp.float32)
    n1W2 = jax.random.normal(ks[4], (C_IN * C_HID, C_EHID), dtype=jnp.float32) * s
    n1b2 = jnp.zeros((C_IN * C_HID,), dtype=jnp.float32)
    root1 = jax.random.normal(ks[5], (C_HID, C_IN), dtype=jnp.float32) * s
    bias1 = jnp.zeros((C_HID,), dtype=jnp.float32)
    # layer 2 edge_NN: Linear(16->64), Linear(64->256=c_hidden*c_out)
    n2W1 = jax.random.normal(ks[6], (C_EHID, C_EIN), dtype=jnp.float32) * s
    n2b1 = jnp.zeros((C_EHID,), dtype=jnp.float32)
    n2W2 = jax.random.normal(ks[7], (C_HID * C_OUT, C_EHID), dtype=jnp.float32) * s
    n2b2 = jnp.zeros((C_HID * C_OUT,), dtype=jnp.float32)
    root2 = jax.random.normal(ks[8], (C_OUT, C_HID), dtype=jnp.float32) * s
    bias2 = jnp.zeros((C_OUT,), dtype=jnp.float32)
    return {"x": x, "edge_index": edge_index, "edge_attr": edge_attr,
            "n1W1": n1W1, "n1b1": n1b1, "n1W2": n1W2, "n1b2": n1b2,
            "root1": root1, "bias1": bias1,
            "n2W1": n2W1, "n2b1": n2b1, "n2W2": n2W2, "n2b2": n2b2,
            "root2": root2, "bias2": bias2}


def _nnconv(x, edge_index, edge_attr, W1, b1, W2, b2, root, bias, c_in, c_out):
    # edge_NN: Linear -> ReLU -> Linear -> ReLU
    h = jnp.maximum(edge_attr @ W1.T + b1, 0.0)
    w = jnp.maximum(h @ W2.T + b2, 0.0).reshape(-1, c_in, c_out)
    src, dst = edge_index[0], edge_index[1]
    x_j = jnp.take(x, src, axis=0)                      # gather [E, c_in]
    msg = jnp.einsum('ei,eio->eo', x_j, w)              # per-edge matvec
    agg = jax.ops.segment_sum(msg, dst, num_segments=x.shape[0])  # scatter-add
    return agg + x @ root.T + bias


def reference(x, edge_index, edge_attr, n1W1, n1b1, n1W2, n1b2, root1, bias1,
              n2W1, n2b1, n2W2, n2b2, root2, bias2):
    # layer 1: NNConv -> ReLU -> Dropout (eval mode: identity)
    h = _nnconv(x, edge_index, edge_attr, n1W1, n1b1, n1W2, n1b2, root1, bias1, C_IN, C_HID)
    h = jnp.maximum(h, 0.0)
    # layer 2: NNConv
    out = _nnconv(h, edge_index, edge_attr, n2W1, n2b1, n2W2, n2b2, root2, bias2, C_HID, C_OUT)
    return out

if __name__ == "__main__":
    import jax
    _d = setup_inputs()
    print(jax.jit(kernel)(*tuple(_d.values())))

</pallas_src>

<mosaic_0001>
#map = affine_map<(d0, d1) -> (0, 0)>
#map1 = affine_map<(d0, d1) -> (0, 0, 0)>
module attributes {stable_mosaic.version = 14 : i64} {
  func.func @sc_scatter(%arg0: i32, %arg1: i32, %arg2: memref<40000x128xf32, #tpu.memory_space<hbm>>, %arg3: memref<32x125x80xi32, #tpu.memory_space<hbm>>, %arg4: memref<625x16xf32, #tpu.memory_space<hbm>>, %arg5: memref<20000x16xf32, #tpu.memory_space<hbm>>, %arg6: memref<10000x16xf32, #tpu.memory_space<vmem_shared>>, %arg7: memref<125x80xi32, #tpu.memory_space<vmem>>, %arg8: memref<2000x16xf32, #tpu.memory_space<vmem>>, %arg9: memref<625x16xf32, #tpu.memory_space<vmem>>, %arg10: memref<!tpu.dma_semaphore, #tpu.memory_space<semaphore_mem>>) attributes {dimension_semantics = [#tpu.dimension_semantics<core_parallel>, #tpu.dimension_semantics<subcore_parallel>], iteration_bounds = array<i64: 2, 16>, scalar_prefetch = 0 : i64, scratch_operands = 5 : i64, tpu.core_type = #tpu.core_type<sc_vector_subcore>, window_params = [{transform_indices = #map}, {transform_indices = #map1}, {transform_indices = #map}, {transform_indices = #map}]} {
    %mul3A = arith.constant 2 : i32
    %mul3A_0 = arith.muli %arg1, %mul3A : i32
    %add3A = arith.addi %mul3A_0, %arg0 : i32
    %jit3A = arith.constant 4 : i32
    %eq3A = arith.constant 0 : i32
    %eq3A_1 = arith.cmpi eq, %jit3A, %eq3A : i32
    %jit3A_2 = arith.constant 1 : i32
    %select_n3A = arith.select %eq3A_1, %jit3A_2, %jit3A : i32
    %rem3A = arith.remsi %add3A, %select_n3A : i32
    %ne3A = arith.constant 0 : i32
    %ne3A_3 = arith.cmpi ne, %rem3A, %ne3A : i32
    %lt3A = arith.constant 0 : i32
    %lt3A_4 = arith.cmpi slt, %rem3A, %lt3A : i32
    %lt3A_5 = arith.constant 0 : i32
    %lt3A_6 = arith.cmpi slt, %select_n3A, %lt3A_5 : i32
    %ne3A_7 = arith.xori %lt3A_4, %lt3A_6 : i1
    %and3A = arith.andi %ne3A_7, %ne3A_3 : i1
    %add3A_8 = arith.addi %rem3A, %select_n3A : i32
    %select_n3A_9 = arith.select %and3A, %add3A_8, %rem3A : i32
    %mul3A_10 = arith.constant 10000 : i32
    %mul3A_11 = arith.muli %select_n3A_9, %mul3A_10 : i32
    %jit3A_12 = arith.constant 4 : i32
    %div3A = arith.divsi %add3A, %jit3A_12 : i32
    %sign3A = arith.constant 0 : i32
    %sign3A_13 = arith.cmpi sgt, %add3A, %sign3A : i32
    %sign3A_14 = arith.extui %sign3A_13 : i1 to i32
    %sign3A_15 = arith.constant 0 : i32
    %sign3A_16 = arith.cmpi slt, %add3A, %sign3A_15 : i32
    %sign3A_17 = arith.extui %sign3A_16 : i1 to i32
    %sign3A_18 = arith.subi %sign3A_14, %sign3A_17 : i32
    %sign3A_19 = arith.constant 0 : i32
    %sign3A_20 = arith.cmpi sgt, %jit3A_12, %sign3A_19 : i32
    %sign3A_21 = arith.extui %sign3A_20 : i1 to i32
    %sign3A_22 = arith.constant 0 : i32
    %sign3A_23 = arith.cmpi slt, %jit3A_12, %sign3A_22 : i32
    %sign3A_24 = arith.extui %sign3A_23 : i1 to i32
    %sign3A_25 = arith.subi %sign3A_21, %sign3A_24 : i32
    %ne3A_26 = arith.cmpi ne, %sign3A_18, %sign3A_25 : i32
    %rem3A_27 = arith.remsi %add3A, %jit3A_12 : i32
    %ne3A_28 = arith.constant 0 : i32
    %ne3A_29 = arith.cmpi ne, %rem3A_27, %ne3A_28 : i32
    %and3A_30 = arith.andi %ne3A_26, %ne3A_29 : i1
    %sub3A = arith.constant 1 : i32
    %sub3A_31 = arith.subi %div3A, %sub3A : i32
    %select_n3A_32 = arith.select %and3A_30, %sub3A_31, %div3A : i32
    "tpu.region"() ({
      %run_scoped3A = tpu.sem_alloc : memref<!tpu.dma_semaphore, #tpu.memory_space<semaphore_mem>>
      tpu.enqueue_dma source(%arg4 : memref<625x16xf32, #tpu.memory_space<hbm>>) target(%arg9 : memref<625x16xf32, #tpu.memory_space<vmem>>) target_semaphore(%run_scoped3A : memref<!tpu.dma_semaphore, #tpu.memory_space<semaphore_mem>>)
      tpu.wait_dma2 semaphore(%run_scoped3A : memref<!tpu.dma_semaphore, #tpu.memory_space<semaphore_mem>>) src(%arg4 : memref<625x16xf32, #tpu.memory_space<hbm>>) dst(%arg9 : memref<625x16xf32, #tpu.memory_space<vmem>>)
      tpu.yield
    }) : () -> ()
    %mul3A_33 = arith.constant 625 : i32
    %mul3A_34 = arith.muli %arg1, %mul3A_33 : i32
    "tpu.region"() ({
      %run_scoped3A = tpu.sem_alloc : memref<!tpu.dma_semaphore, #tpu.memory_space<semaphore_mem>>
      %dma_start3A = arith.constant 0 : i32
      %dma_start3A_48 = tpu.memref_slice %arg6[%mul3A_34, %dma_start3A] : memref<10000x16xf32, #tpu.memory_space<vmem_shared>> -> memref<625x16xf32, #tpu.memory_space<vmem_shared>>
      %dma_start3A_49 = arith.constant 0 : i32
      %dma_start3A_50 = tpu.memref_slice %arg6[%mul3A_34, %dma_start3A_49] : memref<10000x16xf32, #tpu.memory_space<vmem_shared>> -> memref<625x16xf32, #tpu.memory_space<vmem_shared>>
      tpu.enqueue_dma source(%arg9 : memref<625x16xf32, #tpu.memory_space<vmem>>) target(%dma_start3A_50 : memref<625x16xf32, #tpu.memory_space<vmem_shared>>) target_semaphore(%run_scoped3A : memref<!tpu.dma_semaphore, #tpu.memory_space<semaphore_mem>>)
      %dma_wait3A = arith.constant 0 : i32
      %dma_wait3A_51 = tpu.memref_slice %arg6[%mul3A_34, %dma_wait3A] : memref<10000x16xf32, #tpu.memory_space<vmem_shared>> -> memref<625x16xf32, #tpu.memory_space<vmem_shared>>
      %dma_wait3A_52 = arith.constant 0 : i32
      %dma_wait3A_53 = tpu.memref_slice %arg6[%mul3A_34, %dma_wait3A_52] : memref<10000x16xf32, #tpu.memory_space<vmem_shared>> -> memref<625x16xf32, #tpu.memory_space<vmem_shared>>
      tpu.wait_dma2 semaphore(%run_scoped3A : memref<!tpu.dma_semaphore, #tpu.memory_space<semaphore_mem>>) src(%arg9 : memref<625x16xf32, #tpu.memory_space<vmem>>) dst(%dma_wait3A_53 : memref<625x16xf32, #tpu.memory_space<vmem_shared>>)
      tpu.yield
    }) : () -> ()
    %barrier3A = arith.constant 0 : index
    tpu.barrier barrier_id(%barrier3A)
    "tpu.region"() ({
      %run_scoped3A = tpu.sem_alloc : memref<!tpu.dma_semaphore, #tpu.memory_space<semaphore_mem>>
      %dma_start3A = arith.constant 0 : i32
      %dma_start3A_48 = arith.constant 0 : i32
      %dma_start3A_49 = tpu.memref_slice %arg3[%add3A, %dma_start3A, %dma_start3A_48] : memref<32x125x80xi32, #tpu.memory_space<hbm>> -> memref<1x125x80xi32, #tpu.memory_space<hbm>>
      %dma_start3A_50 = tpu.memref_squeeze %dma_start3A_49 : memref<1x125x80xi32, #tpu.memory_space<hbm>> -> memref<125x80xi32, #tpu.memory_space<hbm>>
      %dma_start3A_51 = arith.constant 0 : i32
      %dma_start3A_52 = arith.constant 0 : i32
      %dma_start3A_53 = tpu.memref_slice %arg3[%add3A, %dma_start3A_51, %dma_start3A_52] : memref<32x125x80xi32, #tpu.memory_space<hbm>> -> memref<1x125x80xi32, #tpu.memory_space<hbm>>
      %dma_start3A_54 = tpu.memref_squeeze %dma_start3A_53 : memref<1x125x80xi32, #tpu.memory_space<hbm>> -> memref<125x80xi32, #tpu.memory_space<hbm>>
      tpu.enqueue_dma source(%dma_start3A_54 : memref<125x80xi32, #tpu.memory_space<hbm>>) target(%arg7 : memref<125x80xi32, #tpu.memory_space<vmem>>) target_semaphore(%run_scoped3A : memref<!tpu.dma_semaphore, #tpu.memory_space<semaphore_mem>>)
      %dma_wait3A = arith.constant 0 : i32
      %dma_wait3A_55 = arith.constant 0 : i32
      %dma_wait3A_56 = tpu.memref_slice %arg3[%add3A, %dma_wait3A, %dma_wait3A_55] : memref<32x125x80xi32, #tpu.memory_space<hbm>> -> memref<1x125x80xi32, #tpu.memory_space<hbm>>
      %dma_wait3A_57 = tpu.memref_squeeze %dma_wait3A_56 : memref<1x125x80xi32, #tpu.memory_space<hbm>> -> memref<125x80xi32, #tpu.memory_space<hbm>>
      %dma_wait3A_58 = arith.constant 0 : i32
      %dma_wait3A_59 = arith.constant 0 : i32
      %dma_wait3A_60 = tpu.memref_slice %arg3[%add3A, %dma_wait3A_58, %dma_wait3A_59] : memref<32x125x80xi32, #tpu.memory_space<hbm>> -> memref<1x125x80xi32, #tpu.memory_space<hbm>>
      %dma_wait3A_61 = tpu.memref_squeeze %dma_wait3A_60 : memref<1x125x80xi32, #tpu.memory_space<hbm>> -> memref<125x80xi32, #tpu.memory_space<hbm>>
      tpu.wait_dma2 semaphore(%run_scoped3A : memref<!tpu.dma_semaphore, #tpu.memory_space<semaphore_mem>>) src(%dma_wait3A_61 : memref<125x80xi32, #tpu.memory_space<hbm>>) dst(%arg7 : memref<125x80xi32, #tpu.memory_space<vmem>>)
      tpu.yield
    }) : () -> ()
    %scan3A = arith.constant 0 : i32
    %scan3A_35 = arith.constant 0 : i32
    %scan3A_36 = arith.constant 5 : i32
    %scan3A_37 = arith.addi %scan3A_35, %scan3A_36 : i32
    %scan3A_38 = arith.constant 1 : i32
    scf.for %scan3A_48 = %scan3A_35 to %scan3A_37 step %scan3A_38  : i32 {
      %mul3A_49 = arith.constant 2000 : i32
      %mul3A_50 = arith.muli %scan3A_48, %mul3A_49 : i32
      %add3A_51 = arith.addi %mul3A_11, %mul3A_50 : i32
      %mul3A_52 = arith.constant 16 : i32
      %mul3A_53 = arith.muli %select_n3A_32, %mul3A_52 : i32
      "tpu.region"() ({
        %run_scoped3A = tpu.sem_alloc : memref<!tpu.dma_semaphore, #tpu.memory_space<semaphore_mem>>
        %dma_start3A = tpu.memref_slice %arg2[%add3A_51, %mul3A_53] : memref<40000x128xf32, #tpu.memory_space<hbm>> -> memref<2000x16xf32, #tpu.memory_space<hbm>>
        %dma_start3A_66 = tpu.memref_slice %arg2[%add3A_51, %mul3A_53] : memref<40000x128xf32, #tpu.memory_space<hbm>> -> memref<2000x16xf32, #tpu.memory_space<hbm>>
        tpu.enqueue_dma source(%dma_start3A_66 : memref<2000x16xf32, #tpu.memory_space<hbm>>) target(%arg8 : memref<2000x16xf32, #tpu.memory_space<vmem>>) target_semaphore(%run_scoped3A : memref<!tpu.dma_semaphore, #tpu.memory_space<semaphore_mem>>)
        %dma_wait3A = tpu.memref_slice %arg2[%add3A_51, %mul3A_53] : memref<40000x128xf32, #tpu.memory_space<hbm>> -> memref<2000x16xf32, #tpu.memory_space<hbm>>
        %dma_wait3A_67 = tpu.memref_slice %arg2[%add3A_51, %mul3A_53] : memref<40000x128xf32, #tpu.memory_space<hbm>> -> memref<2000x16xf32, #tpu.memory_space<hbm>>
        tpu.wait_dma2 semaphore(%run_scoped3A : memref<!tpu.dma_semaphore, #tpu.memory_space<semaphore_mem>>) src(%dma_wait3A_67 : memref<2000x16xf32, #tpu.memory_space<hbm>>) dst(%arg8 : memref<2000x16xf32, #tpu.memory_space<vmem>>)
        tpu.yield
      }) : () -> ()
      %scan3A_54 = arith.constant 0 : i32
      %scan3A_55 = arith.constant 0 : i32
      %scan3A_56 = arith.constant 25 : i32
      %scan3A_57 = arith.addi %scan3A_55, %scan3A_56 : i32
      %scan3A_58 = arith.constant 1 : i32
      scf.for %scan3A_66 = %scan3A_55 to %scan3A_57 step %scan3A_58  : i32 {
        %mul3A_67 = arith.constant 80 : i32
        %mul3A_68 = arith.muli %scan3A_66, %mul3A_67 : i32
        %mul3A_69 = arith.constant 25 : i32
        %mul3A_70 = arith.muli %scan3A_48, %mul3A_69 : i32
        %add3A_71 = arith.addi %mul3A_70, %scan3A_66 : i32
        %dma_start3A = arith.constant 0 : i32
        %dma_start3A_72 = tpu.memref_slice %arg8[%mul3A_68, %dma_start3A] : memref<2000x16xf32, #tpu.memory_space<vmem>> -> memref<80x16xf32, #tpu.memory_space<vmem>>
        %dma_start3A_73 = arith.constant 0 : i32
        %dma_start3A_74 = tpu.memref_slice %arg7[%add3A_71, %dma_start3A_73] : memref<125x80xi32, #tpu.memory_space<vmem>> -> memref<1x80xi32, #tpu.memory_space<vmem>>
        %dma_start3A_75 = tpu.memref_squeeze %dma_start3A_74 : memref<1x80xi32, #tpu.memory_space<vmem>> -> memref<80xi32, #tpu.memory_space<vmem>>
        %dma_start3A_76 = arith.constant 0 : i32
        %dma_start3A_77 = arith.constant 0 : i32
        %dma_start3A_78 = tpu.memref_slice %arg6[%dma_start3A_76, %dma_start3A_77] : memref<10000x16xf32, #tpu.memory_space<vmem_shared>> -> memref<10000x16xf32, #tpu.memory_space<vmem_shared>>
        tpu.enqueue_indirect_dma source(%dma_start3A_72 : memref<80x16xf32, #tpu.memory_space<vmem>>) target(%dma_start3A_78 : memref<10000x16xf32, #tpu.memory_space<vmem_shared>>) offsets(%dma_start3A_75 : memref<80xi32, #tpu.memory_space<vmem>>) semaphore(%arg10 : memref<!tpu.dma_semaphore, #tpu.memory_space<semaphore_mem>>) {add = true}
      }
      %scan3A_59 = arith.constant 25 : i32
      %scan3A_60 = arith.constant 0 : i32
      %scan3A_61 = arith.constant 0 : i32
      %scan3A_62 = arith.constant 25 : i32
      %scan3A_63 = arith.addi %scan3A_61, %scan3A_62 : i32
      %scan3A_64 = arith.constant 1 : i32
      scf.for %scan3A_66 = %scan3A_61 to %scan3A_63 step %scan3A_64  : i32 {
        %mul3A_67 = arith.constant 80 : i32
        %mul3A_68 = arith.muli %scan3A_66, %mul3A_67 : i32
        %mul3A_69 = arith.constant 25 : i32
        %mul3A_70 = arith.muli %scan3A_48, %mul3A_69 : i32
        %add3A_71 = arith.addi %mul3A_70, %scan3A_66 : i32
        %dma_wait3A = arith.constant 0 : i32
        %dma_wait3A_72 = tpu.memref_slice %arg8[%mul3A_68, %dma_wait3A] : memref<2000x16xf32, #tpu.memory_space<vmem>> -> memref<80x16xf32, #tpu.memory_space<vmem>>
        %dma_wait3A_73 = arith.constant 0 : i32
        %dma_wait3A_74 = tpu.memref_slice %arg7[%add3A_71, %dma_wait3A_73] : memref<125x80xi32, #tpu.memory_space<vmem>> -> memref<1x80xi32, #tpu.memory_space<vmem>>
        %dma_wait3A_75 = tpu.memref_squeeze %dma_wait3A_74 : memref<1x80xi32, #tpu.memory_space<vmem>> -> memref<80xi32, #tpu.memory_space<vmem>>
        %dma_wait3A_76 = arith.constant 0 : i32
        %dma_wait3A_77 = arith.constant 0 : i32
        %dma_wait3A_78 = tpu.memref_slice %arg6[%dma_wait3A_76, %dma_wait3A_77] : memref<10000x16xf32, #tpu.memory_space<vmem_shared>> -> memref<10000x16xf32, #tpu.memory_space<vmem_shared>>
        tpu.wait_indirect_dma semaphore(%arg10 : memref<!tpu.dma_semaphore, #tpu.memory_space<semaphore_mem>>) src(%dma_wait3A_72 : memref<80x16xf32, #tpu.memory_space<vmem>>) dst(%dma_wait3A_78 : memref<10000x16xf32, #tpu.memory_space<vmem_shared>>)
      }
      %scan3A_65 = arith.constant 25 : i32
    }
    %scan3A_39 = arith.constant 5 : i32
    %barrier3A_40 = arith.constant 0 : index
    tpu.barrier barrier_id(%barrier3A_40)
    %mul3A_41 = arith.constant 625 : i32
    %mul3A_42 = arith.muli %arg1, %mul3A_41 : i32
    "tpu.region"() ({
      %run_scoped3A = tpu.sem_alloc : memref<!tpu.dma_semaphore, #tpu.memory_space<semaphore_mem>>
      %dma_start3A = arith.constant 0 : i32
      %dma_start3A_48 = tpu.memref_slice %arg6[%mul3A_42, %dma_start3A] : memref<10000x16xf32, #tpu.memory_space<vmem_shared>> -> memref<625x16xf32, #tpu.memory_space<vmem_shared>>
      %dma_start3A_49 = arith.constant 0 : i32
      %dma_start3A_50 = tpu.memref_slice %arg6[%mul3A_42, %dma_start3A_49] : memref<10000x16xf32, #tpu.memory_space<vmem_shared>> -> memref<625x16xf32, #tpu.memory_space<vmem_shared>>
      tpu.enqueue_dma source(%dma_start3A_50 : memref<625x16xf32, #tpu.memory_space<vmem_shared>>) target(%arg9 : memref<625x16xf32, #tpu.memory_space<vmem>>) target_semaphore(%run_scoped3A : memref<!tpu.dma_semaphore, #tpu.memory_space<semaphore_mem>>)
      %dma_wait3A = arith.constant 0 : i32
      %dma_wait3A_51 = tpu.memref_slice %arg6[%mul3A_42, %dma_wait3A] : memref<10000x16xf32, #tpu.memory_space<vmem_shared>> -> memref<625x16xf32, #tpu.memory_space<vmem_shared>>
      %dma_wait3A_52 = arith.constant 0 : i32
      %dma_wait3A_53 = tpu.memref_slice %arg6[%mul3A_42, %dma_wait3A_52] : memref<10000x16xf32, #tpu.memory_space<vmem_shared>> -> memref<625x16xf32, #tpu.memory_space<vmem_shared>>
      tpu.wait_dma2 semaphore(%run_scoped3A : memref<!tpu.dma_semaphore, #tpu.memory_space<semaphore_mem>>) src(%dma_wait3A_53 : memref<625x16xf32, #tpu.memory_space<vmem_shared>>) dst(%arg9 : memref<625x16xf32, #tpu.memory_space<vmem>>)
      tpu.yield
    }) : () -> ()
    %mul3A_43 = arith.constant 10000 : i32
    %mul3A_44 = arith.muli %arg0, %mul3A_43 : i32
    %mul3A_45 = arith.constant 625 : i32
    %mul3A_46 = arith.muli %arg1, %mul3A_45 : i32
    %add3A_47 = arith.addi %mul3A_44, %mul3A_46 : i32
    "tpu.region"() ({
      %run_scoped3A = tpu.sem_alloc : memref<!tpu.dma_semaphore, #tpu.memory_space<semaphore_mem>>
      %dma_start3A = arith.constant 0 : i32
      %dma_start3A_48 = tpu.memref_slice %arg5[%add3A_47, %dma_start3A] : memref<20000x16xf32, #tpu.memory_space<hbm>> -> memref<625x16xf32, #tpu.memory_space<hbm>>
      %dma_start3A_49 = arith.constant 0 : i32
      %dma_start3A_50 = tpu.memref_slice %arg5[%add3A_47, %dma_start3A_49] : memref<20000x16xf32, #tpu.memory_space<hbm>> -> memref<625x16xf32, #tpu.memory_space<hbm>>
      tpu.enqueue_dma source(%arg9 : memref<625x16xf32, #tpu.memory_space<vmem>>) target(%dma_start3A_50 : memref<625x16xf32, #tpu.memory_space<hbm>>) target_semaphore(%run_scoped3A : memref<!tpu.dma_semaphore, #tpu.memory_space<semaphore_mem>>)
      %dma_wait3A = arith.constant 0 : i32
      %dma_wait3A_51 = tpu.memref_slice %arg5[%add3A_47, %dma_wait3A] : memref<20000x16xf32, #tpu.memory_space<hbm>> -> memref<625x16xf32, #tpu.memory_space<hbm>>
      %dma_wait3A_52 = arith.constant 0 : i32
      %dma_wait3A_53 = tpu.memref_slice %arg5[%add3A_47, %dma_wait3A_52] : memref<20000x16xf32, #tpu.memory_space<hbm>> -> memref<625x16xf32, #tpu.memory_space<hbm>>
      tpu.wait_dma2 semaphore(%run_scoped3A : memref<!tpu.dma_semaphore, #tpu.memory_space<semaphore_mem>>) src(%arg9 : memref<625x16xf32, #tpu.memory_space<vmem>>) dst(%dma_wait3A_53 : memref<625x16xf32, #tpu.memory_space<hbm>>)
      tpu.yield
    }) : () -> ()
    return
  }
}

#map = affine_map<(d0, d1) -> (0, 0)>
#map1 = affine_map<(d0, d1) -> (0, 0, 0)>
module attributes {stable_mosaic.version = 14 : i64} {
  func.func @sc_gather(%arg0: i32, %arg1: i32, %arg2: memref<10000x16xf32, #tpu.memory_space<hbm>>, %arg3: memref<32x125x80xi32, #tpu.memory_space<hbm>>, %arg4: memref<40000x128xf32, #tpu.memory_space<hbm>>, %arg5: memref<125x80xi32, #tpu.memory_space<vmem>>, %arg6: memref<2000x16xf32, #tpu.memory_space<vmem>>, %arg7: memref<!tpu.dma_semaphore, #tpu.memory_space<semaphore_mem>>) attributes {dimension_semantics = [#tpu.dimension_semantics<core_parallel>, #tpu.dimension_semantics<subcore_parallel>], iteration_bounds = array<i64: 2, 16>, scalar_prefetch = 0 : i64, scratch_operands = 3 : i64, tpu.core_type = #tpu.core_type<sc_vector_subcore>, window_params = [{transform_indices = #map}, {transform_indices = #map1}, {transform_indices = #map}]} {
    %mul3A = arith.constant 2 : i32
    %mul3A_0 = arith.muli %arg1, %mul3A : i32
    %add3A = arith.addi %mul3A_0, %arg0 : i32
    %jit3A = arith.constant 4 : i32
    %eq3A = arith.constant 0 : i32
    %eq3A_1 = arith.cmpi eq, %jit3A, %eq3A : i32
    %jit3A_2 = arith.constant 1 : i32
    %select_n3A = arith.select %eq3A_1, %jit3A_2, %jit3A : i32
    %rem3A = arith.remsi %add3A, %select_n3A : i32
    %ne3A = arith.constant 0 : i32
    %ne3A_3 = arith.cmpi ne, %rem3A, %ne3A : i32
    %lt3A = arith.constant 0 : i32
    %lt3A_4 = arith.cmpi slt, %rem3A, %lt3A : i32
    %lt3A_5 = arith.constant 0 : i32
    %lt3A_6 = arith.cmpi slt, %select_n3A, %lt3A_5 : i32
    %ne3A_7 = arith.xori %lt3A_4, %lt3A_6 : i1
    %and3A = arith.andi %ne3A_7, %ne3A_3 : i1
    %add3A_8 = arith.addi %rem3A, %select_n3A : i32
    %select_n3A_9 = arith.select %and3A, %add3A_8, %rem3A : i32
    %mul3A_10 = arith.constant 10000 : i32
    %mul3A_11 = arith.muli %select_n3A_9, %mul3A_10 : i32
    %jit3A_12 = arith.constant 4 : i32
    %div3A = arith.divsi %add3A, %jit3A_12 : i32
    %sign3A = arith.constant 0 : i32
    %sign3A_13 = arith.cmpi sgt, %add3A, %sign3A : i32
    %sign3A_14 = arith.extui %sign3A_13 : i1 to i32
    %sign3A_15 = arith.constant 0 : i32
    %sign3A_16 = arith.cmpi slt, %add3A, %sign3A_15 : i32
    %sign3A_17 = arith.extui %sign3A_16 : i1 to i32
    %sign3A_18 = arith.subi %sign3A_14, %sign3A_17 : i32
    %sign3A_19 = arith.constant 0 : i32
    %sign3A_20 = arith.cmpi sgt, %jit3A_12, %sign3A_19 : i32
    %sign3A_21 = arith.extui %sign3A_20 : i1 to i32
    %sign3A_22 = arith.constant 0 : i32
    %sign3A_23 = arith.cmpi slt, %jit3A_12, %sign3A_22 : i32
    %sign3A_24 = arith.extui %sign3A_23 : i1 to i32
    %sign3A_25 = arith.subi %sign3A_21, %sign3A_24 : i32
    %ne3A_26 = arith.cmpi ne, %sign3A_18, %sign3A_25 : i32
    %rem3A_27 = arith.remsi %add3A, %jit3A_12 : i32
    %ne3A_28 = arith.constant 0 : i32
    %ne3A_29 = arith.cmpi ne, %rem3A_27, %ne3A_28 : i32
    %and3A_30 = arith.andi %ne3A_26, %ne3A_29 : i1
    %sub3A = arith.constant 1 : i32
    %sub3A_31 = arith.subi %div3A, %sub3A : i32
    %select_n3A_32 = arith.select %and3A_30, %sub3A_31, %div3A : i32
    "tpu.region"() ({
      %run_scoped3A = tpu.sem_alloc : memref<!tpu.dma_semaphore, #tpu.memory_space<semaphore_mem>>
      %dma_start3A = arith.constant 0 : i32
      %dma_start3A_38 = arith.constant 0 : i32
      %dma_start3A_39 = tpu.memref_slice %arg3[%add3A, %dma_start3A, %dma_start3A_38] : memref<32x125x80xi32, #tpu.memory_space<hbm>> -> memref<1x125x80xi32, #tpu.memory_space<hbm>>
      %dma_start3A_40 = tpu.memref_squeeze %dma_start3A_39 : memref<1x125x80xi32, #tpu.memory_space<hbm>> -> memref<125x80xi32, #tpu.memory_space<hbm>>
      %dma_start3A_41 = arith.constant 0 : i32
      %dma_start3A_42 = arith.constant 0 : i32
      %dma_start3A_43 = tpu.memref_slice %arg3[%add3A, %dma_start3A_41, %dma_start3A_42] : memref<32x125x80xi32, #tpu.memory_space<hbm>> -> memref<1x125x80xi32, #tpu.memory_space<hbm>>
      %dma_start3A_44 = tpu.memref_squeeze %dma_start3A_43 : memref<1x125x80xi32, #tpu.memory_space<hbm>> -> memref<125x80xi32, #tpu.memory_space<hbm>>
      tpu.enqueue_dma source(%dma_start3A_44 : memref<125x80xi32, #tpu.memory_space<hbm>>) target(%arg5 : memref<125x80xi32, #tpu.memory_space<vmem>>) target_semaphore(%run_scoped3A : memref<!tpu.dma_semaphore, #tpu.memory_space<semaphore_mem>>)
      %dma_wait3A = arith.constant 0 : i32
      %dma_wait3A_45 = arith.constant 0 : i32
      %dma_wait3A_46 = tpu.memref_slice %arg3[%add3A, %dma_wait3A, %dma_wait3A_45] : memref<32x125x80xi32, #tpu.memory_space<hbm>> -> memref<1x125x80xi32, #tpu.memory_space<hbm>>
      %dma_wait3A_47 = tpu.memref_squeeze %dma_wait3A_46 : memref<1x125x80xi32, #tpu.memory_space<hbm>> -> memref<125x80xi32, #tpu.memory_space<hbm>>
      %dma_wait3A_48 = arith.constant 0 : i32
      %dma_wait3A_49 = arith.constant 0 : i32
      %dma_wait3A_50 = tpu.memref_slice %arg3[%add3A, %dma_wait3A_48, %dma_wait3A_49] : memref<32x125x80xi32, #tpu.memory_space<hbm>> -> memref<1x125x80xi32, #tpu.memory_space<hbm>>
      %dma_wait3A_51 = tpu.memref_squeeze %dma_wait3A_50 : memref<1x125x80xi32, #tpu.memory_space<hbm>> -> memref<125x80xi32, #tpu.memory_space<hbm>>
      tpu.wait_dma2 semaphore(%run_scoped3A : memref<!tpu.dma_semaphore, #tpu.memory_space<semaphore_mem>>) src(%dma_wait3A_51 : memref<125x80xi32, #tpu.memory_space<hbm>>) dst(%arg5 : memref<125x80xi32, #tpu.memory_space<vmem>>)
      tpu.yield
    }) : () -> ()
    %scan3A = arith.constant 0 : i32
    %scan3A_33 = arith.constant 0 : i32
    %scan3A_34 = arith.constant 5 : i32
    %scan3A_35 = arith.addi %scan3A_33, %scan3A_34 : i32
    %scan3A_36 = arith.constant 1 : i32
    scf.for %scan3A_38 = %scan3A_33 to %scan3A_35 step %scan3A_36  : i32 {
      %scan3A_39 = arith.constant 0 : i32
      %scan3A_40 = arith.constant 0 : i32
      %scan3A_41 = arith.constant 25 : i32
      %scan3A_42 = arith.addi %scan3A_40, %scan3A_41 : i32
      %scan3A_43 = arith.constant 1 : i32
      scf.for %scan3A_56 = %scan3A_40 to %scan3A_42 step %scan3A_43  : i32 {
        %mul3A_57 = arith.constant 25 : i32
        %mul3A_58 = arith.muli %scan3A_38, %mul3A_57 : i32
        %add3A_59 = arith.addi %mul3A_58, %scan3A_56 : i32
        %mul3A_60 = arith.constant 80 : i32
        %mul3A_61 = arith.muli %scan3A_56, %mul3A_60 : i32
        %dma_start3A = arith.constant 0 : i32
        %dma_start3A_62 = tpu.memref_slice %arg6[%mul3A_61, %dma_start3A] : memref<2000x16xf32, #tpu.memory_space<vmem>> -> memref<80x16xf32, #tpu.memory_space<vmem>>
        %dma_start3A_63 = arith.constant 0 : i32
        %dma_start3A_64 = tpu.memref_slice %arg5[%add3A_59, %dma_start3A_63] : memref<125x80xi32, #tpu.memory_space<vmem>> -> memref<1x80xi32, #tpu.memory_space<vmem>>
        %dma_start3A_65 = tpu.memref_squeeze %dma_start3A_64 : memref<1x80xi32, #tpu.memory_space<vmem>> -> memref<80xi32, #tpu.memory_space<vmem>>
        %dma_start3A_66 = arith.constant 0 : i32
        %dma_start3A_67 = arith.constant 0 : i32
        %dma_start3A_68 = tpu.memref_slice %arg2[%dma_start3A_66, %dma_start3A_67] : memref<10000x16xf32, #tpu.memory_space<hbm>> -> memref<10000x16xf32, #tpu.memory_space<hbm>>
        tpu.enqueue_indirect_dma source(%dma_start3A_68 : memref<10000x16xf32, #tpu.memory_space<hbm>>) target(%dma_start3A_62 : memref<80x16xf32, #tpu.memory_space<vmem>>) offsets(%dma_start3A_65 : memref<80xi32, #tpu.memory_space<vmem>>) semaphore(%arg7 : memref<!tpu.dma_semaphore, #tpu.memory_space<semaphore_mem>>)
      }
      %scan3A_44 = arith.constant 25 : i32
      %scan3A_45 = arith.constant 0 : i32
      %scan3A_46 = arith.constant 0 : i32
      %scan3A_47 = arith.constant 25 : i32
      %scan3A_48 = arith.addi %scan3A_46, %scan3A_47 : i32
      %scan3A_49 = arith.constant 1 : i32
      scf.for %scan3A_56 = %scan3A_46 to %scan3A_48 step %scan3A_49  : i32 {
        %mul3A_57 = arith.constant 25 : i32
        %mul3A_58 = arith.muli %scan3A_38, %mul3A_57 : i32
        %add3A_59 = arith.addi %mul3A_58, %scan3A_56 : i32
        %mul3A_60 = arith.constant 80 : i32
        %mul3A_61 = arith.muli %scan3A_56, %mul3A_60 : i32
        %dma_wait3A = arith.constant 0 : i32
        %dma_wait3A_62 = tpu.memref_slice %arg6[%mul3A_61, %dma_wait3A] : memref<2000x16xf32, #tpu.memory_space<vmem>> -> memref<80x16xf32, #tpu.memory_space<vmem>>
        %dma_wait3A_63 = arith.constant 0 : i32
        %dma_wait3A_64 = tpu.memref_slice %arg5[%add3A_59, %dma_wait3A_63] : memref<125x80xi32, #tpu.memory_space<vmem>> -> memref<1x80xi32, #tpu.memory_space<vmem>>
        %dma_wait3A_65 = tpu.memref_squeeze %dma_wait3A_64 : memref<1x80xi32, #tpu.memory_space<vmem>> -> memref<80xi32, #tpu.memory_space<vmem>>
        %dma_wait3A_66 = arith.constant 0 : i32
        %dma_wait3A_67 = arith.constant 0 : i32
        %dma_wait3A_68 = tpu.memref_slice %arg2[%dma_wait3A_66, %dma_wait3A_67] : memref<10000x16xf32, #tpu.memory_space<hbm>> -> memref<10000x16xf32, #tpu.memory_space<hbm>>
        tpu.wait_indirect_dma semaphore(%arg7 : memref<!tpu.dma_semaphore, #tpu.memory_space<semaphore_mem>>) src(%dma_wait3A_68 : memref<10000x16xf32, #tpu.memory_space<hbm>>) dst(%dma_wait3A_62 : memref<80x16xf32, #tpu.memory_space<vmem>>)
      }
      %scan3A_50 = arith.constant 25 : i32
      %mul3A_51 = arith.constant 2000 : i32
      %mul3A_52 = arith.muli %scan3A_38, %mul3A_51 : i32
      %add3A_53 = arith.addi %mul3A_11, %mul3A_52 : i32
      %mul3A_54 = arith.constant 16 : i32
      %mul3A_55 = arith.muli %select_n3A_32, %mul3A_54 : i32
      "tpu.region"() ({
        %run_scoped3A = tpu.sem_alloc : memref<!tpu.dma_semaphore, #tpu.memory_space<semaphore_mem>>
        %dma_start3A = tpu.memref_slice %arg4[%add3A_53, %mul3A_55] : memref<40000x128xf32, #tpu.memory_space<hbm>> -> memref<2000x16xf32, #tpu.memory_space<hbm>>
        %dma_start3A_56 = tpu.memref_slice %arg4[%add3A_53, %mul3A_55] : memref<40000x128xf32, #tpu.memory_space<hbm>> -> memref<2000x16xf32, #tpu.memory_space<hbm>>
        tpu.enqueue_dma source(%arg6 : memref<2000x16xf32, #tpu.memory_space<vmem>>) target(%dma_start3A_56 : memref<2000x16xf32, #tpu.memory_space<hbm>>) target_semaphore(%run_scoped3A : memref<!tpu.dma_semaphore, #tpu.memory_space<semaphore_mem>>)
        %dma_wait3A = tpu.memref_slice %arg4[%add3A_53, %mul3A_55] : memref<40000x128xf32, #tpu.memory_space<hbm>> -> memref<2000x16xf32, #tpu.memory_space<hbm>>
        %dma_wait3A_57 = tpu.memref_slice %arg4[%add3A_53, %mul3A_55] : memref<40000x128xf32, #tpu.memory_space<hbm>> -> memref<2000x16xf32, #tpu.memory_space<hbm>>
        tpu.wait_dma2 semaphore(%run_scoped3A : memref<!tpu.dma_semaphore, #tpu.memory_space<semaphore_mem>>) src(%arg6 : memref<2000x16xf32, #tpu.memory_space<vmem>>) dst(%dma_wait3A_57 : memref<2000x16xf32, #tpu.memory_space<hbm>>)
        tpu.yield
      }) : () -> ()
    }
    %scan3A_37 = arith.constant 5 : i32
    return
  }
}

#map = affine_map<(d0, d1) -> (0, 0)>
#map1 = affine_map<(d0, d1) -> (0, 0, 0)>
module attributes {stable_mosaic.version = 14 : i64} {
  func.func @sc_gather(%arg0: i32, %arg1: i32, %arg2: memref<10000x16xf32, #tpu.memory_space<hbm>>, %arg3: memref<32x125x80xi32, #tpu.memory_space<hbm>>, %arg4: memref<40000x128xf32, #tpu.memory_space<hbm>>, %arg5: memref<125x80xi32, #tpu.memory_space<vmem>>, %arg6: memref<2000x16xf32, #tpu.memory_space<vmem>>, %arg7: memref<!tpu.dma_semaphore, #tpu.memory_space<semaphore_mem>>) attributes {dimension_semantics = [#tpu.dimension_semantics<core_parallel>, #tpu.dimension_semantics<subcore_parallel>], iteration_bounds = array<i64: 2, 16>, scalar_prefetch = 0 : i64, scratch_operands = 3 : i64, tpu.core_type = #tpu.core_type<sc_vector_subcore>, window_params = [{transform_indices = #map}, {transform_indices = #map1}, {transform_indices = #map}]} {
    %mul3A = arith.constant 2 : i32
    %mul3A_0 = arith.muli %arg1, %mul3A : i32
    %add3A = arith.addi %mul3A_0, %arg0 : i32
    %jit3A = arith.constant 4 : i32
    %eq3A = arith.constant 0 : i32
    %eq3A_1 = arith.cmpi eq, %jit3A, %eq3A : i32
    %jit3A_2 = arith.constant 1 : i32
    %select_n3A = arith.select %eq3A_1, %jit3A_2, %jit3A : i32
    %rem3A = arith.remsi %add3A, %select_n3A : i32
    %ne3A = arith.constant 0 : i32
    %ne3A_3 = arith.cmpi ne, %rem3A, %ne3A : i32
    %lt3A = arith.constant 0 : i32
    %lt3A_4 = arith.cmpi slt, %rem3A, %lt3A : i32
    %lt3A_5 = arith.constant 0 : i32
    %lt3A_6 = arith.cmpi slt, %select_n3A, %lt3A_5 : i32
    %ne3A_7 = arith.xori %lt3A_4, %lt3A_6 : i1
    %and3A = arith.andi %ne3A_7, %ne3A_3 : i1
    %add3A_8 = arith.addi %rem3A, %select_n3A : i32
    %select_n3A_9 = arith.select %and3A, %add3A_8, %rem3A : i32
    %mul3A_10 = arith.constant 10000 : i32
    %mul3A_11 = arith.muli %select_n3A_9, %mul3A_10 : i32
    %jit3A_12 = arith.constant 4 : i32
    %div3A = arith.divsi %add3A, %jit3A_12 : i32
    %sign3A = arith.constant 0 : i32
    %sign3A_13 = arith.cmpi sgt, %add3A, %sign3A : i32
    %sign3A_14 = arith.extui %sign3A_13 : i1 to i32
    %sign3A_15 = arith.constant 0 : i32
    %sign3A_16 = arith.cmpi slt, %add3A, %sign3A_15 : i32
    %sign3A_17 = arith.extui %sign3A_16 : i1 to i32
    %sign3A_18 = arith.subi %sign3A_14, %sign3A_17 : i32
    %sign3A_19 = arith.constant 0 : i32
    %sign3A_20 = arith.cmpi sgt, %jit3A_12, %sign3A_19 : i32
    %sign3A_21 = arith.extui %sign3A_20 : i1 to i32
    %sign3A_22 = arith.constant 0 : i32
    %sign3A_23 = arith.cmpi slt, %jit3A_12, %sign3A_22 : i32
    %sign3A_24 = arith.extui %sign3A_23 : i1 to i32
    %sign3A_25 = arith.subi %sign3A_21, %sign3A_24 : i32
    %ne3A_26 = arith.cmpi ne, %sign3A_18, %sign3A_25 : i32
    %rem3A_27 = arith.remsi %add3A, %jit3A_12 : i32
    %ne3A_28 = arith.constant 0 : i32
    %ne3A_29 = arith.cmpi ne, %rem3A_27, %ne3A_28 : i32
    %and3A_30 = arith.andi %ne3A_26, %ne3A_29 : i1
    %sub3A = arith.constant 1 : i32
    %sub3A_31 = arith.subi %div3A, %sub3A : i32
    %select_n3A_32 = arith.select %and3A_30, %sub3A_31, %div3A : i32
    "tpu.region"() ({
      %run_scoped3A = tpu.sem_alloc : memref<!tpu.dma_semaphore, #tpu.memory_space<semaphore_mem>>
      %dma_start3A = arith.constant 0 : i32
      %dma_start3A_38 = arith.constant 0 : i32
      %dma_start3A_39 = tpu.memref_slice %arg3[%add3A, %dma_start3A, %dma_start3A_38] : memref<32x125x80xi32, #tpu.memory_space<hbm>> -> memref<1x125x80xi32, #tpu.memory_space<hbm>>
      %dma_start3A_40 = tpu.memref_squeeze %dma_start3A_39 : memref<1x125x80xi32, #tpu.memory_space<hbm>> -> memref<125x80xi32, #tpu.memory_space<hbm>>
      %dma_start3A_41 = arith.constant 0 : i32
      %dma_start3A_42 = arith.constant 0 : i32
      %dma_start3A_43 = tpu.memref_slice %arg3[%add3A, %dma_start3A_41, %dma_start3A_42] : memref<32x125x80xi32, #tpu.memory_space<hbm>> -> memref<1x125x80xi32, #tpu.memory_space<hbm>>
      %dma_start3A_44 = tpu.memref_squeeze %dma_start3A_43 : memref<1x125x80xi32, #tpu.memory_space<hbm>> -> memref<125x80xi32, #tpu.memory_space<hbm>>
      tpu.enqueue_dma source(%dma_start3A_44 : memref<125x80xi32, #tpu.memory_space<hbm>>) target(%arg5 : memref<125x80xi32, #tpu.memory_space<vmem>>) target_semaphore(%run_scoped3A : memref<!tpu.dma_semaphore, #tpu.memory_space<semaphore_mem>>)
      %dma_wait3A = arith.constant 0 : i32
      %dma_wait3A_45 = arith.constant 0 : i32
      %dma_wait3A_46 = tpu.memref_slice %arg3[%add3A, %dma_wait3A, %dma_wait3A_45] : memref<32x125x80xi32, #tpu.memory_space<hbm>> -> memref<1x125x80xi32, #tpu.memory_space<hbm>>
      %dma_wait3A_47 = tpu.memref_squeeze %dma_wait3A_46 : memref<1x125x80xi32, #tpu.memory_space<hbm>> -> memref<125x80xi32, #tpu.memory_space<hbm>>
      %dma_wait3A_48 = arith.constant 0 : i32
      %dma_wait3A_49 = arith.constant 0 : i32
      %dma_wait3A_50 = tpu.memref_slice %arg3[%add3A, %dma_wait3A_48, %dma_wait3A_49] : memref<32x125x80xi32, #tpu.memory_space<hbm>> -> memref<1x125x80xi32, #tpu.memory_space<hbm>>
      %dma_wait3A_51 = tpu.memref_squeeze %dma_wait3A_50 : memref<1x125x80xi32, #tpu.memory_space<hbm>> -> memref<125x80xi32, #tpu.memory_space<hbm>>
      tpu.wait_dma2 semaphore(%run_scoped3A : memref<!tpu.dma_semaphore, #tpu.memory_space<semaphore_mem>>) src(%dma_wait3A_51 : memref<125x80xi32, #tpu.memory_space<hbm>>) dst(%arg5 : memref<125x80xi32, #tpu.memory_space<vmem>>)
      tpu.yield
    }) : () -> ()
    %scan3A = arith.constant 0 : i32
    %scan3A_33 = arith.constant 0 : i32
    %scan3A_34 = arith.constant 5 : i32
    %scan3A_35 = arith.addi %scan3A_33, %scan3A_34 : i32
    %scan3A_36 = arith.constant 1 : i32
    scf.for %scan3A_38 = %scan3A_33 to %scan3A_35 step %scan3A_36  : i32 {
      %scan3A_39 = arith.constant 0 : i32
      %scan3A_40 = arith.constant 0 : i32
      %scan3A_41 = arith.constant 25 : i32
      %scan3A_42 = arith.addi %scan3A_40, %scan3A_41 : i32
      %scan3A_43 = arith.constant 1 : i32
      scf.for %scan3A_56 = %scan3A_40 to %scan3A_42 step %scan3A_43  : i32 {
        %mul3A_57 = arith.constant 25 : i32
        %mul3A_58 = arith.muli %scan3A_38, %mul3A_57 : i32
        %add3A_59 = arith.addi %mul3A_58, %scan3A_56 : i32
        %mul3A_60 = arith.constant 80 : i32
        %mul3A_61 = arith.muli %scan3A_56, %mul3A_60 : i32
        %dma_start3A = arith.constant 0 : i32
        %dma_start3A_62 = tpu.memref_slice %arg6[%mul3A_61, %dma_start3A] : memref<2000x16xf32, #tpu.memory_space<vmem>> -> memref<80x16xf32, #tpu.memory_space<vmem>>
        %dma_start3A_63 = arith.constant 0 : i32
        %dma_start3A_64 = tpu.memref_slice %arg5[%add3A_59, %dma_start3A_63] : memref<125x80xi32, #tpu.memory_space<vmem>> -> memref<1x80xi32, #tpu.memory_space<vmem>>
        %dma_start3A_65 = tpu.memref_squeeze %dma_start3A_64 : memref<1x80xi32, #tpu.memory_space<vmem>> -> memref<80xi32, #tpu.memory_space<vmem>>
        %dma_start3A_66 = arith.constant 0 : i32
        %dma_start3A_67 = arith.constant 0 : i32
        %dma_start3A_68 = tpu.memref_slice %arg2[%dma_start3A_66, %dma_start3A_67] : memref<10000x16xf32, #tpu.memory_space<hbm>> -> memref<10000x16xf32, #tpu.memory_space<hbm>>
        tpu.enqueue_indirect_dma source(%dma_start3A_68 : memref<10000x16xf32, #tpu.memory_space<hbm>>) target(%dma_start3A_62 : memref<80x16xf32, #tpu.memory_space<vmem>>) offsets(%dma_start3A_65 : memref<80xi32, #tpu.memory_space<vmem>>) semaphore(%arg7 : memref<!tpu.dma_semaphore, #tpu.memory_space<semaphore_mem>>)
      }
      %scan3A_44 = arith.constant 25 : i32
      %scan3A_45 = arith.constant 0 : i32
      %scan3A_46 = arith.constant 0 : i32
      %scan3A_47 = arith.constant 25 : i32
      %scan3A_48 = arith.addi %scan3A_46, %scan3A_47 : i32
      %scan3A_49 = arith.constant 1 : i32
      scf.for %scan3A_56 = %scan3A_46 to %scan3A_48 step %scan3A_49  : i32 {
        %mul3A_57 = arith.constant 25 : i32
        %mul3A_58 = arith.muli %scan3A_38, %mul3A_57 : i32
        %add3A_59 = arith.addi %mul3A_58, %scan3A_56 : i32
        %mul3A_60 = arith.constant 80 : i32
        %mul3A_61 = arith.muli %scan3A_56, %mul3A_60 : i32
        %dma_wait3A = arith.constant 0 : i32
        %dma_wait3A_62 = tpu.memref_slice %arg6[%mul3A_61, %dma_wait3A] : memref<2000x16xf32, #tpu.memory_space<vmem>> -> memref<80x16xf32, #tpu.memory_space<vmem>>
        %dma_wait3A_63 = arith.constant 0 : i32
        %dma_wait3A_64 = tpu.memref_slice %arg5[%add3A_59, %dma_wait3A_63] : memref<125x80xi32, #tpu.memory_space<vmem>> -> memref<1x80xi32, #tpu.memory_space<vmem>>
        %dma_wait3A_65 = tpu.memref_squeeze %dma_wait3A_64 : memref<1x80xi32, #tpu.memory_space<vmem>> -> memref<80xi32, #tpu.memory_space<vmem>>
        %dma_wait3A_66 = arith.constant 0 : i32
        %dma_wait3A_67 = arith.constant 0 : i32
        %dma_wait3A_68 = tpu.memref_slice %arg2[%dma_wait3A_66, %dma_wait3A_67] : memref<10000x16xf32, #tpu.memory_space<hbm>> -> memref<10000x16xf32, #tpu.memory_space<hbm>>
        tpu.wait_indirect_dma semaphore(%arg7 : memref<!tpu.dma_semaphore, #tpu.memory_space<semaphore_mem>>) src(%dma_wait3A_68 : memref<10000x16xf32, #tpu.memory_space<hbm>>) dst(%dma_wait3A_62 : memref<80x16xf32, #tpu.memory_space<vmem>>)
      }
      %scan3A_50 = arith.constant 25 : i32
      %mul3A_51 = arith.constant 2000 : i32
      %mul3A_52 = arith.muli %scan3A_38, %mul3A_51 : i32
      %add3A_53 = arith.addi %mul3A_11, %mul3A_52 : i32
      %mul3A_54 = arith.constant 16 : i32
      %mul3A_55 = arith.muli %select_n3A_32, %mul3A_54 : i32
      "tpu.region"() ({
        %run_scoped3A = tpu.sem_alloc : memref<!tpu.dma_semaphore, #tpu.memory_space<semaphore_mem>>
        %dma_start3A = tpu.memref_slice %arg4[%add3A_53, %mul3A_55] : memref<40000x128xf32, #tpu.memory_space<hbm>> -> memref<2000x16xf32, #tpu.memory_space<hbm>>
        %dma_start3A_56 = tpu.memref_slice %arg4[%add3A_53, %mul3A_55] : memref<40000x128xf32, #tpu.memory_space<hbm>> -> memref<2000x16xf32, #tpu.memory_space<hbm>>
        tpu.enqueue_dma source(%arg6 : memref<2000x16xf32, #tpu.memory_space<vmem>>) target(%dma_start3A_56 : memref<2000x16xf32, #tpu.memory_space<hbm>>) target_semaphore(%run_scoped3A : memref<!tpu.dma_semaphore, #tpu.memory_space<semaphore_mem>>)
        %dma_wait3A = tpu.memref_slice %arg4[%add3A_53, %mul3A_55] : memref<40000x128xf32, #tpu.memory_space<hbm>> -> memref<2000x16xf32, #tpu.memory_space<hbm>>
        %dma_wait3A_57 = tpu.memref_slice %arg4[%add3A_53, %mul3A_55] : memref<40000x128xf32, #tpu.memory_space<hbm>> -> memref<2000x16xf32, #tpu.memory_space<hbm>>
        tpu.wait_dma2 semaphore(%run_scoped3A : memref<!tpu.dma_semaphore, #tpu.memory_space<semaphore_mem>>) src(%arg6 : memref<2000x16xf32, #tpu.memory_space<vmem>>) dst(%dma_wait3A_57 : memref<2000x16xf32, #tpu.memory_space<hbm>>)
        tpu.yield
      }) : () -> ()
    }
    %scan3A_37 = arith.constant 5 : i32
    return
  }
}

#map = affine_map<(d0, d1) -> (0, 0)>
#map1 = affine_map<(d0, d1) -> (0, 0, 0)>
module attributes {stable_mosaic.version = 14 : i64} {
  func.func @sc_scatter(%arg0: i32, %arg1: i32, %arg2: memref<40000x128xf32, #tpu.memory_space<hbm>>, %arg3: memref<32x125x80xi32, #tpu.memory_space<hbm>>, %arg4: memref<625x16xf32, #tpu.memory_space<hbm>>, %arg5: memref<20000x16xf32, #tpu.memory_space<hbm>>, %arg6: memref<10000x16xf32, #tpu.memory_space<vmem_shared>>, %arg7: memref<125x80xi32, #tpu.memory_space<vmem>>, %arg8: memref<2000x16xf32, #tpu.memory_space<vmem>>, %arg9: memref<625x16xf32, #tpu.memory_space<vmem>>, %arg10: memref<!tpu.dma_semaphore, #tpu.memory_space<semaphore_mem>>) attributes {dimension_semantics = [#tpu.dimension_semantics<core_parallel>, #tpu.dimension_semantics<subcore_parallel>], iteration_bounds = array<i64: 2, 16>, scalar_prefetch = 0 : i64, scratch_operands = 5 : i64, tpu.core_type = #tpu.core_type<sc_vector_subcore>, window_params = [{transform_indices = #map}, {transform_indices = #map1}, {transform_indices = #map}, {transform_indices = #map}]} {
    %mul3A = arith.constant 2 : i32
    %mul3A_0 = arith.muli %arg1, %mul3A : i32
    %add3A = arith.addi %mul3A_0, %arg0 : i32
    %jit3A = arith.constant 4 : i32
    %eq3A = arith.constant 0 : i32
    %eq3A_1 = arith.cmpi eq, %jit3A, %eq3A : i32
    %jit3A_2 = arith.constant 1 : i32
    %select_n3A = arith.select %eq3A_1, %jit3A_2, %jit3A : i32
    %rem3A = arith.remsi %add3A, %select_n3A : i32
    %ne3A = arith.constant 0 : i32
    %ne3A_3 = arith.cmpi ne, %rem3A, %ne3A : i32
    %lt3A = arith.constant 0 : i32
    %lt3A_4 = arith.cmpi slt, %rem3A, %lt3A : i32
    %lt3A_5 = arith.constant 0 : i32
    %lt3A_6 = arith.cmpi slt, %select_n3A, %lt3A_5 : i32
    %ne3A_7 = arith.xori %lt3A_4, %lt3A_6 : i1
    %and3A = arith.andi %ne3A_7, %ne3A_3 : i1
    %add3A_8 = arith.addi %rem3A, %select_n3A : i32
    %select_n3A_9 = arith.select %and3A, %add3A_8, %rem3A : i32
    %mul3A_10 = arith.constant 10000 : i32
    %mul3A_11 = arith.muli %select_n3A_9, %mul3A_10 : i32
    %jit3A_12 = arith.constant 4 : i32
    %div3A = arith.divsi %add3A, %jit3A_12 : i32
    %sign3A = arith.constant 0 : i32
    %sign3A_13 = arith.cmpi sgt, %add3A, %sign3A : i32
    %sign3A_14 = arith.extui %sign3A_13 : i1 to i32
    %sign3A_15 = arith.constant 0 : i32
    %sign3A_16 = arith.cmpi slt, %add3A, %sign3A_15 : i32
    %sign3A_17 = arith.extui %sign3A_16 : i1 to i32
    %sign3A_18 = arith.subi %sign3A_14, %sign3A_17 : i32
    %sign3A_19 = arith.constant 0 : i32
    %sign3A_20 = arith.cmpi sgt, %jit3A_12, %sign3A_19 : i32
    %sign3A_21 = arith.extui %sign3A_20 : i1 to i32
    %sign3A_22 = arith.constant 0 : i32
    %sign3A_23 = arith.cmpi slt, %jit3A_12, %sign3A_22 : i32
    %sign3A_24 = arith.extui %sign3A_23 : i1 to i32
    %sign3A_25 = arith.subi %sign3A_21, %sign3A_24 : i32
    %ne3A_26 = arith.cmpi ne, %sign3A_18, %sign3A_25 : i32
    %rem3A_27 = arith.remsi %add3A, %jit3A_12 : i32
    %ne3A_28 = arith.constant 0 : i32
    %ne3A_29 = arith.cmpi ne, %rem3A_27, %ne3A_28 : i32
    %and3A_30 = arith.andi %ne3A_26, %ne3A_29 : i1
    %sub3A = arith.constant 1 : i32
    %sub3A_31 = arith.subi %div3A, %sub3A : i32
    %select_n3A_32 = arith.select %and3A_30, %sub3A_31, %div3A : i32
    "tpu.region"() ({
      %run_scoped3A = tpu.sem_alloc : memref<!tpu.dma_semaphore, #tpu.memory_space<semaphore_mem>>
      tpu.enqueue_dma source(%arg4 : memref<625x16xf32, #tpu.memory_space<hbm>>) target(%arg9 : memref<625x16xf32, #tpu.memory_space<vmem>>) target_semaphore(%run_scoped3A : memref<!tpu.dma_semaphore, #tpu.memory_space<semaphore_mem>>)
      tpu.wait_dma2 semaphore(%run_scoped3A : memref<!tpu.dma_semaphore, #tpu.memory_space<semaphore_mem>>) src(%arg4 : memref<625x16xf32, #tpu.memory_space<hbm>>) dst(%arg9 : memref<625x16xf32, #tpu.memory_space<vmem>>)
      tpu.yield
    }) : () -> ()
    %mul3A_33 = arith.constant 625 : i32
    %mul3A_34 = arith.muli %arg1, %mul3A_33 : i32
    "tpu.region"() ({
      %run_scoped3A = tpu.sem_alloc : memref<!tpu.dma_semaphore, #tpu.memory_space<semaphore_mem>>
      %dma_start3A = arith.constant 0 : i32
      %dma_start3A_48 = tpu.memref_slice %arg6[%mul3A_34, %dma_start3A] : memref<10000x16xf32, #tpu.memory_space<vmem_shared>> -> memref<625x16xf32, #tpu.memory_space<vmem_shared>>
      %dma_start3A_49 = arith.constant 0 : i32
      %dma_start3A_50 = tpu.memref_slice %arg6[%mul3A_34, %dma_start3A_49] : memref<10000x16xf32, #tpu.memory_space<vmem_shared>> -> memref<625x16xf32, #tpu.memory_space<vmem_shared>>
      tpu.enqueue_dma source(%arg9 : memref<625x16xf32, #tpu.memory_space<vmem>>) target(%dma_start3A_50 : memref<625x16xf32, #tpu.memory_space<vmem_shared>>) target_semaphore(%run_scoped3A : memref<!tpu.dma_semaphore, #tpu.memory_space<semaphore_mem>>)
      %dma_wait3A = arith.constant 0 : i32
      %dma_wait3A_51 = tpu.memref_slice %arg6[%mul3A_34, %dma_wait3A] : memref<10000x16xf32, #tpu.memory_space<vmem_shared>> -> memref<625x16xf32, #tpu.memory_space<vmem_shared>>
      %dma_wait3A_52 = arith.constant 0 : i32
      %dma_wait3A_53 = tpu.memref_slice %arg6[%mul3A_34, %dma_wait3A_52] : memref<10000x16xf32, #tpu.memory_space<vmem_shared>> -> memref<625x16xf32, #tpu.memory_space<vmem_shared>>
      tpu.wait_dma2 semaphore(%run_scoped3A : memref<!tpu.dma_semaphore, #tpu.memory_space<semaphore_mem>>) src(%arg9 : memref<625x16xf32, #tpu.memory_space<vmem>>) dst(%dma_wait3A_53 : memref<625x16xf32, #tpu.memory_space<vmem_shared>>)
      tpu.yield
    }) : () -> ()
    %barrier3A = arith.constant 0 : index
    tpu.barrier barrier_id(%barrier3A)
    "tpu.region"() ({
      %run_scoped3A = tpu.sem_alloc : memref<!tpu.dma_semaphore, #tpu.memory_space<semaphore_mem>>
      %dma_start3A = arith.constant 0 : i32
      %dma_start3A_48 = arith.constant 0 : i32
      %dma_start3A_49 = tpu.memref_slice %arg3[%add3A, %dma_start3A, %dma_start3A_48] : memref<32x125x80xi32, #tpu.memory_space<hbm>> -> memref<1x125x80xi32, #tpu.memory_space<hbm>>
      %dma_start3A_50 = tpu.memref_squeeze %dma_start3A_49 : memref<1x125x80xi32, #tpu.memory_space<hbm>> -> memref<125x80xi32, #tpu.memory_space<hbm>>
      %dma_start3A_51 = arith.constant 0 : i32
      %dma_start3A_52 = arith.constant 0 : i32
      %dma_start3A_53 = tpu.memref_slice %arg3[%add3A, %dma_start3A_51, %dma_start3A_52] : memref<32x125x80xi32, #tpu.memory_space<hbm>> -> memref<1x125x80xi32, #tpu.memory_space<hbm>>
      %dma_start3A_54 = tpu.memref_squeeze %dma_start3A_53 : memref<1x125x80xi32, #tpu.memory_space<hbm>> -> memref<125x80xi32, #tpu.memory_space<hbm>>
      tpu.enqueue_dma source(%dma_start3A_54 : memref<125x80xi32, #tpu.memory_space<hbm>>) target(%arg7 : memref<125x80xi32, #tpu.memory_space<vmem>>) target_semaphore(%run_scoped3A : memref<!tpu.dma_semaphore, #tpu.memory_space<semaphore_mem>>)
      %dma_wait3A = arith.constant 0 : i32
      %dma_wait3A_55 = arith.constant 0 : i32
      %dma_wait3A_56 = tpu.memref_slice %arg3[%add3A, %dma_wait3A, %dma_wait3A_55] : memref<32x125x80xi32, #tpu.memory_space<hbm>> -> memref<1x125x80xi32, #tpu.memory_space<hbm>>
      %dma_wait3A_57 = tpu.memref_squeeze %dma_wait3A_56 : memref<1x125x80xi32, #tpu.memory_space<hbm>> -> memref<125x80xi32, #tpu.memory_space<hbm>>
      %dma_wait3A_58 = arith.constant 0 : i32
      %dma_wait3A_59 = arith.constant 0 : i32
      %dma_wait3A_60 = tpu.memref_slice %arg3[%add3A, %dma_wait3A_58, %dma_wait3A_59] : memref<32x125x80xi32, #tpu.memory_space<hbm>> -> memref<1x125x80xi32, #tpu.memory_space<hbm>>
      %dma_wait3A_61 = tpu.memref_squeeze %dma_wait3A_60 : memref<1x125x80xi32, #tpu.memory_space<hbm>> -> memref<125x80xi32, #tpu.memory_space<hbm>>
      tpu.wait_dma2 semaphore(%run_scoped3A : memref<!tpu.dma_semaphore, #tpu.memory_space<semaphore_mem>>) src(%dma_wait3A_61 : memref<125x80xi32, #tpu.memory_space<hbm>>) dst(%arg7 : memref<125x80xi32, #tpu.memory_space<vmem>>)
      tpu.yield
    }) : () -> ()
    %scan3A = arith.constant 0 : i32
    %scan3A_35 = arith.constant 0 : i32
    %scan3A_36 = arith.constant 5 : i32
    %scan3A_37 = arith.addi %scan3A_35, %scan3A_36 : i32
    %scan3A_38 = arith.constant 1 : i32
    scf.for %scan3A_48 = %scan3A_35 to %scan3A_37 step %scan3A_38  : i32 {
      %mul3A_49 = arith.constant 2000 : i32
      %mul3A_50 = arith.muli %scan3A_48, %mul3A_49 : i32
      %add3A_51 = arith.addi %mul3A_11, %mul3A_50 : i32
      %mul3A_52 = arith.constant 16 : i32
      %mul3A_53 = arith.muli %select_n3A_32, %mul3A_52 : i32
      "tpu.region"() ({
        %run_scoped3A = tpu.sem_alloc : memref<!tpu.dma_semaphore, #tpu.memory_space<semaphore_mem>>
        %dma_start3A = tpu.memref_slice %arg2[%add3A_51, %mul3A_53] : memref<40000x128xf32, #tpu.memory_space<hbm>> -> memref<2000x16xf32, #tpu.memory_space<hbm>>
        %dma_start3A_66 = tpu.memref_slice %arg2[%add3A_51, %mul3A_53] : memref<40000x128xf32, #tpu.memory_space<hbm>> -> memref<2000x16xf32, #tpu.memory_space<hbm>>
        tpu.enqueue_dma source(%dma_start3A_66 : memref<2000x16xf32, #tpu.memory_space<hbm>>) target(%arg8 : memref<2000x16xf32, #tpu.memory_space<vmem>>) target_semaphore(%run_scoped3A : memref<!tpu.dma_semaphore, #tpu.memory_space<semaphore_mem>>)
        %dma_wait3A = tpu.memref_slice %arg2[%add3A_51, %mul3A_53] : memref<40000x128xf32, #tpu.memory_space<hbm>> -> memref<2000x16xf32, #tpu.memory_space<hbm>>
        %dma_wait3A_67 = tpu.memref_slice %arg2[%add3A_51, %mul3A_53] : memref<40000x128xf32, #tpu.memory_space<hbm>> -> memref<2000x16xf32, #tpu.memory_space<hbm>>
        tpu.wait_dma2 semaphore(%run_scoped3A : memref<!tpu.dma_semaphore, #tpu.memory_space<semaphore_mem>>) src(%dma_wait3A_67 : memref<2000x16xf32, #tpu.memory_space<hbm>>) dst(%arg8 : memref<2000x16xf32, #tpu.memory_space<vmem>>)
        tpu.yield
      }) : () -> ()
      %scan3A_54 = arith.constant 0 : i32
      %scan3A_55 = arith.constant 0 : i32
      %scan3A_56 = arith.constant 25 : i32
      %scan3A_57 = arith.addi %scan3A_55, %scan3A_56 : i32
      %scan3A_58 = arith.constant 1 : i32
      scf.for %scan3A_66 = %scan3A_55 to %scan3A_57 step %scan3A_58  : i32 {
        %mul3A_67 = arith.constant 80 : i32
        %mul3A_68 = arith.muli %scan3A_66, %mul3A_67 : i32
        %mul3A_69 = arith.constant 25 : i32
        %mul3A_70 = arith.muli %scan3A_48, %mul3A_69 : i32
        %add3A_71 = arith.addi %mul3A_70, %scan3A_66 : i32
        %dma_start3A = arith.constant 0 : i32
        %dma_start3A_72 = tpu.memref_slice %arg8[%mul3A_68, %dma_start3A] : memref<2000x16xf32, #tpu.memory_space<vmem>> -> memref<80x16xf32, #tpu.memory_space<vmem>>
        %dma_start3A_73 = arith.constant 0 : i32
        %dma_start3A_74 = tpu.memref_slice %arg7[%add3A_71, %dma_start3A_73] : memref<125x80xi32, #tpu.memory_space<vmem>> -> memref<1x80xi32, #tpu.memory_space<vmem>>
        %dma_start3A_75 = tpu.memref_squeeze %dma_start3A_74 : memref<1x80xi32, #tpu.memory_space<vmem>> -> memref<80xi32, #tpu.memory_space<vmem>>
        %dma_start3A_76 = arith.constant 0 : i32
        %dma_start3A_77 = arith.constant 0 : i32
        %dma_start3A_78 = tpu.memref_slice %arg6[%dma_start3A_76, %dma_start3A_77] : memref<10000x16xf32, #tpu.memory_space<vmem_shared>> -> memref<10000x16xf32, #tpu.memory_space<vmem_shared>>
        tpu.enqueue_indirect_dma source(%dma_start3A_72 : memref<80x16xf32, #tpu.memory_space<vmem>>) target(%dma_start3A_78 : memref<10000x16xf32, #tpu.memory_space<vmem_shared>>) offsets(%dma_start3A_75 : memref<80xi32, #tpu.memory_space<vmem>>) semaphore(%arg10 : memref<!tpu.dma_semaphore, #tpu.memory_space<semaphore_mem>>) {add = true}
      }
      %scan3A_59 = arith.constant 25 : i32
      %scan3A_60 = arith.constant 0 : i32
      %scan3A_61 = arith.constant 0 : i32
      %scan3A_62 = arith.constant 25 : i32
      %scan3A_63 = arith.addi %scan3A_61, %scan3A_62 : i32
      %scan3A_64 = arith.constant 1 : i32
      scf.for %scan3A_66 = %scan3A_61 to %scan3A_63 step %scan3A_64  : i32 {
        %mul3A_67 = arith.constant 80 : i32
        %mul3A_68 = arith.muli %scan3A_66, %mul3A_67 : i32
        %mul3A_69 = arith.constant 25 : i32
        %mul3A_70 = arith.muli %scan3A_48, %mul3A_69 : i32
        %add3A_71 = arith.addi %mul3A_70, %scan3A_66 : i32
        %dma_wait3A = arith.constant 0 : i32
        %dma_wait3A_72 = tpu.memref_slice %arg8[%mul3A_68, %dma_wait3A] : memref<2000x16xf32, #tpu.memory_space<vmem>> -> memref<80x16xf32, #tpu.memory_space<vmem>>
        %dma_wait3A_73 = arith.constant 0 : i32
        %dma_wait3A_74 = tpu.memref_slice %arg7[%add3A_71, %dma_wait3A_73] : memref<125x80xi32, #tpu.memory_space<vmem>> -> memref<1x80xi32, #tpu.memory_space<vmem>>
        %dma_wait3A_75 = tpu.memref_squeeze %dma_wait3A_74 : memref<1x80xi32, #tpu.memory_space<vmem>> -> memref<80xi32, #tpu.memory_space<vmem>>
        %dma_wait3A_76 = arith.constant 0 : i32
        %dma_wait3A_77 = arith.constant 0 : i32
        %dma_wait3A_78 = tpu.memref_slice %arg6[%dma_wait3A_76, %dma_wait3A_77] : memref<10000x16xf32, #tpu.memory_space<vmem_shared>> -> memref<10000x16xf32, #tpu.memory_space<vmem_shared>>
        tpu.wait_indirect_dma semaphore(%arg10 : memref<!tpu.dma_semaphore, #tpu.memory_space<semaphore_mem>>) src(%dma_wait3A_72 : memref<80x16xf32, #tpu.memory_space<vmem>>) dst(%dma_wait3A_78 : memref<10000x16xf32, #tpu.memory_space<vmem_shared>>)
      }
      %scan3A_65 = arith.constant 25 : i32
    }
    %scan3A_39 = arith.constant 5 : i32
    %barrier3A_40 = arith.constant 0 : index
    tpu.barrier barrier_id(%barrier3A_40)
    %mul3A_41 = arith.constant 625 : i32
    %mul3A_42 = arith.muli %arg1, %mul3A_41 : i32
    "tpu.region"() ({
      %run_scoped3A = tpu.sem_alloc : memref<!tpu.dma_semaphore, #tpu.memory_space<semaphore_mem>>
      %dma_start3A = arith.constant 0 : i32
      %dma_start3A_48 = tpu.memref_slice %arg6[%mul3A_42, %dma_start3A] : memref<10000x16xf32, #tpu.memory_space<vmem_shared>> -> memref<625x16xf32, #tpu.memory_space<vmem_shared>>
      %dma_start3A_49 = arith.constant 0 : i32
      %dma_start3A_50 = tpu.memref_slice %arg6[%mul3A_42, %dma_start3A_49] : memref<10000x16xf32, #tpu.memory_space<vmem_shared>> -> memref<625x16xf32, #tpu.memory_space<vmem_shared>>
      tpu.enqueue_dma source(%dma_start3A_50 : memref<625x16xf32, #tpu.memory_space<vmem_shared>>) target(%arg9 : memref<625x16xf32, #tpu.memory_space<vmem>>) target_semaphore(%run_scoped3A : memref<!tpu.dma_semaphore, #tpu.memory_space<semaphore_mem>>)
      %dma_wait3A = arith.constant 0 : i32
      %dma_wait3A_51 = tpu.memref_slice %arg6[%mul3A_42, %dma_wait3A] : memref<10000x16xf32, #tpu.memory_space<vmem_shared>> -> memref<625x16xf32, #tpu.memory_space<vmem_shared>>
      %dma_wait3A_52 = arith.constant 0 : i32
      %dma_wait3A_53 = tpu.memref_slice %arg6[%mul3A_42, %dma_wait3A_52] : memref<10000x16xf32, #tpu.memory_space<vmem_shared>> -> memref<625x16xf32, #tpu.memory_space<vmem_shared>>
      tpu.wait_dma2 semaphore(%run_scoped3A : memref<!tpu.dma_semaphore, #tpu.memory_space<semaphore_mem>>) src(%dma_wait3A_53 : memref<625x16xf32, #tpu.memory_space<vmem_shared>>) dst(%arg9 : memref<625x16xf32, #tpu.memory_space<vmem>>)
      tpu.yield
    }) : () -> ()
    %mul3A_43 = arith.constant 10000 : i32
    %mul3A_44 = arith.muli %arg0, %mul3A_43 : i32
    %mul3A_45 = arith.constant 625 : i32
    %mul3A_46 = arith.muli %arg1, %mul3A_45 : i32
    %add3A_47 = arith.addi %mul3A_44, %mul3A_46 : i32
    "tpu.region"() ({
      %run_scoped3A = tpu.sem_alloc : memref<!tpu.dma_semaphore, #tpu.memory_space<semaphore_mem>>
      %dma_start3A = arith.constant 0 : i32
      %dma_start3A_48 = tpu.memref_slice %arg5[%add3A_47, %dma_start3A] : memref<20000x16xf32, #tpu.memory_space<hbm>> -> memref<625x16xf32, #tpu.memory_space<hbm>>
      %dma_start3A_49 = arith.constant 0 : i32
      %dma_start3A_50 = tpu.memref_slice %arg5[%add3A_47, %dma_start3A_49] : memref<20000x16xf32, #tpu.memory_space<hbm>> -> memref<625x16xf32, #tpu.memory_space<hbm>>
      tpu.enqueue_dma source(%arg9 : memref<625x16xf32, #tpu.memory_space<vmem>>) target(%dma_start3A_50 : memref<625x16xf32, #tpu.memory_space<hbm>>) target_semaphore(%run_scoped3A : memref<!tpu.dma_semaphore, #tpu.memory_space<semaphore_mem>>)
      %dma_wait3A = arith.constant 0 : i32
      %dma_wait3A_51 = tpu.memref_slice %arg5[%add3A_47, %dma_wait3A] : memref<20000x16xf32, #tpu.memory_space<hbm>> -> memref<625x16xf32, #tpu.memory_space<hbm>>
      %dma_wait3A_52 = arith.constant 0 : i32
      %dma_wait3A_53 = tpu.memref_slice %arg5[%add3A_47, %dma_wait3A_52] : memref<20000x16xf32, #tpu.memory_space<hbm>> -> memref<625x16xf32, #tpu.memory_space<hbm>>
      tpu.wait_dma2 semaphore(%run_scoped3A : memref<!tpu.dma_semaphore, #tpu.memory_space<semaphore_mem>>) src(%arg9 : memref<625x16xf32, #tpu.memory_space<vmem>>) dst(%dma_wait3A_53 : memref<625x16xf32, #tpu.memory_space<hbm>>)
      tpu.yield
    }) : () -> ()
    return
  }
}

module attributes {stable_mosaic.version = 14 : i64} {
  func.func @_edge_body(%arg0: i32, %arg1: memref<2000x16xf32, #tpu.memory_space<vmem>>, %arg2: memref<2000x16xf32, #tpu.memory_space<vmem>>, %arg3: memref<2000x16xf32, #tpu.memory_space<vmem>>, %arg4: memref<2000x16xf32, #tpu.memory_space<vmem>>, %arg5: memref<2000x16xf32, #tpu.memory_space<vmem>>, %arg6: memref<2000x16xf32, #tpu.memory_space<vmem>>, %arg7: memref<2000x16xf32, #tpu.memory_space<vmem>>, %arg8: memref<2000x16xf32, #tpu.memory_space<vmem>>, %arg9: memref<2000x128xf32, #tpu.memory_space<vmem>>, %arg10: memref<16x64xbf16, #tpu.memory_space<vmem>>, %arg11: memref<1x64xf32, #tpu.memory_space<vmem>>, %arg12: memref<64x256xbf16, #tpu.memory_space<vmem>>, %arg13: memref<1x256xf32, #tpu.memory_space<vmem>>, %arg14: memref<16x256xbf16, #tpu.memory_space<vmem>>, %arg15: memref<256x16xbf16, #tpu.memory_space<vmem>>, %arg16: memref<2000x128xf32, #tpu.memory_space<vmem>>) attributes {dimension_semantics = [#tpu.dimension_semantics<arbitrary>], iteration_bounds = array<i64: 20>, scalar_prefetch = 0 : i64, scratch_operands = 0 : i64, tpu.core_type = #tpu.core_type<tc>, window_params = [{transform_indices = @transform_0, window_bounds = array<i64: 2000, 16>}, {transform_indices = @transform_1, window_bounds = array<i64: 2000, 16>}, {transform_indices = @transform_2, window_bounds = array<i64: 2000, 16>}, {transform_indices = @transform_3, window_bounds = array<i64: 2000, 16>}, {transform_indices = @transform_4, window_bounds = array<i64: 2000, 16>}, {transform_indices = @transform_5, window_bounds = array<i64: 2000, 16>}, {transform_indices = @transform_6, window_bounds = array<i64: 2000, 16>}, {transform_indices = @transform_7, window_bounds = array<i64: 2000, 16>}, {transform_indices = @transform_8, window_bounds = array<i64: 2000, 128>}, {pipeline_mode = #tpu.pipeline_mode<synchronous>, transform_indices = @transform_9, window_bounds = array<i64: 16, 64>}, {pipeline_mode = #tpu.pipeline_mode<synchronous>, transform_indices = @transform_10, window_bounds = array<i64: 1, 64>}, {pipeline_mode = #tpu.pipeline_mode<synchronous>, transform_indices = @transform_11, window_bounds = array<i64: 64, 256>}, {pipeline_mode = #tpu.pipeline_mode<synchronous>, transform_indices = @transform_12, window_bounds = array<i64: 1, 256>}, {pipeline_mode = #tpu.pipeline_mode<synchronous>, transform_indices = @transform_13, window_bounds = array<i64: 16, 256>}, {pipeline_mode = #tpu.pipeline_mode<synchronous>, transform_indices = @transform_14, window_bounds = array<i64: 256, 16>}, {transform_indices = @transform_15, window_bounds = array<i64: 2000, 128>}]} {
    %get3A = arith.constant 0 : index
    %get3A_0 = arith.constant 0 : index
    %get3A_1 = vector.load %arg9[%get3A, %get3A_0] : memref<2000x128xf32, #tpu.memory_space<vmem>>, vector<2000x128xf32>
    %get3A_2 = arith.constant 0 : index
    %get3A_3 = arith.constant 0 : index
    %get3A_4 = vector.load %arg1[%get3A_2, %get3A_3] : memref<2000x16xf32, #tpu.memory_space<vmem>>, vector<2000x16xf32>
    %convert_element_type3A = arith.truncf %get3A_4 : vector<2000x16xf32> to vector<2000x16xbf16>
    %get3A_5 = arith.constant 0 : index
    %get3A_6 = arith.constant 0 : index
    %get3A_7 = vector.load %arg2[%get3A_5, %get3A_6] : memref<2000x16xf32, #tpu.memory_space<vmem>>, vector<2000x16xf32>
    %convert_element_type3A_8 = arith.truncf %get3A_7 : vector<2000x16xf32> to vector<2000x16xbf16>
    %get3A_9 = arith.constant 0 : index
    %get3A_10 = arith.constant 0 : index
    %get3A_11 = vector.load %arg3[%get3A_9, %get3A_10] : memref<2000x16xf32, #tpu.memory_space<vmem>>, vector<2000x16xf32>
    %convert_element_type3A_12 = arith.truncf %get3A_11 : vector<2000x16xf32> to vector<2000x16xbf16>
    %get3A_13 = arith.constant 0 : index
    %get3A_14 = arith.constant 0 : index
    %get3A_15 = vector.load %arg4[%get3A_13, %get3A_14] : memref<2000x16xf32, #tpu.memory_space<vmem>>, vector<2000x16xf32>
    %convert_element_type3A_16 = arith.truncf %get3A_15 : vector<2000x16xf32> to vector<2000x16xbf16>
    %get3A_17 = arith.constant 0 : index
    %get3A_18 = arith.constant 0 : index
    %get3A_19 = vector.load %arg5[%get3A_17, %get3A_18] : memref<2000x16xf32, #tpu.memory_space<vmem>>, vector<2000x16xf32>
    %convert_element_type3A_20 = arith.truncf %get3A_19 : vector<2000x16xf32> to vector<2000x16xbf16>
    %get3A_21 = arith.constant 0 : index
    %get3A_22 = arith.constant 0 : index
    %get3A_23 = vector.load %arg6[%get3A_21, %get3A_22] : memref<2000x16xf32, #tpu.memory_space<vmem>>, vector<2000x16xf32>
    %convert_element_type3A_24 = arith.truncf %get3A_23 : vector<2000x16xf32> to vector<2000x16xbf16>
    %get3A_25 = arith.constant 0 : index
    %get3A_26 = arith.constant 0 : index
    %get3A_27 = vector.load %arg7[%get3A_25, %get3A_26] : memref<2000x16xf32, #tpu.memory_space<vmem>>, vector<2000x16xf32>
    %convert_element_type3A_28 = arith.truncf %get3A_27 : vector<2000x16xf32> to vector<2000x16xbf16>
    %get3A_29 = arith.constant 0 : index
    %get3A_30 = arith.constant 0 : index
    %get3A_31 = vector.load %arg8[%get3A_29, %get3A_30] : memref<2000x16xf32, #tpu.memory_space<vmem>>, vector<2000x16xf32>
    %convert_element_type3A_32 = arith.truncf %get3A_31 : vector<2000x16xf32> to vector<2000x16xbf16>
    %slice3A = vector.extract_strided_slice %get3A_1 {offsets = [0, 0], sizes = [2000, 16], strides = [1, 1]} : vector<2000x128xf32> to vector<2000x16xf32>
    %convert_element_type3A_33 = arith.truncf %slice3A : vector<2000x16xf32> to vector<2000x16xbf16>
    %slice3A_34 = vector.extract_strided_slice %get3A_1 {offsets = [0, 16], sizes = [2000, 16], strides = [1, 1]} : vector<2000x128xf32> to vector<2000x16xf32>
    %convert_element_type3A_35 = arith.truncf %slice3A_34 : vector<2000x16xf32> to vector<2000x16xbf16>
    %slice3A_36 = vector.extract_strided_slice %get3A_1 {offsets = [0, 32], sizes = [2000, 16], strides = [1, 1]} : vector<2000x128xf32> to vector<2000x16xf32>
    %convert_element_type3A_37 = arith.truncf %slice3A_36 : vector<2000x16xf32> to vector<2000x16xbf16>
    %slice3A_38 = vector.extract_strided_slice %get3A_1 {offsets = [0, 48], sizes = [2000, 16], strides = [1, 1]} : vector<2000x128xf32> to vector<2000x16xf32>
    %convert_element_type3A_39 = arith.truncf %slice3A_38 : vector<2000x16xf32> to vector<2000x16xbf16>
    %slice3A_40 = vector.extract_strided_slice %get3A_1 {offsets = [0, 64], sizes = [2000, 16], strides = [1, 1]} : vector<2000x128xf32> to vector<2000x16xf32>
    %convert_element_type3A_41 = arith.truncf %slice3A_40 : vector<2000x16xf32> to vector<2000x16xbf16>
    %slice3A_42 = vector.extract_strided_slice %get3A_1 {offsets = [0, 80], sizes = [2000, 16], strides = [1, 1]} : vector<2000x128xf32> to vector<2000x16xf32>
    %convert_element_type3A_43 = arith.truncf %slice3A_42 : vector<2000x16xf32> to vector<2000x16xbf16>
    %slice3A_44 = vector.extract_strided_slice %get3A_1 {offsets = [0, 96], sizes = [2000, 16], strides = [1, 1]} : vector<2000x128xf32> to vector<2000x16xf32>
    %convert_element_type3A_45 = arith.truncf %slice3A_44 : vector<2000x16xf32> to vector<2000x16xbf16>
    %slice3A_46 = vector.extract_strided_slice %get3A_1 {offsets = [0, 112], sizes = [2000, 16], strides = [1, 1]} : vector<2000x128xf32> to vector<2000x16xf32>
    %convert_element_type3A_47 = arith.truncf %slice3A_46 : vector<2000x16xf32> to vector<2000x16xbf16>
    %get3A_48 = arith.constant 0 : index
    %get3A_49 = arith.constant 0 : index
    %get3A_50 = vector.load %arg10[%get3A_48, %get3A_49] : memref<16x64xbf16, #tpu.memory_space<vmem>>, vector<16x64xbf16>
    %dot_general3A = arith.constant dense<0.000000e+00> : vector<2000x64xf32>
    %dot_general3A_51 = tpu.matmul %convert_element_type3A, %get3A_50, %dot_general3A {dimension_numbers = #tpu.dot_dimension_numbers<[1], [0], [0], [1], [0, 0, 1, 1], [], []>, transpose_lhs_hint = false} : vector<2000x16xbf16>, vector<16x64xbf16>, vector<2000x64xf32> -> vector<2000x64xf32>
    %get3A_52 = arith.constant 0 : index
    %get3A_53 = arith.constant 0 : index
    %get3A_54 = vector.load %arg11[%get3A_52, %get3A_53] : memref<1x64xf32, #tpu.memory_space<vmem>>, vector<1x64xf32>
    %add3A = vector.broadcast %get3A_54 : vector<1x64xf32> to vector<2000x64xf32>
    %add3A_55 = arith.addf %dot_general3A_51, %add3A : vector<2000x64xf32>
    %max3A = arith.constant 0.000000e+00 : f32
    %max3A_56 = vector.broadcast %max3A : f32 to vector<2000x64xf32>
    %max3A_57 = arith.maximumf %add3A_55, %max3A_56 : vector<2000x64xf32>
    %convert_element_type3A_58 = arith.truncf %max3A_57 : vector<2000x64xf32> to vector<2000x64xbf16>
    %get3A_59 = arith.constant 0 : index
    %get3A_60 = arith.constant 0 : index
    %get3A_61 = vector.load %arg10[%get3A_59, %get3A_60] : memref<16x64xbf16, #tpu.memory_space<vmem>>, vector<16x64xbf16>
    %dot_general3A_62 = arith.constant dense<0.000000e+00> : vector<2000x64xf32>
    %dot_general3A_63 = tpu.matmul %convert_element_type3A_8, %get3A_61, %dot_general3A_62 {dimension_numbers = #tpu.dot_dimension_numbers<[1], [0], [0], [1], [0, 0, 1, 1], [], []>, transpose_lhs_hint = false} : vector<2000x16xbf16>, vector<16x64xbf16>, vector<2000x64xf32> -> vector<2000x64xf32>
    %get3A_64 = arith.constant 0 : index
    %get3A_65 = arith.constant 0 : index
    %get3A_66 = vector.load %arg11[%get3A_64, %get3A_65] : memref<1x64xf32, #tpu.memory_space<vmem>>, vector<1x64xf32>
    %add3A_67 = vector.broadcast %get3A_66 : vector<1x64xf32> to vector<2000x64xf32>
    %add3A_68 = arith.addf %dot_general3A_63, %add3A_67 : vector<2000x64xf32>
    %max3A_69 = arith.constant 0.000000e+00 : f32
    %max3A_70 = vector.broadcast %max3A_69 : f32 to vector<2000x64xf32>
    %max3A_71 = arith.maximumf %add3A_68, %max3A_70 : vector<2000x64xf32>
    %convert_element_type3A_72 = arith.truncf %max3A_71 : vector<2000x64xf32> to vector<2000x64xbf16>
    %get3A_73 = arith.constant 0 : index
    %get3A_74 = arith.constant 0 : index
    %get3A_75 = vector.load %arg10[%get3A_73, %get3A_74] : memref<16x64xbf16, #tpu.memory_space<vmem>>, vector<16x64xbf16>
    %dot_general3A_76 = arith.constant dense<0.000000e+00> : vector<2000x64xf32>
    %dot_general3A_77 = tpu.matmul %convert_element_type3A_12, %get3A_75, %dot_general3A_76 {dimension_numbers = #tpu.dot_dimension_numbers<[1], [0], [0], [1], [0, 0, 1, 1], [], []>, transpose_lhs_hint = false} : vector<2000x16xbf16>, vector<16x64xbf16>, vector<2000x64xf32> -> vector<2000x64xf32>
    %get3A_78 = arith.constant 0 : index
    %get3A_79 = arith.constant 0 : index
    %get3A_80 = vector.load %arg11[%get3A_78, %get3A_79] : memref<1x64xf32, #tpu.memory_space<vmem>>, vector<1x64xf32>
    %add3A_81 = vector.broadcast %get3A_80 : vector<1x64xf32> to vector<2000x64xf32>
    %add3A_82 = arith.addf %dot_general3A_77, %add3A_81 : vector<2000x64xf32>
    %max3A_83 = arith.constant 0.000000e+00 : f32
    %max3A_84 = vector.broadcast %max3A_83 : f32 to vector<2000x64xf32>
    %max3A_85 = arith.maximumf %add3A_82, %max3A_84 : vector<2000x64xf32>
    %convert_element_type3A_86 = arith.truncf %max3A_85 : vector<2000x64xf32> to vector<2000x64xbf16>
    %get3A_87 = arith.constant 0 : index
    %get3A_88 = arith.constant 0 : index
    %get3A_89 = vector.load %arg10[%get3A_87, %get3A_88] : memref<16x64xbf16, #tpu.memory_space<vmem>>, vector<16x64xbf16>
    %dot_general3A_90 = arith.constant dense<0.000000e+00> : vector<2000x64xf32>
    %dot_general3A_91 = tpu.matmul %convert_element_type3A_16, %get3A_89, %dot_general3A_90 {dimension_numbers = #tpu.dot_dimension_numbers<[1], [0], [0], [1], [0, 0, 1, 1], [], []>, transpose_lhs_hint = false} : vector<2000x16xbf16>, vector<16x64xbf16>, vector<2000x64xf32> -> vector<2000x64xf32>
    %get3A_92 = arith.constant 0 : index
    %get3A_93 = arith.constant 0 : index
    %get3A_94 = vector.load %arg11[%get3A_92, %get3A_93] : memref<1x64xf32, #tpu.memory_space<vmem>>, vector<1x64xf32>
    %add3A_95 = vector.broadcast %get3A_94 : vector<1x64xf32> to vector<2000x64xf32>
    %add3A_96 = arith.addf %dot_general3A_91, %add3A_95 : vector<2000x64xf32>
    %max3A_97 = arith.constant 0.000000e+00 : f32
    %max3A_98 = vector.broadcast %max3A_97 : f32 to vector<2000x64xf32>
    %max3A_99 = arith.maximumf %add3A_96, %max3A_98 : vector<2000x64xf32>
    %convert_element_type3A_100 = arith.truncf %max3A_99 : vector<2000x64xf32> to vector<2000x64xbf16>
    %get3A_101 = arith.constant 0 : index
    %get3A_102 = arith.constant 0 : index
    %get3A_103 = vector.load %arg10[%get3A_101, %get3A_102] : memref<16x64xbf16, #tpu.memory_space<vmem>>, vector<16x64xbf16>
    %dot_general3A_104 = arith.constant dense<0.000000e+00> : vector<2000x64xf32>
    %dot_general3A_105 = tpu.matmul %convert_element_type3A_20, %get3A_103, %dot_general3A_104 {dimension_numbers = #tpu.dot_dimension_numbers<[1], [0], [0], [1], [0, 0, 1, 1], [], []>, transpose_lhs_hint = false} : vector<2000x16xbf16>, vector<16x64xbf16>, vector<2000x64xf32> -> vector<2000x64xf32>
    %get3A_106 = arith.constant 0 : index
    %get3A_107 = arith.constant 0 : index
    %get3A_108 = vector.load %arg11[%get3A_106, %get3A_107] : memref<1x64xf32, #tpu.memory_space<vmem>>, vector<1x64xf32>
    %add3A_109 = vector.broadcast %get3A_108 : vector<1x64xf32> to vector<2000x64xf32>
    %add3A_110 = arith.addf %dot_general3A_105, %add3A_109 : vector<2000x64xf32>
    %max3A_111 = arith.constant 0.000000e+00 : f32
    %max3A_112 = vector.broadcast %max3A_111 : f32 to vector<2000x64xf32>
    %max3A_113 = arith.maximumf %add3A_110, %max3A_112 : vector<2000x64xf32>
    %convert_element_type3A_114 = arith.truncf %max3A_113 : vector<2000x64xf32> to vector<2000x64xbf16>
    %get3A_115 = arith.constant 0 : index
    %get3A_116 = arith.constant 0 : index
    %get3A_117 = vector.load %arg10[%get3A_115, %get3A_116] : memref<16x64xbf16, #tpu.memory_space<vmem>>, vector<16x64xbf16>
    %dot_general3A_118 = arith.constant dense<0.000000e+00> : vector<2000x64xf32>
    %dot_general3A_119 = tpu.matmul %convert_element_type3A_24, %get3A_117, %dot_general3A_118 {dimension_numbers = #tpu.dot_dimension_numbers<[1], [0], [0], [1], [0, 0, 1, 1], [], []>, transpose_lhs_hint = false} : vector<2000x16xbf16>, vector<16x64xbf16>, vector<2000x64xf32> -> vector<2000x64xf32>
    %get3A_120 = arith.constant 0 : index
    %get3A_121 = arith.constant 0 : index
    %get3A_122 = vector.load %arg11[%get3A_120, %get3A_121] : memref<1x64xf32, #tpu.memory_space<vmem>>, vector<1x64xf32>
    %add3A_123 = vector.broadcast %get3A_122 : vector<1x64xf32> to vector<2000x64xf32>
    %add3A_124 = arith.addf %dot_general3A_119, %add3A_123 : vector<2000x64xf32>
    %max3A_125 = arith.constant 0.000000e+00 : f32
    %max3A_126 = vector.broadcast %max3A_125 : f32 to vector<2000x64xf32>
    %max3A_127 = arith.maximumf %add3A_124, %max3A_126 : vector<2000x64xf32>
    %convert_element_type3A_128 = arith.truncf %max3A_127 : vector<2000x64xf32> to vector<2000x64xbf16>
    %get3A_129 = arith.constant 0 : index
    %get3A_130 = arith.constant 0 : index
    %get3A_131 = vector.load %arg10[%get3A_129, %get3A_130] : memref<16x64xbf16, #tpu.memory_space<vmem>>, vector<16x64xbf16>
    %dot_general3A_132 = arith.constant dense<0.000000e+00> : vector<2000x64xf32>
    %dot_general3A_133 = tpu.matmul %convert_element_type3A_28, %get3A_131, %dot_general3A_132 {dimension_numbers = #tpu.dot_dimension_numbers<[1], [0], [0], [1], [0, 0, 1, 1], [], []>, transpose_lhs_hint = false} : vector<2000x16xbf16>, vector<16x64xbf16>, vector<2000x64xf32> -> vector<2000x64xf32>
    %get3A_134 = arith.constant 0 : index
    %get3A_135 = arith.constant 0 : index
    %get3A_136 = vector.load %arg11[%get3A_134, %get3A_135] : memref<1x64xf32, #tpu.memory_space<vmem>>, vector<1x64xf32>
    %add3A_137 = vector.broadcast %get3A_136 : vector<1x64xf32> to vector<2000x64xf32>
    %add3A_138 = arith.addf %dot_general3A_133, %add3A_137 : vector<2000x64xf32>
    %max3A_139 = arith.constant 0.000000e+00 : f32
    %max3A_140 = vector.broadcast %max3A_139 : f32 to vector<2000x64xf32>
    %max3A_141 = arith.maximumf %add3A_138, %max3A_140 : vector<2000x64xf32>
    %convert_element_type3A_142 = arith.truncf %max3A_141 : vector<2000x64xf32> to vector<2000x64xbf16>
    %get3A_143 = arith.constant 0 : index
    %get3A_144 = arith.constant 0 : index
    %get3A_145 = vector.load %arg10[%get3A_143, %get3A_144] : memref<16x64xbf16, #tpu.memory_space<vmem>>, vector<16x64xbf16>
    %dot_general3A_146 = arith.constant dense<0.000000e+00> : vector<2000x64xf32>
    %dot_general3A_147 = tpu.matmul %convert_element_type3A_32, %get3A_145, %dot_general3A_146 {dimension_numbers = #tpu.dot_dimension_numbers<[1], [0], [0], [1], [0, 0, 1, 1], [], []>, transpose_lhs_hint = false} : vector<2000x16xbf16>, vector<16x64xbf16>, vector<2000x64xf32> -> vector<2000x64xf32>
    %get3A_148 = arith.constant 0 : index
    %get3A_149 = arith.constant 0 : index
    %get3A_150 = vector.load %arg11[%get3A_148, %get3A_149] : memref<1x64xf32, #tpu.memory_space<vmem>>, vector<1x64xf32>
    %add3A_151 = vector.broadcast %get3A_150 : vector<1x64xf32> to vector<2000x64xf32>
    %add3A_152 = arith.addf %dot_general3A_147, %add3A_151 : vector<2000x64xf32>
    %max3A_153 = arith.constant 0.000000e+00 : f32
    %max3A_154 = vector.broadcast %max3A_153 : f32 to vector<2000x64xf32>
    %max3A_155 = arith.maximumf %add3A_152, %max3A_154 : vector<2000x64xf32>
    %convert_element_type3A_156 = arith.truncf %max3A_155 : vector<2000x64xf32> to vector<2000x64xbf16>
    %get3A_157 = arith.constant 0 : index
    %get3A_158 = arith.constant 0 : index
    %get3A_159 = vector.load %arg12[%get3A_157, %get3A_158] : memref<64x256xbf16, #tpu.memory_space<vmem>>, vector<64x256xbf16>
    %dot_general3A_160 = arith.constant dense<0.000000e+00> : vector<2000x256xf32>
    %dot_general3A_161 = tpu.matmul %convert_element_type3A_58, %get3A_159, %dot_general3A_160 {dimension_numbers = #tpu.dot_dimension_numbers<[1], [0], [0], [1], [0, 0, 1, 1], [], []>, transpose_lhs_hint = false} : vector<2000x64xbf16>, vector<64x256xbf16>, vector<2000x256xf32> -> vector<2000x256xf32>
    %get3A_162 = arith.constant 0 : index
    %get3A_163 = arith.constant 0 : index
    %get3A_164 = vector.load %arg13[%get3A_162, %get3A_163] : memref<1x256xf32, #tpu.memory_space<vmem>>, vector<1x256xf32>
    %add3A_165 = vector.broadcast %get3A_164 : vector<1x256xf32> to vector<2000x256xf32>
    %add3A_166 = arith.addf %dot_general3A_161, %add3A_165 : vector<2000x256xf32>
    %max3A_167 = arith.constant 0.000000e+00 : f32
    %max3A_168 = vector.broadcast %max3A_167 : f32 to vector<2000x256xf32>
    %max3A_169 = arith.maximumf %add3A_166, %max3A_168 : vector<2000x256xf32>
    %convert_element_type3A_170 = arith.truncf %max3A_169 : vector<2000x256xf32> to vector<2000x256xbf16>
    %get3A_171 = arith.constant 0 : index
    %get3A_172 = arith.constant 0 : index
    %get3A_173 = vector.load %arg12[%get3A_171, %get3A_172] : memref<64x256xbf16, #tpu.memory_space<vmem>>, vector<64x256xbf16>
    %dot_general3A_174 = arith.constant dense<0.000000e+00> : vector<2000x256xf32>
    %dot_general3A_175 = tpu.matmul %convert_element_type3A_72, %get3A_173, %dot_general3A_174 {dimension_numbers = #tpu.dot_dimension_numbers<[1], [0], [0], [1], [0, 0, 1, 1], [], []>, transpose_lhs_hint = false} : vector<2000x64xbf16>, vector<64x256xbf16>, vector<2000x256xf32> -> vector<2000x256xf32>
    %get3A_176 = arith.constant 0 : index
    %get3A_177 = arith.constant 0 : index
    %get3A_178 = vector.load %arg13[%get3A_176, %get3A_177] : memref<1x256xf32, #tpu.memory_space<vmem>>, vector<1x256xf32>
    %add3A_179 = vector.broadcast %get3A_178 : vector<1x256xf32> to vector<2000x256xf32>
    %add3A_180 = arith.addf %dot_general3A_175, %add3A_179 : vector<2000x256xf32>
    %max3A_181 = arith.constant 0.000000e+00 : f32
    %max3A_182 = vector.broadcast %max3A_181 : f32 to vector<2000x256xf32>
    %max3A_183 = arith.maximumf %add3A_180, %max3A_182 : vector<2000x256xf32>
    %convert_element_type3A_184 = arith.truncf %max3A_183 : vector<2000x256xf32> to vector<2000x256xbf16>
    %get3A_185 = arith.constant 0 : index
    %get3A_186 = arith.constant 0 : index
    %get3A_187 = vector.load %arg12[%get3A_185, %get3A_186] : memref<64x256xbf16, #tpu.memory_space<vmem>>, vector<64x256xbf16>
    %dot_general3A_188 = arith.constant dense<0.000000e+00> : vector<2000x256xf32>
    %dot_general3A_189 = tpu.matmul %convert_element_type3A_86, %get3A_187, %dot_general3A_188 {dimension_numbers = #tpu.dot_dimension_numbers<[1], [0], [0], [1], [0, 0, 1, 1], [], []>, transpose_lhs_hint = false} : vector<2000x64xbf16>, vector<64x256xbf16>, vector<2000x256xf32> -> vector<2000x256xf32>
    %get3A_190 = arith.constant 0 : index
    %get3A_191 = arith.constant 0 : index
    %get3A_192 = vector.load %arg13[%get3A_190, %get3A_191] : memref<1x256xf32, #tpu.memory_space<vmem>>, vector<1x256xf32>
    %add3A_193 = vector.broadcast %get3A_192 : vector<1x256xf32> to vector<2000x256xf32>
    %add3A_194 = arith.addf %dot_general3A_189, %add3A_193 : vector<2000x256xf32>
    %max3A_195 = arith.constant 0.000000e+00 : f32
    %max3A_196 = vector.broadcast %max3A_195 : f32 to vector<2000x256xf32>
    %max3A_197 = arith.maximumf %add3A_194, %max3A_196 : vector<2000x256xf32>
    %convert_element_type3A_198 = arith.truncf %max3A_197 : vector<2000x256xf32> to vector<2000x256xbf16>
    %get3A_199 = arith.constant 0 : index
    %get3A_200 = arith.constant 0 : index
    %get3A_201 = vector.load %arg12[%get3A_199, %get3A_200] : memref<64x256xbf16, #tpu.memory_space<vmem>>, vector<64x256xbf16>
    %dot_general3A_202 = arith.constant dense<0.000000e+00> : vector<2000x256xf32>
    %dot_general3A_203 = tpu.matmul %convert_element_type3A_100, %get3A_201, %dot_general3A_202 {dimension_numbers = #tpu.dot_dimension_numbers<[1], [0], [0], [1], [0, 0, 1, 1], [], []>, transpose_lhs_hint = false} : vector<2000x64xbf16>, vector<64x256xbf16>, vector<2000x256xf32> -> vector<2000x256xf32>
    %get3A_204 = arith.constant 0 : index
    %get3A_205 = arith.constant 0 : index
    %get3A_206 = vector.load %arg13[%get3A_204, %get3A_205] : memref<1x256xf32, #tpu.memory_space<vmem>>, vector<1x256xf32>
    %add3A_207 = vector.broadcast %get3A_206 : vector<1x256xf32> to vector<2000x256xf32>
    %add3A_208 = arith.addf %dot_general3A_203, %add3A_207 : vector<2000x256xf32>
    %max3A_209 = arith.constant 0.000000e+00 : f32
    %max3A_210 = vector.broadcast %max3A_209 : f32 to vector<2000x256xf32>
    %max3A_211 = arith.maximumf %add3A_208, %max3A_210 : vector<2000x256xf32>
    %convert_element_type3A_212 = arith.truncf %max3A_211 : vector<2000x256xf32> to vector<2000x256xbf16>
    %get3A_213 = arith.constant 0 : index
    %get3A_214 = arith.constant 0 : index
    %get3A_215 = vector.load %arg12[%get3A_213, %get3A_214] : memref<64x256xbf16, #tpu.memory_space<vmem>>, vector<64x256xbf16>
    %dot_general3A_216 = arith.constant dense<0.000000e+00> : vector<2000x256xf32>
    %dot_general3A_217 = tpu.matmul %convert_element_type3A_114, %get3A_215, %dot_general3A_216 {dimension_numbers = #tpu.dot_dimension_numbers<[1], [0], [0], [1], [0, 0, 1, 1], [], []>, transpose_lhs_hint = false} : vector<2000x64xbf16>, vector<64x256xbf16>, vector<2000x256xf32> -> vector<2000x256xf32>
    %get3A_218 = arith.constant 0 : index
    %get3A_219 = arith.constant 0 : index
    %get3A_220 = vector.load %arg13[%get3A_218, %get3A_219] : memref<1x256xf32, #tpu.memory_space<vmem>>, vector<1x256xf32>
    %add3A_221 = vector.broadcast %get3A_220 : vector<1x256xf32> to vector<2000x256xf32>
    %add3A_222 = arith.addf %dot_general3A_217, %add3A_221 : vector<2000x256xf32>
    %max3A_223 = arith.constant 0.000000e+00 : f32
    %max3A_224 = vector.broadcast %max3A_223 : f32 to vector<2000x256xf32>
    %max3A_225 = arith.maximumf %add3A_222, %max3A_224 : vector<2000x256xf32>
    %convert_element_type3A_226 = arith.truncf %max3A_225 : vector<2000x256xf32> to vector<2000x256xbf16>
    %get3A_227 = arith.constant 0 : index
    %get3A_228 = arith.constant 0 : index
    %get3A_229 = vector.load %arg12[%get3A_227, %get3A_228] : memref<64x256xbf16, #tpu.memory_space<vmem>>, vector<64x256xbf16>
    %dot_general3A_230 = arith.constant dense<0.000000e+00> : vector<2000x256xf32>
    %dot_general3A_231 = tpu.matmul %convert_element_type3A_128, %get3A_229, %dot_general3A_230 {dimension_numbers = #tpu.dot_dimension_numbers<[1], [0], [0], [1], [0, 0, 1, 1], [], []>, transpose_lhs_hint = false} : vector<2000x64xbf16>, vector<64x256xbf16>, vector<2000x256xf32> -> vector<2000x256xf32>
    %get3A_232 = arith.constant 0 : index
    %get3A_233 = arith.constant 0 : index
    %get3A_234 = vector.load %arg13[%get3A_232, %get3A_233] : memref<1x256xf32, #tpu.memory_space<vmem>>, vector<1x256xf32>
    %add3A_235 = vector.broadcast %get3A_234 : vector<1x256xf32> to vector<2000x256xf32>
    %add3A_236 = arith.addf %dot_general3A_231, %add3A_235 : vector<2000x256xf32>
    %max3A_237 = arith.constant 0.000000e+00 : f32
    %max3A_238 = vector.broadcast %max3A_237 : f32 to vector<2000x256xf32>
    %max3A_239 = arith.maximumf %add3A_236, %max3A_238 : vector<2000x256xf32>
    %convert_element_type3A_240 = arith.truncf %max3A_239 : vector<2000x256xf32> to vector<2000x256xbf16>
    %get3A_241 = arith.constant 0 : index
    %get3A_242 = arith.constant 0 : index
    %get3A_243 = vector.load %arg12[%get3A_241, %get3A_242] : memref<64x256xbf16, #tpu.memory_space<vmem>>, vector<64x256xbf16>
    %dot_general3A_244 = arith.constant dense<0.000000e+00> : vector<2000x256xf32>
    %dot_general3A_245 = tpu.matmul %convert_element_type3A_142, %get3A_243, %dot_general3A_244 {dimension_numbers = #tpu.dot_dimension_numbers<[1], [0], [0], [1], [0, 0, 1, 1], [], []>, transpose_lhs_hint = false} : vector<2000x64xbf16>, vector<64x256xbf16>, vector<2000x256xf32> -> vector<2000x256xf32>
    %get3A_246 = arith.constant 0 : index
    %get3A_247 = arith.constant 0 : index
    %get3A_248 = vector.load %arg13[%get3A_246, %get3A_247] : memref<1x256xf32, #tpu.memory_space<vmem>>, vector<1x256xf32>
    %add3A_249 = vector.broadcast %get3A_248 : vector<1x256xf32> to vector<2000x256xf32>
    %add3A_250 = arith.addf %dot_general3A_245, %add3A_249 : vector<2000x256xf32>
    %max3A_251 = arith.constant 0.000000e+00 : f32
    %max3A_252 = vector.broadcast %max3A_251 : f32 to vector<2000x256xf32>
    %max3A_253 = arith.maximumf %add3A_250, %max3A_252 : vector<2000x256xf32>
    %convert_element_type3A_254 = arith.truncf %max3A_253 : vector<2000x256xf32> to vector<2000x256xbf16>
    %get3A_255 = arith.constant 0 : index
    %get3A_256 = arith.constant 0 : index
    %get3A_257 = vector.load %arg12[%get3A_255, %get3A_256] : memref<64x256xbf16, #tpu.memory_space<vmem>>, vector<64x256xbf16>
    %dot_general3A_258 = arith.constant dense<0.000000e+00> : vector<2000x256xf32>
    %dot_general3A_259 = tpu.matmul %convert_element_type3A_156, %get3A_257, %dot_general3A_258 {dimension_numbers = #tpu.dot_dimension_numbers<[1], [0], [0], [1], [0, 0, 1, 1], [], []>, transpose_lhs_hint = false} : vector<2000x64xbf16>, vector<64x256xbf16>, vector<2000x256xf32> -> vector<2000x256xf32>
    %get3A_260 = arith.constant 0 : index
    %get3A_261 = arith.constant 0 : index
    %get3A_262 = vector.load %arg13[%get3A_260, %get3A_261] : memref<1x256xf32, #tpu.memory_space<vmem>>, vector<1x256xf32>
    %add3A_263 = vector.broadcast %get3A_262 : vector<1x256xf32> to vector<2000x256xf32>
    %add3A_264 = arith.addf %dot_general3A_259, %add3A_263 : vector<2000x256xf32>
    %max3A_265 = arith.constant 0.000000e+00 : f32
    %max3A_266 = vector.broadcast %max3A_265 : f32 to vector<2000x256xf32>
    %max3A_267 = arith.maximumf %add3A_264, %max3A_266 : vector<2000x256xf32>
    %convert_element_type3A_268 = arith.truncf %max3A_267 : vector<2000x256xf32> to vector<2000x256xbf16>
    %get3A_269 = arith.constant 0 : index
    %get3A_270 = arith.constant 0 : index
    %get3A_271 = vector.load %arg14[%get3A_269, %get3A_270] : memref<16x256xbf16, #tpu.memory_space<vmem>>, vector<16x256xbf16>
    %dot_general3A_272 = arith.constant dense<0.000000e+00> : vector<2000x256xf32>
    %dot_general3A_273 = tpu.matmul %convert_element_type3A_33, %get3A_271, %dot_general3A_272 {dimension_numbers = #tpu.dot_dimension_numbers<[1], [0], [0], [1], [0, 0, 1, 1], [], []>, transpose_lhs_hint = false} : vector<2000x16xbf16>, vector<16x256xbf16>, vector<2000x256xf32> -> vector<2000x256xf32>
    %convert_element_type3A_274 = arith.truncf %dot_general3A_273 : vector<2000x256xf32> to vector<2000x256xbf16>
    %get3A_275 = arith.constant 0 : index
    %get3A_276 = arith.constant 0 : index
    %get3A_277 = vector.load %arg14[%get3A_275, %get3A_276] : memref<16x256xbf16, #tpu.memory_space<vmem>>, vector<16x256xbf16>
    %dot_general3A_278 = arith.constant dense<0.000000e+00> : vector<2000x256xf32>
    %dot_general3A_279 = tpu.matmul %convert_element_type3A_35, %get3A_277, %dot_general3A_278 {dimension_numbers = #tpu.dot_dimension_numbers<[1], [0], [0], [1], [0, 0, 1, 1], [], []>, transpose_lhs_hint = false} : vector<2000x16xbf16>, vector<16x256xbf16>, vector<2000x256xf32> -> vector<2000x256xf32>
    %convert_element_type3A_280 = arith.truncf %dot_general3A_279 : vector<2000x256xf32> to vector<2000x256xbf16>
    %get3A_281 = arith.constant 0 : index
    %get3A_282 = arith.constant 0 : index
    %get3A_283 = vector.load %arg14[%get3A_281, %get3A_282] : memref<16x256xbf16, #tpu.memory_space<vmem>>, vector<16x256xbf16>
    %dot_general3A_284 = arith.constant dense<0.000000e+00> : vector<2000x256xf32>
    %dot_general3A_285 = tpu.matmul %convert_element_type3A_37, %get3A_283, %dot_general3A_284 {dimension_numbers = #tpu.dot_dimension_numbers<[1], [0], [0], [1], [0, 0, 1, 1], [], []>, transpose_lhs_hint = false} : vector<2000x16xbf16>, vector<16x256xbf16>, vector<2000x256xf32> -> vector<2000x256xf32>
    %convert_element_type3A_286 = arith.truncf %dot_general3A_285 : vector<2000x256xf32> to vector<2000x256xbf16>
    %get3A_287 = arith.constant 0 : index
    %get3A_288 = arith.constant 0 : index
    %get3A_289 = vector.load %arg14[%get3A_287, %get3A_288] : memref<16x256xbf16, #tpu.memory_space<vmem>>, vector<16x256xbf16>
    %dot_general3A_290 = arith.constant dense<0.000000e+00> : vector<2000x256xf32>
    %dot_general3A_291 = tpu.matmul %convert_element_type3A_39, %get3A_289, %dot_general3A_290 {dimension_numbers = #tpu.dot_dimension_numbers<[1], [0], [0], [1], [0, 0, 1, 1], [], []>, transpose_lhs_hint = false} : vector<2000x16xbf16>, vector<16x256xbf16>, vector<2000x256xf32> -> vector<2000x256xf32>
    %convert_element_type3A_292 = arith.truncf %dot_general3A_291 : vector<2000x256xf32> to vector<2000x256xbf16>
    %get3A_293 = arith.constant 0 : index
    %get3A_294 = arith.constant 0 : index
    %get3A_295 = vector.load %arg14[%get3A_293, %get3A_294] : memref<16x256xbf16, #tpu.memory_space<vmem>>, vector<16x256xbf16>
    %dot_general3A_296 = arith.constant dense<0.000000e+00> : vector<2000x256xf32>
    %dot_general3A_297 = tpu.matmul %convert_element_type3A_41, %get3A_295, %dot_general3A_296 {dimension_numbers = #tpu.dot_dimension_numbers<[1], [0], [0], [1], [0, 0, 1, 1], [], []>, transpose_lhs_hint = false} : vector<2000x16xbf16>, vector<16x256xbf16>, vector<2000x256xf32> -> vector<2000x256xf32>
    %convert_element_type3A_298 = arith.truncf %dot_general3A_297 : vector<2000x256xf32> to vector<2000x256xbf16>
    %get3A_299 = arith.constant 0 : index
    %get3A_300 = arith.constant 0 : index
    %get3A_301 = vector.load %arg14[%get3A_299, %get3A_300] : memref<16x256xbf16, #tpu.memory_space<vmem>>, vector<16x256xbf16>
    %dot_general3A_302 = arith.constant dense<0.000000e+00> : vector<2000x256xf32>
    %dot_general3A_303 = tpu.matmul %convert_element_type3A_43, %get3A_301, %dot_general3A_302 {dimension_numbers = #tpu.dot_dimension_numbers<[1], [0], [0], [1], [0, 0, 1, 1], [], []>, transpose_lhs_hint = false} : vector<2000x16xbf16>, vector<16x256xbf16>, vector<2000x256xf32> -> vector<2000x256xf32>
    %convert_element_type3A_304 = arith.truncf %dot_general3A_303 : vector<2000x256xf32> to vector<2000x256xbf16>
    %get3A_305 = arith.constant 0 : index
    %get3A_306 = arith.constant 0 : index
    %get3A_307 = vector.load %arg14[%get3A_305, %get3A_306] : memref<16x256xbf16, #tpu.memory_space<vmem>>, vector<16x256xbf16>
    %dot_general3A_308 = arith.constant dense<0.000000e+00> : vector<2000x256xf32>
    %dot_general3A_309 = tpu.matmul %convert_element_type3A_45, %get3A_307, %dot_general3A_308 {dimension_numbers = #tpu.dot_dimension_numbers<[1], [0], [0], [1], [0, 0, 1, 1], [], []>, transpose_lhs_hint = false} : vector<2000x16xbf16>, vector<16x256xbf16>, vector<2000x256xf32> -> vector<2000x256xf32>
    %convert_element_type3A_310 = arith.truncf %dot_general3A_309 : vector<2000x256xf32> to vector<2000x256xbf16>
    %get3A_311 = arith.constant 0 : index
    %get3A_312 = arith.constant 0 : index
    %get3A_313 = vector.load %arg14[%get3A_311, %get3A_312] : memref<16x256xbf16, #tpu.memory_space<vmem>>, vector<16x256xbf16>
    %dot_general3A_314 = arith.constant dense<0.000000e+00> : vector<2000x256xf32>
    %dot_general3A_315 = tpu.matmul %convert_element_type3A_47, %get3A_313, %dot_general3A_314 {dimension_numbers = #tpu.dot_dimension_numbers<[1], [0], [0], [1], [0, 0, 1, 1], [], []>, transpose_lhs_hint = false} : vector<2000x16xbf16>, vector<16x256xbf16>, vector<2000x256xf32> -> vector<2000x256xf32>
    %convert_element_type3A_316 = arith.truncf %dot_general3A_315 : vector<2000x256xf32> to vector<2000x256xbf16>
    %mul3A = arith.mulf %convert_element_type3A_170, %convert_element_type3A_274 : vector<2000x256xbf16>
    %get3A_317 = arith.constant 0 : index
    %get3A_318 = arith.constant 0 : index
    %get3A_319 = vector.load %arg15[%get3A_317, %get3A_318] : memref<256x16xbf16, #tpu.memory_space<vmem>>, vector<256x16xbf16>
    %dot_general3A_320 = arith.constant dense<0.000000e+00> : vector<2000x16xf32>
    %dot_general3A_321 = tpu.matmul %mul3A, %get3A_319, %dot_general3A_320 {dimension_numbers = #tpu.dot_dimension_numbers<[1], [0], [0], [1], [0, 0, 1, 1], [], []>, transpose_lhs_hint = false} : vector<2000x256xbf16>, vector<256x16xbf16>, vector<2000x16xf32> -> vector<2000x16xf32>
    %swap3A = arith.constant 0 : index
    %swap3A_322 = arith.constant 0 : index
    %swap3A_323 = vector.load %arg16[%swap3A, %swap3A_322] : memref<2000x128xf32, #tpu.memory_space<vmem>>, vector<2000x16xf32>
    tpu.vector_store %arg16[%swap3A, %swap3A_322], %dot_general3A_321 {strides = array<i32>} : memref<2000x128xf32, #tpu.memory_space<vmem>>, vector<2000x16xf32>,
    %mul3A_324 = arith.mulf %convert_element_type3A_184, %convert_element_type3A_280 : vector<2000x256xbf16>
    %get3A_325 = arith.constant 0 : index
    %get3A_326 = arith.constant 0 : index
    %get3A_327 = vector.load %arg15[%get3A_325, %get3A_326] : memref<256x16xbf16, #tpu.memory_space<vmem>>, vector<256x16xbf16>
    %dot_general3A_328 = arith.constant dense<0.000000e+00> : vector<2000x16xf32>
    %dot_general3A_329 = tpu.matmul %mul3A_324, %get3A_327, %dot_general3A_328 {dimension_numbers = #tpu.dot_dimension_numbers<[1], [0], [0], [1], [0, 0, 1, 1], [], []>, transpose_lhs_hint = false} : vector<2000x256xbf16>, vector<256x16xbf16>, vector<2000x16xf32> -> vector<2000x16xf32>
    %swap3A_330 = arith.constant 0 : index
    %swap3A_331 = arith.constant 16 : index
    %swap3A_332 = vector.load %arg16[%swap3A_330, %swap3A_331] : memref<2000x128xf32, #tpu.memory_space<vmem>>, vector<2000x16xf32>
    tpu.vector_store %arg16[%swap3A_330, %swap3A_331], %dot_general3A_329 {strides = array<i32>} : memref<2000x128xf32, #tpu.memory_space<vmem>>, vector<2000x16xf32>,
    %mul3A_333 = arith.mulf %convert_element_type3A_198, %convert_element_type3A_286 : vector<2000x256xbf16>
    %get3A_334 = arith.constant 0 : index
    %get3A_335 = arith.constant 0 : index
    %get3A_336 = vector.load %arg15[%get3A_334, %get3A_335] : memref<256x16xbf16, #tpu.memory_space<vmem>>, vector<256x16xbf16>
    %dot_general3A_337 = arith.constant dense<0.000000e+00> : vector<2000x16xf32>
    %dot_general3A_338 = tpu.matmul %mul3A_333, %get3A_336, %dot_general3A_337 {dimension_numbers = #tpu.dot_dimension_numbers<[1], [0], [0], [1], [0, 0, 1, 1], [], []>, transpose_lhs_hint = false} : vector<2000x256xbf16>, vector<256x16xbf16>, vector<2000x16xf32> -> vector<2000x16xf32>
    %swap3A_339 = arith.constant 0 : index
    %swap3A_340 = arith.constant 32 : index
    %swap3A_341 = vector.load %arg16[%swap3A_339, %swap3A_340] : memref<2000x128xf32, #tpu.memory_space<vmem>>, vector<2000x16xf32>
    tpu.vector_store %arg16[%swap3A_339, %swap3A_340], %dot_general3A_338 {strides = array<i32>} : memref<2000x128xf32, #tpu.memory_space<vmem>>, vector<2000x16xf32>,
    %mul3A_342 = arith.mulf %convert_element_type3A_212, %convert_element_type3A_292 : vector<2000x256xbf16>
    %get3A_343 = arith.constant 0 : index
    %get3A_344 = arith.constant 0 : index
    %get3A_345 = vector.load %arg15[%get3A_343, %get3A_344] : memref<256x16xbf16, #tpu.memory_space<vmem>>, vector<256x16xbf16>
    %dot_general3A_346 = arith.constant dense<0.000000e+00> : vector<2000x16xf32>
    %dot_general3A_347 = tpu.matmul %mul3A_342, %get3A_345, %dot_general3A_346 {dimension_numbers = #tpu.dot_dimension_numbers<[1], [0], [0], [1], [0, 0, 1, 1], [], []>, transpose_lhs_hint = false} : vector<2000x256xbf16>, vector<256x16xbf16>, vector<2000x16xf32> -> vector<2000x16xf32>
    %swap3A_348 = arith.constant 0 : index
    %swap3A_349 = arith.constant 48 : index
    %swap3A_350 = vector.load %arg16[%swap3A_348, %swap3A_349] : memref<2000x128xf32, #tpu.memory_space<vmem>>, vector<2000x16xf32>
    tpu.vector_store %arg16[%swap3A_348, %swap3A_349], %dot_general3A_347 {strides = array<i32>} : memref<2000x128xf32, #tpu.memory_space<vmem>>, vector<2000x16xf32>,
    %mul3A_351 = arith.mulf %convert_element_type3A_226, %convert_element_type3A_298 : vector<2000x256xbf16>
    %get3A_352 = arith.constant 0 : index
    %get3A_353 = arith.constant 0 : index
    %get3A_354 = vector.load %arg15[%get3A_352, %get3A_353] : memref<256x16xbf16, #tpu.memory_space<vmem>>, vector<256x16xbf16>
    %dot_general3A_355 = arith.constant dense<0.000000e+00> : vector<2000x16xf32>
    %dot_general3A_356 = tpu.matmul %mul3A_351, %get3A_354, %dot_general3A_355 {dimension_numbers = #tpu.dot_dimension_numbers<[1], [0], [0], [1], [0, 0, 1, 1], [], []>, transpose_lhs_hint = false} : vector<2000x256xbf16>, vector<256x16xbf16>, vector<2000x16xf32> -> vector<2000x16xf32>
    %swap3A_357 = arith.constant 0 : index
    %swap3A_358 = arith.constant 64 : index
    %swap3A_359 = vector.load %arg16[%swap3A_357, %swap3A_358] : memref<2000x128xf32, #tpu.memory_space<vmem>>, vector<2000x16xf32>
    tpu.vector_store %arg16[%swap3A_357, %swap3A_358], %dot_general3A_356 {strides = array<i32>} : memref<2000x128xf32, #tpu.memory_space<vmem>>, vector<2000x16xf32>,
    %mul3A_360 = arith.mulf %convert_element_type3A_240, %convert_element_type3A_304 : vector<2000x256xbf16>
    %get3A_361 = arith.constant 0 : index
    %get3A_362 = arith.constant 0 : index
    %get3A_363 = vector.load %arg15[%get3A_361, %get3A_362] : memref<256x16xbf16, #tpu.memory_space<vmem>>, vector<256x16xbf16>
    %dot_general3A_364 = arith.constant dense<0.000000e+00> : vector<2000x16xf32>
    %dot_general3A_365 = tpu.matmul %mul3A_360, %get3A_363, %dot_general3A_364 {dimension_numbers = #tpu.dot_dimension_numbers<[1], [0], [0], [1], [0, 0, 1, 1], [], []>, transpose_lhs_hint = false} : vector<2000x256xbf16>, vector<256x16xbf16>, vector<2000x16xf32> -> vector<2000x16xf32>
    %swap3A_366 = arith.constant 0 : index
    %swap3A_367 = arith.constant 80 : index
    %swap3A_368 = vector.load %arg16[%swap3A_366, %swap3A_367] : memref<2000x128xf32, #tpu.memory_space<vmem>>, vector<2000x16xf32>
    tpu.vector_store %arg16[%swap3A_366, %swap3A_367], %dot_general3A_365 {strides = array<i32>} : memref<2000x128xf32, #tpu.memory_space<vmem>>, vector<2000x16xf32>,
    %mul3A_369 = arith.mulf %convert_element_type3A_254, %convert_element_type3A_310 : vector<2000x256xbf16>
    %get3A_370 = arith.constant 0 : index
    %get3A_371 = arith.constant 0 : index
    %get3A_372 = vector.load %arg15[%get3A_370, %get3A_371] : memref<256x16xbf16, #tpu.memory_space<vmem>>, vector<256x16xbf16>
    %dot_general3A_373 = arith.constant dense<0.000000e+00> : vector<2000x16xf32>
    %dot_general3A_374 = tpu.matmul %mul3A_369, %get3A_372, %dot_general3A_373 {dimension_numbers = #tpu.dot_dimension_numbers<[1], [0], [0], [1], [0, 0, 1, 1], [], []>, transpose_lhs_hint = false} : vector<2000x256xbf16>, vector<256x16xbf16>, vector<2000x16xf32> -> vector<2000x16xf32>
    %swap3A_375 = arith.constant 0 : index
    %swap3A_376 = arith.constant 96 : index
    %swap3A_377 = vector.load %arg16[%swap3A_375, %swap3A_376] : memref<2000x128xf32, #tpu.memory_space<vmem>>, vector<2000x16xf32>
    tpu.vector_store %arg16[%swap3A_375, %swap3A_376], %dot_general3A_374 {strides = array<i32>} : memref<2000x128xf32, #tpu.memory_space<vmem>>, vector<2000x16xf32>,
    %mul3A_378 = arith.mulf %convert_element_type3A_268, %convert_element_type3A_316 : vector<2000x256xbf16>
    %get3A_379 = arith.constant 0 : index
    %get3A_380 = arith.constant 0 : index
    %get3A_381 = vector.load %arg15[%get3A_379, %get3A_380] : memref<256x16xbf16, #tpu.memory_space<vmem>>, vector<256x16xbf16>
    %dot_general3A_382 = arith.constant dense<0.000000e+00> : vector<2000x16xf32>
    %dot_general3A_383 = tpu.matmul %mul3A_378, %get3A_381, %dot_general3A_382 {dimension_numbers = #tpu.dot_dimension_numbers<[1], [0], [0], [1], [0, 0, 1, 1], [], []>, transpose_lhs_hint = false} : vector<2000x256xbf16>, vector<256x16xbf16>, vector<2000x16xf32> -> vector<2000x16xf32>
    %swap3A_384 = arith.constant 0 : index
    %swap3A_385 = arith.constant 112 : index
    %swap3A_386 = vector.load %arg16[%swap3A_384, %swap3A_385] : memref<2000x128xf32, #tpu.memory_space<vmem>>, vector<2000x16xf32>
    tpu.vector_store %arg16[%swap3A_384, %swap3A_385], %dot_general3A_383 {strides = array<i32>} : memref<2000x128xf32, #tpu.memory_space<vmem>>, vector<2000x16xf32>,
    return
  }
  func.func @transform_0(%arg0: i32) -> (i32, i32) {
    %add3A = arith.constant 0 : i32
    %add3A_0 = arith.addi %add3A, %arg0 : i32
    %c0_i32 = arith.constant 0 : i32
    %c0_i32_1 = arith.constant 0 : i32
    return %add3A_0, %c0_i32 : i32, i32
  }
  func.func @transform_1(%arg0: i32) -> (i32, i32) {
    %add3A = arith.constant 20 : i32
    %add3A_0 = arith.addi %add3A, %arg0 : i32
    %c0_i32 = arith.constant 0 : i32
    %c0_i32_1 = arith.constant 0 : i32
    return %add3A_0, %c0_i32 : i32, i32
  }
  func.func @transform_2(%arg0: i32) -> (i32, i32) {
    %add3A = arith.constant 40 : i32
    %add3A_0 = arith.addi %add3A, %arg0 : i32
    %c0_i32 = arith.constant 0 : i32
    %c0_i32_1 = arith.constant 0 : i32
    return %add3A_0, %c0_i32 : i32, i32
  }
  func.func @transform_3(%arg0: i32) -> (i32, i32) {
    %add3A = arith.constant 60 : i32
    %add3A_0 = arith.addi %add3A, %arg0 : i32
    %c0_i32 = arith.constant 0 : i32
    %c0_i32_1 = arith.constant 0 : i32
    return %add3A_0, %c0_i32 : i32, i32
  }
  func.func @transform_4(%arg0: i32) -> (i32, i32) {
    %add3A = arith.constant 80 : i32
    %add3A_0 = arith.addi %add3A, %arg0 : i32
    %c0_i32 = arith.constant 0 : i32
    %c0_i32_1 = arith.constant 0 : i32
    return %add3A_0, %c0_i32 : i32, i32
  }
  func.func @transform_5(%arg0: i32) -> (i32, i32) {
    %add3A = arith.constant 100 : i32
    %add3A_0 = arith.addi %add3A, %arg0 : i32
    %c0_i32 = arith.constant 0 : i32
    %c0_i32_1 = arith.constant 0 : i32
    return %add3A_0, %c0_i32 : i32, i32
  }
  func.func @transform_6(%arg0: i32) -> (i32, i32) {
    %add3A = arith.constant 120 : i32
    %add3A_0 = arith.addi %add3A, %arg0 : i32
    %c0_i32 = arith.constant 0 : i32
    %c0_i32_1 = arith.constant 0 : i32
    return %add3A_0, %c0_i32 : i32, i32
  }
  func.func @transform_7(%arg0: i32) -> (i32, i32) {
    %add3A = arith.constant 140 : i32
    %add3A_0 = arith.addi %add3A, %arg0 : i32
    %c0_i32 = arith.constant 0 : i32
    %c0_i32_1 = arith.constant 0 : i32
    return %add3A_0, %c0_i32 : i32, i32
  }
  func.func @transform_8(%arg0: i32) -> (i32, i32) {
    %c0_i32 = arith.constant 0 : i32
    %c0_i32_0 = arith.constant 0 : i32
    return %arg0, %c0_i32 : i32, i32
  }
  func.func @transform_9(%arg0: i32) -> (i32, i32) {
    %c0_i32 = arith.constant 0 : i32
    %c0_i32_0 = arith.constant 0 : i32
    %c0_i32_1 = arith.constant 0 : i32
    return %c0_i32, %c0_i32_0 : i32, i32
  }
  func.func @transform_10(%arg0: i32) -> (i32, i32) {
    %c0_i32 = arith.constant 0 : i32
    %c0_i32_0 = arith.constant 0 : i32
    %c0_i32_1 = arith.constant 0 : i32
    return %c0_i32, %c0_i32_0 : i32, i32
  }
  func.func @transform_11(%arg0: i32) -> (i32, i32) {
    %c0_i32 = arith.constant 0 : i32
    %c0_i32_0 = arith.constant 0 : i32
    %c0_i32_1 = arith.constant 0 : i32
    return %c0_i32, %c0_i32_0 : i32, i32
  }
  func.func @transform_12(%arg0: i32) -> (i32, i32) {
    %c0_i32 = arith.constant 0 : i32
    %c0_i32_0 = arith.constant 0 : i32
    %c0_i32_1 = arith.constant 0 : i32
    return %c0_i32, %c0_i32_0 : i32, i32
  }
  func.func @transform_13(%arg0: i32) -> (i32, i32) {
    %c0_i32 = arith.constant 0 : i32
    %c0_i32_0 = arith.constant 0 : i32
    %c0_i32_1 = arith.constant 0 : i32
    return %c0_i32, %c0_i32_0 : i32, i32
  }
  func.func @transform_14(%arg0: i32) -> (i32, i32) {
    %c0_i32 = arith.constant 0 : i32
    %c0_i32_0 = arith.constant 0 : i32
    %c0_i32_1 = arith.constant 0 : i32
    return %c0_i32, %c0_i32_0 : i32, i32
  }
  func.func @transform_15(%arg0: i32) -> (i32, i32) {
    %c0_i32 = arith.constant 0 : i32
    %c0_i32_0 = arith.constant 0 : i32
    return %arg0, %c0_i32 : i32, i32
  }
}

module attributes {stable_mosaic.version = 14 : i64} {
  func.func @body(%arg0: memref<1250x128xf32, #tpu.memory_space<vmem>>, %arg1: memref<1250x128xf32, #tpu.memory_space<vmem>>, %arg2: memref<1250x128xf32, #tpu.memory_space<vmem>>, %arg3: memref<128x128xbf16, #tpu.memory_space<vmem>>, %arg4: memref<1x128xf32, #tpu.memory_space<vmem>>, %arg5: memref<1250x128xf32, #tpu.memory_space<vmem>>) attributes {dimension_semantics = [], scalar_prefetch = 0 : i64, scratch_operands = 0 : i64, tpu.core_type = #tpu.core_type<tc>} {
    %get3A = arith.constant 0 : index
    %get3A_0 = arith.constant 0 : index
    %get3A_1 = vector.load %arg0[%get3A, %get3A_0] : memref<1250x128xf32, #tpu.memory_space<vmem>>, vector<1250x128xf32>
    %get3A_2 = arith.constant 0 : index
    %get3A_3 = arith.constant 0 : index
    %get3A_4 = vector.load %arg1[%get3A_2, %get3A_3] : memref<1250x128xf32, #tpu.memory_space<vmem>>, vector<1250x128xf32>
    %add3A = arith.addf %get3A_1, %get3A_4 : vector<1250x128xf32>
    %get3A_5 = arith.constant 0 : index
    %get3A_6 = arith.constant 0 : index
    %get3A_7 = vector.load %arg2[%get3A_5, %get3A_6] : memref<1250x128xf32, #tpu.memory_space<vmem>>, vector<1250x128xf32>
    %convert_element_type3A = arith.truncf %get3A_7 : vector<1250x128xf32> to vector<1250x128xbf16>
    %get3A_8 = arith.constant 0 : index
    %get3A_9 = arith.constant 0 : index
    %get3A_10 = vector.load %arg3[%get3A_8, %get3A_9] : memref<128x128xbf16, #tpu.memory_space<vmem>>, vector<128x128xbf16>
    %dot_general3A = arith.constant dense<0.000000e+00> : vector<1250x128xf32>
    %dot_general3A_11 = tpu.matmul %convert_element_type3A, %get3A_10, %dot_general3A {dimension_numbers = #tpu.dot_dimension_numbers<[1], [0], [0], [1], [0, 0, 1, 1], [], []>, transpose_lhs_hint = false} : vector<1250x128xbf16>, vector<128x128xbf16>, vector<1250x128xf32> -> vector<1250x128xf32>
    %add3A_12 = arith.addf %add3A, %dot_general3A_11 : vector<1250x128xf32>
    %get3A_13 = arith.constant 0 : index
    %get3A_14 = arith.constant 0 : index
    %get3A_15 = vector.load %arg4[%get3A_13, %get3A_14] : memref<1x128xf32, #tpu.memory_space<vmem>>, vector<1x128xf32>
    %add3A_16 = vector.broadcast %get3A_15 : vector<1x128xf32> to vector<1250x128xf32>
    %add3A_17 = arith.addf %add3A_12, %add3A_16 : vector<1250x128xf32>
    %max3A = arith.constant 0.000000e+00 : f32
    %max3A_18 = vector.broadcast %max3A : f32 to vector<1250x128xf32>
    %max3A_19 = arith.maximumf %add3A_17, %max3A_18 : vector<1250x128xf32>
    %swap3A = arith.constant 0 : index
    %swap3A_20 = arith.constant 0 : index
    %swap3A_21 = vector.load %arg5[%swap3A, %swap3A_20] : memref<1250x128xf32, #tpu.memory_space<vmem>>, vector<1250x128xf32>
    tpu.vector_store %arg5[%swap3A, %swap3A_20], %max3A_19 {strides = array<i32>} : memref<1250x128xf32, #tpu.memory_space<vmem>>, vector<1250x128xf32>,
    return
  }
}

module attributes {stable_mosaic.version = 14 : i64} {
  func.func @body(%arg0: memref<1250x128xf32, #tpu.memory_space<vmem>>, %arg1: memref<1250x128xf32, #tpu.memory_space<vmem>>, %arg2: memref<1250x128xf32, #tpu.memory_space<vmem>>, %arg3: memref<128x128xbf16, #tpu.memory_space<vmem>>, %arg4: memref<1x128xf32, #tpu.memory_space<vmem>>, %arg5: memref<1250x128xf32, #tpu.memory_space<vmem>>) attributes {dimension_semantics = [], scalar_prefetch = 0 : i64, scratch_operands = 0 : i64, tpu.core_type = #tpu.core_type<tc>} {
    %get3A = arith.constant 0 : index
    %get3A_0 = arith.constant 0 : index
    %get3A_1 = vector.load %arg0[%get3A, %get3A_0] : memref<1250x128xf32, #tpu.memory_space<vmem>>, vector<1250x128xf32>
    %get3A_2 = arith.constant 0 : index
    %get3A_3 = arith.constant 0 : index
    %get3A_4 = vector.load %arg1[%get3A_2, %get3A_3] : memref<1250x128xf32, #tpu.memory_space<vmem>>, vector<1250x128xf32>
    %add3A = arith.addf %get3A_1, %get3A_4 : vector<1250x128xf32>
    %get3A_5 = arith.constant 0 : index
    %get3A_6 = arith.constant 0 : index
    %get3A_7 = vector.load %arg2[%get3A_5, %get3A_6] : memref<1250x128xf32, #tpu.memory_space<vmem>>, vector<1250x128xf32>
    %convert_element_type3A = arith.truncf %get3A_7 : vector<1250x128xf32> to vector<1250x128xbf16>
    %get3A_8 = arith.constant 0 : index
    %get3A_9 = arith.constant 0 : index
    %get3A_10 = vector.load %arg3[%get3A_8, %get3A_9] : memref<128x128xbf16, #tpu.memory_space<vmem>>, vector<128x128xbf16>
    %dot_general3A = arith.constant dense<0.000000e+00> : vector<1250x128xf32>
    %dot_general3A_11 = tpu.matmul %convert_element_type3A, %get3A_10, %dot_general3A {dimension_numbers = #tpu.dot_dimension_numbers<[1], [0], [0], [1], [0, 0, 1, 1], [], []>, transpose_lhs_hint = false} : vector<1250x128xbf16>, vector<128x128xbf16>, vector<1250x128xf32> -> vector<1250x128xf32>
    %add3A_12 = arith.addf %add3A, %dot_general3A_11 : vector<1250x128xf32>
    %get3A_13 = arith.constant 0 : index
    %get3A_14 = arith.constant 0 : index
    %get3A_15 = vector.load %arg4[%get3A_13, %get3A_14] : memref<1x128xf32, #tpu.memory_space<vmem>>, vector<1x128xf32>
    %add3A_16 = vector.broadcast %get3A_15 : vector<1x128xf32> to vector<1250x128xf32>
    %add3A_17 = arith.addf %add3A_12, %add3A_16 : vector<1250x128xf32>
    %swap3A = arith.constant 0 : index
    %swap3A_18 = arith.constant 0 : index
    %swap3A_19 = vector.load %arg5[%swap3A, %swap3A_18] : memref<1250x128xf32, #tpu.memory_space<vmem>>, vector<1250x128xf32>
    tpu.vector_store %arg5[%swap3A, %swap3A_18], %add3A_17 {strides = array<i32>} : memref<1250x128xf32, #tpu.memory_space<vmem>>, vector<1250x128xf32>,
    return
  }
}

</mosaic_0001>

<sc_bundles>
// kernel: kernel.10.cloned.1.call-start
scs
__scs_entry_jumppad:
0x0: {  	(pc) =	sbr.rel $0x88, $3  }
0x1: {  	(tag) =	ssettag $0x0;
	lr =	simm.s32 $0x1  }
0x2: {  	[smem:$0x3F92] =	sst lr;
	_ =	strace $0xD0000000  }
0x3: {  	_ = 	snop  }
0x4: {  	_ = 	snop  }
0x5: {  	_ = 	snop  }
0x6: {  	_ = 	snop  }
0x7: {  	_ = 	snop  }
__scs_overlays_trampoline_lowered:
0x8: {  	[smem:$0x3FA1] =	sst s0  }
0x9: {  	[smem:$0x3FA2] =	sst s1  }
0xa: {  	[smem:$0x3FA3] =	sst s2  }
0xb: {  	[smem:$0x3FA4] =	sst s3  }
0xc: {  	[smem:$0x3FA5] =	sst s4  }
0xd: {  	[smem:$0x3FA6] =	sst s5  }
0xe: {  	[smem:$0x3FA7] =	sst s6  }
0xf: {  	[smem:$0x3FA8] =	sst s7  }
0x10: {  	[smem:$0x3FA9] =	sst s8  }
0x11: {  	[smem:$0x3FAA] =	sst s9;
	s0 =	simm.s32 @!p0 $0x0  }
0x12: {  	s1 =	sld [smem:$0x3F90];
	s0 =	simm.s32 @p0 $0x1  }
0x13: {  	[smem:$0x3FAB] =	sst s0;
	s0 =	simm.s32 @!p1 $0x0  }
0x14: {  	s2 =	sld [smem:$0x3F8F];
	s0 =	simm.s32 @p1 $0x1  }
0x15: {  	[smem:$0x3FAC] =	sst s0;
	s0 =	simm.s32 @!p2 $0x0  }
0x16: {  	s3 =	sld [smem:$0x3FDB];
	s0 =	simm.s32 @p2 $0x1  }
0x17: {  	s4 =	simm.s32 $0x1BF5;
	[smem:$0x3FAE] =	sst s0  }
0x18: {  	s0 =	sld [smem:$0x3F91];
	_ =	swait.ge [sflag:s4], $0x0  }
0x19: {  	s7 =	sld [smem:$0x3F92]  }
0x1a: {  	s8 =	sadd.s32 $0xFFFFE003, lr  }
0x1b: {  	s9 =	sadd.s32 $0xFFFFFEF7, lr;
	s5 =	simm.s32 $0xFFFFFFFF;
	p2 =	slt.u32 s8, $0xFFFFF086  }
0x1c: {  	p1 =	slt.u32 s9, $0xF7A;
	s5 =	simm.s32 @!p2 $0x0  }
0x1d: {  	s5 =	simm.s32 @p1 $0x1;
	p0 =	seq.s32 s7, s2  }
0x1e: {  	s7 =	smul.u32 @!p0 $0xF7A, s2;
	p2 =	seq.s32 @!p0 s5, $0x0  }
0x1f: {  	s9 =	smul.u32 $0xF7A, s1;
	s8 =	simm.s32 @!p0 $0x1BF5;
	p2 =	por !p2, p0  }
0x20: {  	[sflag:s8] =	ssyncset.s32 @!p0 $0xFFFFF086;
	s6 =	sadd.s32 @!p0 s3, s7;
	s7 =	simm.s32 @!p0 $0x108  }
0x21: {  	s3 =	sadd.s32 s3, s9;
	s6 =	sadd.s32 @!p0 $0x88, s6;
	s7 =	simm.s32 @p2 $0x1082  }
0x22: {  	[simem:s7], [sflag:s8] =	dma.local @!p0 [hbm:s6], $0xF7A  }
0x23: {  	s9 =	sor.u32 $0xD0000000, s2;
	s6 =	simm.s32 $0x108;
	_ =	swait.ge @!p0 [sflag:s8], $0x0  }
0x24: {  	s3 =	sadd.s32 $0x88, s3;
	s6 =	simm.s32 @!p1 $0x1082;
	[sflag:s4] =	ssyncset.s32 $0xFFFFF086  }
0x25: {  	[simem:s6], [sflag:s4] =	dma.local [hbm:s3], $0xF7A  }
0x26: {  	[smem:$0x3F92] =	sst s1;
	(tag) =	ssettag s2;
	_ =	strace s9  }
0x27: {  	s1 =	sld [smem:$0x3FA2]  }
0x28: {  	s2 =	sld [smem:$0x3FA3]  }
0x29: {  	s4 =	sld [smem:$0x3FA5]  }
0x2a: {  	p0 =	seq.s32 s5, $0x0;
	s5 =	sld [smem:$0x3FA6]  }
0x2b: {  	s6 =	sld [smem:$0x3FA7]  }
0x2c: {  	s7 =	sld [smem:$0x3FA8]  }
0x2d: {  	s3 =	simm.s32 $0x108;
	s8 =	sld [smem:$0x3FA9]  }
0x2e: {  	s3 =	simm.s32 @!p0 $0x1082;
	s9 =	sld [smem:$0x3FAA]  }
0x2f: {  	lr =	sadd.s32 s0, s3;
	s0 =	sld [smem:$0x3FA1]  }
0x30: {  	s3 =	sld [smem:$0x3FA4]  }
0x31: {  	[smem:$0x3FAD] =	sst s10  }
0x32: {  	s10 =	sld [smem:$0x3FAB];
	_ =	sdelay $0x3  }
0x33: {  	p0 =	seq.s32 s10, $0x1;
	s10 =	sld [smem:$0x3FAD];
	_ =	sdelay $0x3  }
0x34: {  	[smem:$0x3FAD] =	sst s10  }
0x35: {  	s10 =	sld [smem:$0x3FAC];
	_ =	sdelay $0x3  }
0x36: {  	p1 =	seq.s32 s10, $0x1;
	s10 =	sld [smem:$0x3FAD];
	_ =	sdelay $0x3  }
0x37: {  	[smem:$0x3FAD] =	sst s10  }
0x38: {  	s10 =	sld [smem:$0x3FAE]  }
0x39: {  	_ = 	snop;
	(pc) =	sbr.ind lr, $3  }
0x3a: {  	_ = 	snop  }
0x3b: {  	_ = 	snop  }
0x3c: {  	p2 =	seq.s32 s10, $0x1;
	s10 =	sld [smem:$0x3FAD]  }
0x3d: {  	_ =	shalt  }
0x3e: {  	_ =	shalt  }
0x3f: {  	_ =	shalt  }
0x40: {  	_ =	shalt  }
0x41: {  	_ =	shalt  }
0x42: {  	_ =	shalt  }
0x43: {  	_ =	shalt  }
0x44: {  	_ =	shalt  }
0x45: {  	_ =	shalt  }
0x46: {  	_ =	shalt  }
0x47: {  	_ =	shalt  }
0x48: {  	_ =	shalt  }
0x49: {  	_ =	shalt  }
0x4a: {  	_ =	shalt  }
0x4b: {  	_ =	shalt  }
0x4c: {  	_ =	shalt  }
0x4d: {  	_ =	shalt  }
0x4e: {  	_ =	shalt  }
0x4f: {  	_ =	shalt  }
0x50: {  	_ =	shalt  }
0x51: {  	_ =	shalt  }
0x52: {  	_ =	shalt  }
0x53: {  	_ =	shalt  }
0x54: {  	_ =	shalt  }
0x55: {  	_ =	shalt  }
0x56: {  	_ =	shalt  }
0x57: {  	_ =	shalt  }
0x58: {  	_ =	shalt  }
0x59: {  	_ =	shalt  }
0x5a: {  	_ =	shalt  }
0x5b: {  	_ =	shalt  }
0x5c: {  	_ =	shalt  }
0x5d: {  	_ =	shalt  }
0x5e: {  	_ =	shalt  }
0x5f: {  	_ =	shalt  }
0x60: {  	_ =	shalt  }
0x61: {  	_ =	shalt  }
0x62: {  	_ =	shalt  }
0x63: {  	_ =	shalt  }
0x64: {  	_ =	shalt  }
0x65: {  	_ =	shalt  }
0x66: {  	_ =	shalt  }
0x67: {  	_ =	shalt  }
0x68: {  	_ =	shalt  }
0x69: {  	_ =	shalt  }
0x6a: {  	_ =	shalt  }
0x6b: {  	_ =	shalt  }
0x6c: {  	_ =	shalt  }
0x6d: {  	_ =	shalt  }
0x6e: {  	_ =	shalt  }
0x6f: {  	_ =	shalt  }
0x70: {  	_ =	shalt  }
0x71: {  	_ =	shalt  }
0x72: {  	_ =	shalt  }
0x73: {  	_ =	shalt  }
0x74: {  	_ =	shalt  }
0x75: {  	_ =	shalt  }
0x76: {  	_ =	shalt  }
0x77: {  	_ =	shalt  }
0x78: {  	_ =	shalt  }
0x79: {  	_ =	shalt  }
0x7a: {  	_ =	shalt  }
0x7b: {  	_ =	shalt  }
0x7c: {  	_ =	shalt  }
0x7d: {  	_ =	shalt  }
0x7e: {  	_ =	shalt  }
0x7f: {  	_ =	shalt  }
0x80: {  	_ =	shalt  }
0x81: {  	_ =	shalt  }
0x82: {  	_ =	shalt  }
0x83: {  	_ =	shalt  }
0x84: {  	_ =	shalt  }
0x85: {  	_ =	shalt  }
0x86: {  	_ =	shalt  }
0x87: {  	_ =	shalt  }
.Lfunc_end0:
.L_simem_size_0:
called_computation_lowered:
.L_overlay_start_0:
0x88: {  	s2 =	sld [smem:$0x3FD9]  }
0x89: {  	s3 =	sld [smem:$0x3FFE];
	_ =	sdelay $0x1  }
0x8a: {  	s1 =	srdreg.scid  }
0x8b: {  	s0 =	sand.u32 $0x1, s1  }
0x8c: {  	s17 =	sshll.u32 s0, $0xA;
	s2 =	sadd.s32 s3, s2  }
0x8d: {  	s2 =	sadd.s32 s2, s17  }
0x8e: {  	[smem:$0x3FB9] =	sst s2  }
0x8f: {  	_ = 	snop  }
0x90: {  	s2 =	sld [smem:$0x3FD0];
	(tm) =	ssettm $0x1  }
0x91: {  	s18 =	sld [smem:$0x3FFB];
	_ =	sdelay $0x3  }
0x92: {  	_ =	strace s18  }
0x93: {  	s3 =	sld [smem:$0x3FFC];
	_ =	sdelay $0x3  }
0x94: {  	_ =	strace s3  }
0x95: {  	s3 =	sld [smem:$0x3FFD];
	_ =	sdelay $0x3  }
0x96: {  	_ =	strace s3  }
0x97: {  	_ =	strace $0x8FFFFFFF  }
0x98: {  	s19 =	sld [smem:$0x3FDB];
	_ =	sdelay $0x1  }
0x99: {  	s4 =	simm.s32 $_scs_section_size  }
0x9a: {  	s5 =	simm.s32 $_size__tile_overlayer_lowered;
	s6 =	simm.s32 $_tile_overlayer_lowered  }
0x9b: {  	s22 =	simm.s32 $0x1BFF;
	s21 =	sshll.u32 s6, $0x1;
	s3 =	sadd.s32 s4, s19  }
0x9c: {  	s7 =	simm.s32 $0x0;
	s20 =	sshll.u32 s5, $0x1;
	s5 =	sadd.s32 s21, s3  }
0x9d: {  	[timem:s7], [sflag:s22] =	dma.local [hbm:s5], s20  }
0x9e: {  	_ =	swait.ge [sflag:s22], s20  }
0x9f: {  	s4 =	ssub.s32 $0x0, s20;
	[sflag:s22] =	ssyncset.done $0x0  }
0xa0: {  	[sflag:s22] =	ssyncadd.s32 s4;
	_ =	sdelay $0x1  }
0xa1: {  	s23 =	simm.s32 $0x1B8B  }
0xa2: {  	_ =	swait.ge [sflag:s23], $0x1  }
0xa3: {  	[sflag:s23] =	ssyncset.done $0x0  }
0xa4: {  	s25 =	simm.s32 $0x1B8E;
	s24 =	sld [smem:$0x3FFE];
	[sflag:s23] =	ssyncadd.s32 $0xFFFFFFFF  }
0xa5: {  	s26 =	simm.s32 $execute0_lowered;
	[smem:$0x3FD2] =	sst s25  }
0xa6: {  	s5 =	sshll.u32 s26, $0x1;
	_ =	strace $0x80000046;
	[dreg:$0x1] =	wrdreg $0xFFFFFFFF  }
0xa7: {  	s28 =	simm.s32 $_size_execute0_lowered;
	s3 =	sadd.s32 s3, s5;
	[dreg:$0x0] =	wrdreg $0x0  }
0xa8: {  	s5 =	sshll.u32 s28, $0x1;
	[dreg:$0x2] =	wrdreg s3  }
0xa9: {  	[dreg:$0x3] =	wrdreg s5  }
0xaa: {  	[dreg:$0x4] =	wrdreg $0xC0  }
0xab: {  	_ =	task [dreg:s7], $0x5FFFF  }
0xac: {  	[dreg:$0x1] =	wrdreg $0xFFFFFFFF  }
0xad: {  	[dreg:$0x0] =	wrdreg $0x60  }
0xae: {  	[dreg:$0x2] =	wrdreg s2  }
0xaf: {  	[dreg:$0x3] =	wrdreg s24  }
0xb0: {  	[dreg:$0x4] =	wrdreg $0x9  }
0xb1: {  	_ =	task.clear_ibuf [dreg:s7], $0x5FFFF;
	_ =	strace $0x90000046  }
0xb2: {  	s29 =	simm.s32 $0x9;
	_ =	strace $0x80000048  }
0xb3: {  	_ =	swait.ge [sflag:s29], $0x1  }
0xb4: {  	[sflag:s29] =	ssyncadd.s32 $0xFFFFFFFF  }
0xb5: {  	_ =	strace $0x90000048  }
0xb6: {  	_ =	sfence  }
0xb7: {  	s30 =	sld [smem:$0x0];
	_ =	sdelay $0x2  }
0xb8: {  	s31 =	sshll.u32 s1, $0xD;
	s1 =	sshrl.u32 s1, $0x2  }
0xb9: {  	s3 =	sand.u32 $0x4000, s31;
	s1 =	sadd.s32 s1, s30  }
0xba: {  	s0 =	sor.u32 s3, s0;
	s1 =	sshll.u32 s1, $0x11  }
0xbb: {  	s0 =	sor.u32 s1, s0  }
0xbc: {  	s0 =	sadd.s32 $0x8F2B, s0  }
0xbd: {  	[sflag:s0] =	ssyncadd.remote.s32 $0x1  }
0xbe: {  	_ =	sfence.sel $0xFFFF  }
0xbf: {  	[dreg:$0x0] =	wrdreg $0xFFFFFFFF;
	(pc) =	sbr.abs _section_cstart, $3  }
0xc0: {  	[dreg:$0x1] =	wrdreg $0xFFFFFFFF  }
0xc1: {  	_ =	task.clear_ibuf [dreg:s7], $0x2FFFF;
	_ =	strace $0x9FFFFFFF  }
0xc2: {  	(tm) =	ssettm $0x7FFFFFFF  }
0xc3: {  	_ =	shalt  }
tec
execute0_lowered:
.L_overlay_start_1:
0x0: {  	(tag) =	ssettag $0x1  }
0x1: {  	s1 =	rddreg [dreg:$0x0]  }
0x2: {  	s4 =	rddreg [dreg:$0x1]  }
0x3: {  	s0 =	rddreg [dreg:$0x2];
	s2 =	simm.s32 $0x0  }
0x4: {  	s3 =	simm.s32 $0x2C10;
	[smem:$0x7FF] =	sst s2  }
0x5: {  	s9 =	simm.s32 $0x3110;
	_ =	strace $0x80000047;
	[dreg:$0x3] =	wrdreg s3  }
0x6: {  	s10 =	simm.s32 $0x3610;
	[dreg:$0x4] =	wrdreg s9  }
0x7: {  	s11 =	simm.s32 $0x3B10;
	[dreg:$0x5] =	wrdreg s10  }
0x8: {  	s6 =	simm.s32 $0x4010;
	[dreg:$0x6] =	wrdreg s11  }
0x9: {  	s12 =	simm.s32 $0x4510;
	[dreg:$0x7] =	wrdreg s6  }
0xa: {  	s13 =	simm.s32 $0x4A10;
	[dreg:$0x8] =	wrdreg s12  }
0xb: {  	s14 =	simm.s32 $0x4F10;
	[dreg:$0x9] =	wrdreg s13  }
0xc: {  	s15 =	simm.s32 $0x5410;
	[dreg:$0xa] =	wrdreg s14  }
0xd: {  	s16 =	simm.s32 $0x5910;
	[dreg:$0xb] =	wrdreg s15  }
0xe: {  	s17 =	simm.s32 $0x5E10;
	[dreg:$0xc] =	wrdreg s16  }
0xf: {  	s18 =	simm.s32 $0x6310;
	[dreg:$0xd] =	wrdreg s17  }
0x10: {  	s19 =	simm.s32 $0x6810;
	[dreg:$0xe] =	wrdreg s18  }
0x11: {  	s20 =	simm.s32 $0x6D10;
	[dreg:$0xf] =	wrdreg s19  }
0x12: {  	s21 =	simm.s32 $0x7210;
	[dreg:$0x10] =	wrdreg s20  }
0x13: {  	s23 =	simm.s32 $0x7710;
	[dreg:$0x11] =	wrdreg s21  }
0x14: {  	s24 =	simm.s32 $0x7C10;
	[dreg:$0x12] =	wrdreg s23  }
0x15: {  	s25 =	simm.s32 $0x8110;
	[dreg:$0x13] =	wrdreg s24  }
0x16: {  	s28 =	simm.s32 $0x8610;
	[dreg:$0x14] =	wrdreg s25  }
0x17: {  	s5 =	srdreg.scid;
	s29 =	simm.s32 $0x8B10;
	[dreg:$0x15] =	wrdreg s28  }
0x18: {  	s30 =	simm.s32 $0x9010;
	s31 =	simm.s32 $0x9510;
	[dreg:$0x16] =	wrdreg s29  }
0x19: {  	s5 =	sand.u32 $0x1, s5;
	s3 =	stileid.u32;
	[dreg:$0x17] =	wrdreg s30  }
0x1a: {  	[dreg:$0x18] =	wrdreg s31;
	s9 =	simm.s32 $0x9A10;
	s10 =	simm.s32 $0x9F10  }
0x1b: {  	s11 =	simm.s32 $0x10;
	s12 =	simm.s32 $0x80;
	s7 =	sshll.u32 s3, $0x1  }
0x1c: {  	s13 =	simm.s32 $0x0;
	s26 =	sand.u32 $0xE, s3;
	s7 =	sor.u32 s5, s7  }
0x1d: {  	[dreg:$0x19] =	wrdreg s9;
	s8 =	smul.u32 $0x4E2, s7;
	s7 =	sand.u32 $0x3, s7  }
0x1e: {  	s9 =	simm.s32 $0x2710;
	s5 =	ssub.s32 $0x2, s5;
	s7 =	smul.u32 $0x27100, s7  }
0x1f: {  	[dreg:$0x1a] =	wrdreg s10;
	s10 =	simm.s32 $0x1;
	s22 =	sshrl.u32 s5, $0x1  }
0x20: {  	s5 =	ssub.s32 s5, s22;
	s8 =	sadd.s32 s8, s4;
	s7 =	sadd.s32 s7, s4  }
0x21: {  	s5 =	smax.u32 s5, $0x1;
	s4 =	sadd.s32 $0x4600, s8;
	s7 =	sadd.s32 s26, s7  }
0x22: {  	s8 =	simm.s32 $0x50;
	s6 =	sadd.s32 $0x3F400, s7;
	s7 =	simm.s32 $0x2  }
.LBB2_1:
0x23: {  	[tilespmem:s2], [sflag:$0x2] =	stream.linear.gather [hbm4b:s4+s2], $0x2710, $0x38;
	[tilespmem:$0xA410] =	vst v63  }
0x24: {  	_ =	swait.ge [sflag:s7], $0x2710  }
0x25: {  	[sflag:s7] =	ssyncset.done $0x0  }
0x26: {  	s14 =	simm.s32 $0x0;
	[sflag:s7] =	ssyncadd.s32 $0xFFFFD8F0  }
0x27: {  	[tilespmem:s9], [sflag:$0x1] =	stream.indirect.gather [hbm4b:s1+s8], $0x10, s14, s8, $0xb8;
	[tilespmem:$0xA410] =	vst v63  }
0x28: {  	s29 =	simm.s32 $0x50;
	s15 =	rddreg [dreg:$0x3]  }
0x29: {  	[tilespmem:s15], [sflag:$0x1] =	stream.indirect.gather [hbm4b:s1+s8], $0x10, s29, s8, $0xb8;
	[tilespmem:$0xA410] =	vst v63  }
0x2a: {  	s31 =	simm.s32 $0xA0;
	s16 =	rddreg [dreg:$0x4]  }
0x2b: {  	[tilespmem:s16], [sflag:$0x1] =	stream.indirect.gather [hbm4b:s1+s8], $0x10, s31, s8, $0xb8;
	[tilespmem:$0xA410] =	vst v63  }
0x2c: {  	s17 =	simm.s32 $0xF0;
	s30 =	rddreg [dreg:$0x5]  }
0x2d: {  	[tilespmem:s30], [sflag:$0x1] =	stream.indirect.gather [hbm4b:s1+s8], $0x10, s17, s8, $0xb8;
	[tilespmem:$0xA410] =	vst v63  }
0x2e: {  	s20 =	simm.s32 $0x140;
	s18 =	rddreg [dreg:$0x6]  }
0x2f: {  	[tilespmem:s18], [sflag:$0x1] =	stream.indirect.gather [hbm4b:s1+s8], $0x10, s20, s8, $0xb8;
	[tilespmem:$0xA410] =	vst v63  }
0x30: {  	s21 =	simm.s32 $0x190;
	s19 =	rddreg [dreg:$0x7]  }
0x31: {  	[tilespmem:s19], [sflag:$0x1] =	stream.indirect.gather [hbm4b:s1+s8], $0x10, s21, s8, $0xb8;
	[tilespmem:$0xA410] =	vst v63  }
0x32: {  	s23 =	simm.s32 $0x1E0;
	s22 =	rddreg [dreg:$0x8]  }
0x33: {  	[tilespmem:s22], [sflag:$0x1] =	stream.indirect.gather [hbm4b:s1+s8], $0x10, s23, s8, $0xb8;
	[tilespmem:$0xA410] =	vst v63  }
0x34: {  	s25 =	simm.s32 $0x230;
	s24 =	rddreg [dreg:$0x9]  }
0x35: {  	[tilespmem:s24], [sflag:$0x1] =	stream.indirect.gather [hbm4b:s1+s8], $0x10, s25, s8, $0xb8;
	[tilespmem:$0xA410] =	vst v63  }
0x36: {  	s28 =	simm.s32 $0x280;
	s26 =	rddreg [dreg:$0xa]  }
0x37: {  	[tilespmem:s26], [sflag:$0x1] =	stream.indirect.gather [hbm4b:s1+s8], $0x10, s28, s8, $0xb8;
	[tilespmem:$0xA410] =	vst v63  }
0x38: {  	s29 =	rddreg [dreg:$0xb];
	s31 =	simm.s32 $0x2D0  }
0x39: {  	[tilespmem:s29], [sflag:$0x1] =	stream.indirect.gather [hbm4b:s1+s8], $0x10, s31, s8, $0xb8;
	[tilespmem:$0xA410] =	vst v63  }
0x3a: {  	s30 =	rddreg [dreg:$0xc];
	s17 =	simm.s32 $0x320  }
0x3b: {  	[tilespmem:s30], [sflag:$0x1] =	stream.indirect.gather [hbm4b:s1+s8], $0x10, s17, s8, $0xb8;
	[tilespmem:$0xA410] =	vst v63  }
0x3c: {  	s18 =	rddreg [dreg:$0xd];
	s20 =	simm.s32 $0x370  }
0x3d: {  	[tilespmem:s18], [sflag:$0x1] =	stream.indirect.gather [hbm4b:s1+s8], $0x10, s20, s8, $0xb8;
	[tilespmem:$0xA410] =	vst v63  }
0x3e: {  	s19 =	rddreg [dreg:$0xe];
	s21 =	simm.s32 $0x3C0  }
0x3f: {  	[tilespmem:s19], [sflag:$0x1] =	stream.indirect.gather [hbm4b:s1+s8], $0x10, s21, s8, $0xb8;
	[tilespmem:$0xA410] =	vst v63  }
0x40: {  	s22 =	rddreg [dreg:$0xf];
	s23 =	simm.s32 $0x410  }
0x41: {  	[tilespmem:s22], [sflag:$0x1] =	stream.indirect.gather [hbm4b:s1+s8], $0x10, s23, s8, $0xb8;
	[tilespmem:$0xA410] =	vst v63  }
0x42: {  	s24 =	rddreg [dreg:$0x10];
	s26 =	simm.s32 $0x460  }
0x43: {  	[tilespmem:s24], [sflag:$0x1] =	stream.indirect.gather [hbm4b:s1+s8], $0x10, s26, s8, $0xb8;
	[tilespmem:$0xA410] =	vst v63  }
0x44: {  	s25 =	rddreg [dreg:$0x11];
	s28 =	simm.s32 $0x4B0  }
0x45: {  	[tilespmem:s25], [sflag:$0x1] =	stream.indirect.gather [hbm4b:s1+s8], $0x10, s28, s8, $0xb8;
	[tilespmem:$0xA410] =	vst v63  }
0x46: {  	s29 =	rddreg [dreg:$0x12];
	s30 =	simm.s32 $0x500  }
0x47: {  	[tilespmem:s29], [sflag:$0x1] =	stream.indirect.gather [hbm4b:s1+s8], $0x10, s30, s8, $0xb8;
	[tilespmem:$0xA410] =	vst v63  }
0x48: {  	s16 =	simm.s32 $0x550;
	s31 =	rddreg [dreg:$0x13]  }
0x49: {  	[tilespmem:s31], [sflag:$0x1] =	stream.indirect.gather [hbm4b:s1+s8], $0x10, s16, s8, $0xb8;
	[tilespmem:$0xA410] =	vst v63  }
0x4a: {  	s17 =	rddreg [dreg:$0x14];
	s19 =	simm.s32 $0x5A0  }
0x4b: {  	[tilespmem:s17], [sflag:$0x1] =	stream.indirect.gather [hbm4b:s1+s8], $0x10, s19, s8, $0xb8;
	[tilespmem:$0xA410] =	vst v63  }
0x4c: {  	s18 =	rddreg [dreg:$0x15];
	s20 =	simm.s32 $0x5F0  }
0x4d: {  	[tilespmem:s18], [sflag:$0x1] =	stream.indirect.gather [hbm4b:s1+s8], $0x10, s20, s8, $0xb8;
	[tilespmem:$0xA410] =	vst v63  }
0x4e: {  	s21 =	rddreg [dreg:$0x16];
	s22 =	simm.s32 $0x640  }
0x4f: {  	[tilespmem:s21], [sflag:$0x1] =	stream.indirect.gather [hbm4b:s1+s8], $0x10, s22, s8, $0xb8;
	[tilespmem:$0xA410] =	vst v63  }
0x50: {  	s23 =	rddreg [dreg:$0x17];
	s24 =	simm.s32 $0x690  }
0x51: {  	[tilespmem:s23], [sflag:$0x1] =	stream.indirect.gather [hbm4b:s1+s8], $0x10, s24, s8, $0xb8;
	[tilespmem:$0xA410] =	vst v63  }
0x52: {  	s26 =	simm.s32 $0x6E0;
	s25 =	rddreg [dreg:$0x18]  }
0x53: {  	[tilespmem:s25], [sflag:$0x1] =	stream.indirect.gather [hbm4b:s1+s8], $0x10, s26, s8, $0xb8;
	[tilespmem:$0xA410] =	vst v63  }
0x54: {  	s28 =	rddreg [dreg:$0x19];
	s29 =	simm.s32 $0x730  }
0x55: {  	[tilespmem:s28], [sflag:$0x1] =	stream.indirect.gather [hbm4b:s1+s8], $0x10, s29, s8, $0xb8;
	[tilespmem:$0xA410] =	vst v63  }
0x56: {  	s30 =	rddreg [dreg:$0x1a];
	s31 =	simm.s32 $0x780  }
0x57: {  	[tilespmem:s30], [sflag:$0x1] =	stream.indirect.gather [hbm4b:s1+s8], $0x10, s31, s8, $0xb8;
	[tilespmem:$0xA410] =	vst v63  }
0x58: {  	_ =	swait.ge [sflag:s10], $0x500  }
0x59: {  	[sflag:s10] =	ssyncset.done $0x0  }
0x5a: {  	[sflag:s10] =	ssyncadd.s32 $0xFFFFFB00  }
0x5b: {  	_ =	swait.ge [sflag:s10], $0x500  }
0x5c: {  	[sflag:s10] =	ssyncset.done $0x0  }
0x5d: {  	[sflag:s10] =	ssyncadd.s32 $0xFFFFFB00  }
0x5e: {  	_ =	swait.ge [sflag:s10], $0x500  }
0x5f: {  	[sflag:s10] =	ssyncset.done $0x0  }
0x60: {  	[sflag:s10] =	ssyncadd.s32 $0xFFFFFB00  }
0x61: {  	_ =	swait.ge [sflag:s10], $0x500  }
0x62: {  	[sflag:s10] =	ssyncset.done $0x0  }
0x63: {  	[sflag:s10] =	ssyncadd.s32 $0xFFFFFB00  }
0x64: {  	_ =	swait.ge [sflag:s10], $0x500  }
0x65: {  	[sflag:s10] =	ssyncset.done $0x0  }
0x66: {  	[sflag:s10] =	ssyncadd.s32 $0xFFFFFB00  }
0x67: {  	_ =	swait.ge [sflag:s10], $0x500  }
0x68: {  	[sflag:s10] =	ssyncset.done $0x0  }
0x69: {  	[sflag:s10] =	ssyncadd.s32 $0xFFFFFB00  }
0x6a: {  	_ =	swait.ge [sflag:s10], $0x500  }
0x6b: {  	[sflag:s10] =	ssyncset.done $0x0  }
0x6c: {  	[sflag:s10] =	ssyncadd.s32 $0xFFFFFB00  }
0x6d: {  	_ =	swait.ge [sflag:s10], $0x500  }
0x6e: {  	[sflag:s10] =	ssyncset.done $0x0  }
0x6f: {  	[sflag:s10] =	ssyncadd.s32 $0xFFFFFB00  }
0x70: {  	_ =	swait.ge [sflag:s10], $0x500  }
0x71: {  	[sflag:s10] =	ssyncset.done $0x0  }
0x72: {  	[sflag:s10] =	ssyncadd.s32 $0xFFFFFB00  }
0x73: {  	_ =	swait.ge [sflag:s10], $0x500  }
0x74: {  	[sflag:s10] =	ssyncset.done $0x0  }
0x75: {  	[sflag:s10] =	ssyncadd.s32 $0xFFFFFB00  }
0x76: {  	_ =	swait.ge [sflag:s10], $0x500  }
0x77: {  	[sflag:s10] =	ssyncset.done $0x0  }
0x78: {  	[sflag:s10] =	ssyncadd.s32 $0xFFFFFB00  }
0x79: {  	_ =	swait.ge [sflag:s10], $0x500  }
0x7a: {  	[sflag:s10] =	ssyncset.done $0x0  }
0x7b: {  	[sflag:s10] =	ssyncadd.s32 $0xFFFFFB00  }
0x7c: {  	_ =	swait.ge [sflag:s10], $0x500  }
0x7d: {  	[sflag:s10] =	ssyncset.done $0x0  }
0x7e: {  	[sflag:s10] =	ssyncadd.s32 $0xFFFFFB00  }
0x7f: {  	_ =	swait.ge [sflag:s10], $0x500  }
0x80: {  	[sflag:s10] =	ssyncset.done $0x0  }
0x81: {  	[sflag:s10] =	ssyncadd.s32 $0xFFFFFB00  }
0x82: {  	_ =	swait.ge [sflag:s10], $0x500  }
0x83: {  	[sflag:s10] =	ssyncset.done $0x0  }
0x84: {  	[sflag:s10] =	ssyncadd.s32 $0xFFFFFB00  }
0x85: {  	_ =	swait.ge [sflag:s10], $0x500  }
0x86: {  	[sflag:s10] =	ssyncset.done $0x0  }
0x87: {  	[sflag:s10] =	ssyncadd.s32 $0xFFFFFB00  }
0x88: {  	_ =	swait.ge [sflag:s10], $0x500  }
0x89: {  	[sflag:s10] =	ssyncset.done $0x0  }
0x8a: {  	[sflag:s10] =	ssyncadd.s32 $0xFFFFFB00  }
0x8b: {  	_ =	swait.ge [sflag:s10], $0x500  }
0x8c: {  	[sflag:s10] =	ssyncset.done $0x0  }
0x8d: {  	[sflag:s10] =	ssyncadd.s32 $0xFFFFFB00  }
0x8e: {  	_ =	swait.ge [sflag:s10], $0x500  }
0x8f: {  	[sflag:s10] =	ssyncset.done $0x0  }
0x90: {  	[sflag:s10] =	ssyncadd.s32 $0xFFFFFB00  }
0x91: {  	_ =	swait.ge [sflag:s10], $0x500  }
0x92: {  	[sflag:s10] =	ssyncset.done $0x0  }
0x93: {  	[sflag:s10] =	ssyncadd.s32 $0xFFFFFB00  }
0x94: {  	_ =	swait.ge [sflag:s10], $0x500  }
0x95: {  	[sflag:s10] =	ssyncset.done $0x0  }
0x96: {  	[sflag:s10] =	ssyncadd.s32 $0xFFFFFB00  }
0x97: {  	_ =	swait.ge [sflag:s10], $0x500  }
0x98: {  	[sflag:s10] =	ssyncset.done $0x0  }
0x99: {  	[sflag:s10] =	ssyncadd.s32 $0xFFFFFB00  }
0x9a: {  	_ =	swait.ge [sflag:s10], $0x500  }
0x9b: {  	[sflag:s10] =	ssyncset.done $0x0  }
0x9c: {  	[sflag:s10] =	ssyncadd.s32 $0xFFFFFB00  }
0x9d: {  	_ =	swait.ge [sflag:s10], $0x500  }
0x9e: {  	[sflag:s10] =	ssyncset.done $0x0  }
0x9f: {  	[sflag:s10] =	ssyncadd.s32 $0xFFFFFB00  }
0xa0: {  	_ =	swait.ge [sflag:s10], $0x500  }
0xa1: {  	[sflag:s10] =	ssyncset.done $0x0  }
0xa2: {  	s14 =	sadd.s32 $0x7D00, s6;
	[sflag:s10] =	ssyncadd.s32 $0xFFFFFB00  }
0xa3: {  	[hbm4b:s6+s11] =	stream.strided.scatter [tilespmem:s9], [sflag:$0x2], $0x7D00, s12, s11, $0x38;
	[tilespmem:$0xA410] =	vst v63  }
0xa4: {  	s15 =	simm.s32 $0x7D0;
	s18 =	simm.s32 $0x3E80;
	_ =	swait.ge [sflag:s7], $0x7D00  }
.LBB2_2:
0xa5: {  	[sflag:s7] =	ssyncset.done $0x0  }
0xa6: {  	[sflag:s7] =	ssyncadd.s32 $0xFFFF8300  }
0xa7: {  	[tilespmem:s9], [sflag:$0x1] =	stream.indirect.gather [hbm4b:s1+s8], $0x10, s15, s8, $0xb8;
	[tilespmem:$0xA410] =	vst v63  }
0xa8: {  	s19 =	rddreg [dreg:$0x3];
	s20 =	sadd.s32 $0x50, s15  }
0xa9: {  	[tilespmem:s19], [sflag:$0x1] =	stream.indirect.gather [hbm4b:s1+s8], $0x10, s20, s8, $0xb8;
	[tilespmem:$0xA410] =	vst v63  }
0xaa: {  	s22 =	sadd.s32 $0xA0, s15;
	s23 =	rddreg [dreg:$0x4]  }
0xab: {  	[tilespmem:s23], [sflag:$0x1] =	stream.indirect.gather [hbm4b:s1+s8], $0x10, s22, s8, $0xb8;
	[tilespmem:$0xA410] =	vst v63  }
0xac: {  	s21 =	rddreg [dreg:$0x5];
	s24 =	sadd.s32 $0xF0, s15  }
0xad: {  	[tilespmem:s21], [sflag:$0x1] =	stream.indirect.gather [hbm4b:s1+s8], $0x10, s24, s8, $0xb8;
	[tilespmem:$0xA410] =	vst v63  }
0xae: {  	s26 =	sadd.s32 $0x140, s15;
	s28 =	rddreg [dreg:$0x6]  }
0xaf: {  	[tilespmem:s28], [sflag:$0x1] =	stream.indirect.gather [hbm4b:s1+s8], $0x10, s26, s8, $0xb8;
	[tilespmem:$0xA410] =	vst v63  }
0xb0: {  	s25 =	rddreg [dreg:$0x7];
	s29 =	sadd.s32 $0x190, s15  }
0xb1: {  	[tilespmem:s25], [sflag:$0x1] =	stream.indirect.gather [hbm4b:s1+s8], $0x10, s29, s8, $0xb8;
	[tilespmem:$0xA410] =	vst v63  }
0xb2: {  	s30 =	rddreg [dreg:$0x8];
	s31 =	sadd.s32 $0x1E0, s15  }
0xb3: {  	[tilespmem:s30], [sflag:$0x1] =	stream.indirect.gather [hbm4b:s1+s8], $0x10, s31, s8, $0xb8;
	[tilespmem:$0xA410] =	vst v63  }
0xb4: {  	s23 =	sadd.s32 $0x230, s15;
	s24 =	rddreg [dreg:$0x9]  }
0xb5: {  	[tilespmem:s24], [sflag:$0x1] =	stream.indirect.gather [hbm4b:s1+s8], $0x10, s23, s8, $0xb8;
	[tilespmem:$0xA410] =	vst v63  }
0xb6: {  	s26 =	rddreg [dreg:$0xa];
	s25 =	sadd.s32 $0x280, s15  }
0xb7: {  	[tilespmem:s26], [sflag:$0x1] =	stream.indirect.gather [hbm4b:s1+s8], $0x10, s25, s8, $0xb8;
	[tilespmem:$0xA410] =	vst v63  }
0xb8: {  	s28 =	sadd.s32 $0x2D0, s15;
	s29 =	rddreg [dreg:$0xb]  }
0xb9: {  	[tilespmem:s29], [sflag:$0x1] =	stream.indirect.gather [hbm4b:s1+s8], $0x10, s28, s8, $0xb8;
	[tilespmem:$0xA410] =	vst v63  }
0xba: {  	s22 =	rddreg [dreg:$0xc];
	s30 =	sadd.s32 $0x320, s15  }
0xbb: {  	[tilespmem:s22], [sflag:$0x1] =	stream.indirect.gather [hbm4b:s1+s8], $0x10, s30, s8, $0xb8;
	[tilespmem:$0xA410] =	vst v63  }
0xbc: {  	s19 =	sadd.s32 $0x370, s15;
	s23 =	rddreg [dreg:$0xd]  }
0xbd: {  	[tilespmem:s23], [sflag:$0x1] =	stream.indirect.gather [hbm4b:s1+s8], $0x10, s19, s8, $0xb8;
	[tilespmem:$0xA410] =	vst v63  }
0xbe: {  	s31 =	rddreg [dreg:$0xe];
	s24 =	sadd.s32 $0x3C0, s15  }
0xbf: {  	[tilespmem:s31], [sflag:$0x1] =	stream.indirect.gather [hbm4b:s1+s8], $0x10, s24, s8, $0xb8;
	[tilespmem:$0xA410] =	vst v63  }
0xc0: {  	s25 =	rddreg [dreg:$0xf];
	s26 =	sadd.s32 $0x410, s15  }
0xc1: {  	[tilespmem:s25], [sflag:$0x1] =	stream.indirect.gather [hbm4b:s1+s8], $0x10, s26, s8, $0xb8;
	[tilespmem:$0xA410] =	vst v63  }
0xc2: {  	s29 =	sadd.s32 $0x460, s15;
	s30 =	rddreg [dreg:$0x10]  }
0xc3: {  	[tilespmem:s30], [sflag:$0x1] =	stream.indirect.gather [hbm4b:s1+s8], $0x10, s29, s8, $0xb8;
	[tilespmem:$0xA410] =	vst v63  }
0xc4: {  	s28 =	rddreg [dreg:$0x11];
	s31 =	sadd.s32 $0x4B0, s15  }
0xc5: {  	[tilespmem:s28], [sflag:$0x1] =	stream.indirect.gather [hbm4b:s1+s8], $0x10, s31, s8, $0xb8;
	[tilespmem:$0xA410] =	vst v63  }
0xc6: {  	s23 =	sadd.s32 $0x500, s15;
	s24 =	rddreg [dreg:$0x12]  }
0xc7: {  	[tilespmem:s24], [sflag:$0x1] =	stream.indirect.gather [hbm4b:s1+s8], $0x10, s23, s8, $0xb8;
	[tilespmem:$0xA410] =	vst v63  }
0xc8: {  	s25 =	sadd.s32 $0x550, s15;
	s26 =	rddreg [dreg:$0x13]  }
0xc9: {  	[tilespmem:s26], [sflag:$0x1] =	stream.indirect.gather [hbm4b:s1+s8], $0x10, s25, s8, $0xb8;
	[tilespmem:$0xA410] =	vst v63  }
0xca: {  	s29 =	rddreg [dreg:$0x14];
	s28 =	sadd.s32 $0x5A0, s15  }
0xcb: {  	[tilespmem:s29], [sflag:$0x1] =	stream.indirect.gather [hbm4b:s1+s8], $0x10, s28, s8, $0xb8;
	[tilespmem:$0xA410] =	vst v63  }
0xcc: {  	s22 =	rddreg [dreg:$0x15];
	s30 =	sadd.s32 $0x5F0, s15  }
0xcd: {  	[tilespmem:s22], [sflag:$0x1] =	stream.indirect.gather [hbm4b:s1+s8], $0x10, s30, s8, $0xb8;
	[tilespmem:$0xA410] =	vst v63  }
0xce: {  	s21 =	sadd.s32 $0x640, s15;
	s31 =	rddreg [dreg:$0x16]  }
0xcf: {  	[tilespmem:s31], [sflag:$0x1] =	stream.indirect.gather [hbm4b:s1+s8], $0x10, s21, s8, $0xb8;
	[tilespmem:$0xA410] =	vst v63  }
0xd0: {  	s23 =	rddreg [dreg:$0x17];
	s24 =	sadd.s32 $0x690, s15  }
0xd1: {  	[tilespmem:s23], [sflag:$0x1] =	stream.indirect.gather [hbm4b:s1+s8], $0x10, s24, s8, $0xb8;
	[tilespmem:$0xA410] =	vst v63  }
0xd2: {  	s25 =	rddreg [dreg:$0x18];
	s26 =	sadd.s32 $0x6E0, s15  }
0xd3: {  	[tilespmem:s25], [sflag:$0x1] =	stream.indirect.gather [hbm4b:s1+s8], $0x10, s26, s8, $0xb8;
	[tilespmem:$0xA410] =	vst v63  }
0xd4: {  	s28 =	rddreg [dreg:$0x19];
	s29 =	sadd.s32 $0x730, s15  }
0xd5: {  	[tilespmem:s28], [sflag:$0x1] =	stream.indirect.gather [hbm4b:s1+s8], $0x10, s29, s8, $0xb8;
	[tilespmem:$0xA410] =	vst v63  }
0xd6: {  	s30 =	rddreg [dreg:$0x1a];
	s31 =	sadd.s32 $0x780, s15  }
0xd7: {  	[tilespmem:s30], [sflag:$0x1] =	stream.indirect.gather [hbm4b:s1+s8], $0x10, s31, s8, $0xb8;
	[tilespmem:$0xA410] =	vst v63  }
0xd8: {  	_ =	swait.ge [sflag:s10], $0x500  }
0xd9: {  	[sflag:s10] =	ssyncset.done $0x0  }
0xda: {  	[sflag:s10] =	ssyncadd.s32 $0xFFFFFB00  }
0xdb: {  	_ =	swait.ge [sflag:s10], $0x500  }
0xdc: {  	[sflag:s10] =	ssyncset.done $0x0  }
0xdd: {  	[sflag:s10] =	ssyncadd.s32 $0xFFFFFB00  }
0xde: {  	_ =	swait.ge [sflag:s10], $0x500  }
0xdf: {  	[sflag:s10] =	ssyncset.done $0x0  }
0xe0: {  	[sflag:s10] =	ssyncadd.s32 $0xFFFFFB00  }
0xe1: {  	_ =	swait.ge [sflag:s10], $0x500  }
0xe2: {  	[sflag:s10] =	ssyncset.done $0x0  }
0xe3: {  	[sflag:s10] =	ssyncadd.s32 $0xFFFFFB00  }
0xe4: {  	_ =	swait.ge [sflag:s10], $0x500  }
0xe5: {  	[sflag:s10] =	ssyncset.done $0x0  }
0xe6: {  	[sflag:s10] =	ssyncadd.s32 $0xFFFFFB00  }
0xe7: {  	_ =	swait.ge [sflag:s10], $0x500  }
0xe8: {  	[sflag:s10] =	ssyncset.done $0x0  }
0xe9: {  	[sflag:s10] =	ssyncadd.s32 $0xFFFFFB00  }
0xea: {  	_ =	swait.ge [sflag:s10], $0x500  }
0xeb: {  	[sflag:s10] =	ssyncset.done $0x0  }
0xec: {  	[sflag:s10] =	ssyncadd.s32 $0xFFFFFB00  }
0xed: {  	_ =	swait.ge [sflag:s10], $0x500  }
0xee: {  	[sflag:s10] =	ssyncset.done $0x0  }
0xef: {  	[sflag:s10] =	ssyncadd.s32 $0xFFFFFB00  }
0xf0: {  	_ =	swait.ge [sflag:s10], $0x500  }
0xf1: {  	[sflag:s10] =	ssyncset.done $0x0  }
0xf2: {  	[sflag:s10] =	ssyncadd.s32 $0xFFFFFB00  }
0xf3: {  	_ =	swait.ge [sflag:s10], $0x500  }
0xf4: {  	[sflag:s10] =	ssyncset.done $0x0  }
0xf5: {  	[sflag:s10] =	ssyncadd.s32 $0xFFFFFB00  }
0xf6: {  	_ =	swait.ge [sflag:s10], $0x500  }
0xf7: {  	[sflag:s10] =	ssyncset.done $0x0  }
0xf8: {  	[sflag:s10] =	ssyncadd.s32 $0xFFFFFB00  }
0xf9: {  	_ =	swait.ge [sflag:s10], $0x500  }
0xfa: {  	[sflag:s10] =	ssyncset.done $0x0  }
0xfb: {  	[sflag:s10] =	ssyncadd.s32 $0xFFFFFB00  }
0xfc: {  	_ =	swait.ge [sflag:s10], $0x500  }
0xfd: {  	[sflag:s10] =	ssyncset.done $0x0  }
0xfe: {  	[sflag:s10] =	ssyncadd.s32 $0xFFFFFB00  }
0xff: {  	_ =	swait.ge [sflag:s10], $0x500  }
0x100: {  	[sflag:s10] =	ssyncset.done $0x0  }
0x101: {  	[sflag:s10] =	ssyncadd.s32 $0xFFFFFB00  }
0x102: {  	_ =	swait.ge [sflag:s10], $0x500  }
0x103: {  	[sflag:s10] =	ssyncset.done $0x0  }
0x104: {  	[sflag:s10] =	ssyncadd.s32 $0xFFFFFB00  }
0x105: {  	_ =	swait.ge [sflag:s10], $0x500  }
0x106: {  	[sflag:s10] =	ssyncset.done $0x0  }
0x107: {  	[sflag:s10] =	ssyncadd.s32 $0xFFFFFB00  }
0x108: {  	_ =	swait.ge [sflag:s10], $0x500  }
0x109: {  	[sflag:s10] =	ssyncset.done $0x0  }
0x10a: {  	[sflag:s10] =	ssyncadd.s32 $0xFFFFFB00  }
0x10b: {  	_ =	swait.ge [sflag:s10], $0x500  }
0x10c: {  	[sflag:s10] =	ssyncset.done $0x0  }
0x10d: {  	[sflag:s10] =	ssyncadd.s32 $0xFFFFFB00  }
0x10e: {  	_ =	swait.ge [sflag:s10], $0x500  }
0x10f: {  	[sflag:s10] =	ssyncset.done $0x0  }
0x110: {  	[sflag:s10] =	ssyncadd.s32 $0xFFFFFB00  }
0x111: {  	_ =	swait.ge [sflag:s10], $0x500  }
0x112: {  	[sflag:s10] =	ssyncset.done $0x0  }
0x113: {  	[sflag:s10] =	ssyncadd.s32 $0xFFFFFB00  }
0x114: {  	_ =	swait.ge [sflag:s10], $0x500  }
0x115: {  	[sflag:s10] =	ssyncset.done $0x0  }
0x116: {  	[sflag:s10] =	ssyncadd.s32 $0xFFFFFB00  }
0x117: {  	_ =	swait.ge [sflag:s10], $0x500  }
0x118: {  	[sflag:s10] =	ssyncset.done $0x0  }
0x119: {  	[sflag:s10] =	ssyncadd.s32 $0xFFFFFB00  }
0x11a: {  	_ =	swait.ge [sflag:s10], $0x500  }
0x11b: {  	[sflag:s10] =	ssyncset.done $0x0  }
0x11c: {  	[sflag:s10] =	ssyncadd.s32 $0xFFFFFB00  }
0x11d: {  	_ =	swait.ge [sflag:s10], $0x500  }
0x11e: {  	[sflag:s10] =	ssyncset.done $0x0  }
0x11f: {  	p0 =	sne.s32 s18, $0x7D00;
	[sflag:s10] =	ssyncadd.s32 $0xFFFFFB00  }
.Ltmp0:
0x120: {  	s16 =	smov.u32 s18;
	_ =	swait.ge [sflag:s10], $0x500;
	(pc) =	sbr.rel @p0 .LBB2_2-.Ltmp0, $4  }
0x121: {  	s16 =	sadd.s32 $0x1F40, s18;
	[sflag:s10] =	ssyncset.done $0x0  }
0x122: {  	s17 =	sshra.s32 s18, $0x2;
	s18 =	smov.u32 s16;
	[sflag:s10] =	ssyncadd.s32 $0xFFFFFB00  }
0x123: {  	[hbm4b:s14+s11] =	stream.strided.scatter [tilespmem:s9], [sflag:$0x2], $0x7D00, s12, s11, $0x38;
	[tilespmem:$0xA410] =	vst v63  }
0x124: {  	s15 =	smov.u32 s17;
	s14 =	sadd.s32 $0x7D00, s14;
	_ =	swait.ge [sflag:s7], $0x7D00  }
0x125: {  	[sflag:s7] =	ssyncset.done $0x0  }
0x126: {  	[sflag:s7] =	ssyncadd.s32 $0xFFFF8300  }
0x127: {  	[tilespmem:s9], [sflag:$0x1] =	stream.indirect.gather [hbm4b:s1+s8], $0x10, s15, s8, $0xb8;
	[tilespmem:$0xA410] =	vst v63  }
0x128: {  	s16 =	rddreg [dreg:$0x3];
	s17 =	sadd.s32 $0x50, s15  }
0x129: {  	[tilespmem:s16], [sflag:$0x1] =	stream.indirect.gather [hbm4b:s1+s8], $0x10, s17, s8, $0xb8;
	[tilespmem:$0xA410] =	vst v63  }
0x12a: {  	s18 =	rddreg [dreg:$0x4];
	s24 =	sadd.s32 $0xA0, s15  }
0x12b: {  	[tilespmem:s18], [sflag:$0x1] =	stream.indirect.gather [hbm4b:s1+s8], $0x10, s24, s8, $0xb8;
	[tilespmem:$0xA410] =	vst v63  }
0x12c: {  	s23 =	rddreg [dreg:$0x5];
	s25 =	sadd.s32 $0xF0, s15  }
0x12d: {  	[tilespmem:s23], [sflag:$0x1] =	stream.indirect.gather [hbm4b:s1+s8], $0x10, s25, s8, $0xb8;
	[tilespmem:$0xA410] =	vst v63  }
0x12e: {  	s26 =	rddreg [dreg:$0x6];
	s29 =	sadd.s32 $0x140, s15  }
0x12f: {  	[tilespmem:s26], [sflag:$0x1] =	stream.indirect.gather [hbm4b:s1+s8], $0x10, s29, s8, $0xb8;
	[tilespmem:$0xA410] =	vst v63  }
0x130: {  	s28 =	rddreg [dreg:$0x7];
	s30 =	sadd.s32 $0x190, s15  }
0x131: {  	[tilespmem:s28], [sflag:$0x1] =	stream.indirect.gather [hbm4b:s1+s8], $0x10, s30, s8, $0xb8;
	[tilespmem:$0xA410] =	vst v63  }
0x132: {  	s31 =	rddreg [dreg:$0x8];
	s19 =	sadd.s32 $0x1E0, s15  }
0x133: {  	[tilespmem:s31], [sflag:$0x1] =	stream.indirect.gather [hbm4b:s1+s8], $0x10, s19, s8, $0xb8;
	[tilespmem:$0xA410] =	vst v63  }
0x134: {  	s20 =	rddreg [dreg:$0x9];
	s21 =	sadd.s32 $0x230, s15  }
0x135: {  	[tilespmem:s20], [sflag:$0x1] =	stream.indirect.gather [hbm4b:s1+s8], $0x10, s21, s8, $0xb8;
	[tilespmem:$0xA410] =	vst v63  }
0x136: {  	s22 =	rddreg [dreg:$0xa];
	s23 =	sadd.s32 $0x280, s15  }
0x137: {  	[tilespmem:s22], [sflag:$0x1] =	stream.indirect.gather [hbm4b:s1+s8], $0x10, s23, s8, $0xb8;
	[tilespmem:$0xA410] =	vst v63  }
0x138: {  	s24 =	rddreg [dreg:$0xb];
	s26 =	sadd.s32 $0x2D0, s15  }
0x139: {  	[tilespmem:s24], [sflag:$0x1] =	stream.indirect.gather [hbm4b:s1+s8], $0x10, s26, s8, $0xb8;
	[tilespmem:$0xA410] =	vst v63  }
0x13a: {  	s25 =	rddreg [dreg:$0xc];
	s28 =	sadd.s32 $0x320, s15  }
0x13b: {  	[tilespmem:s25], [sflag:$0x1] =	stream.indirect.gather [hbm4b:s1+s8], $0x10, s28, s8, $0xb8;
	[tilespmem:$0xA410] =	vst v63  }
0x13c: {  	s29 =	rddreg [dreg:$0xd];
	s31 =	sadd.s32 $0x370, s15  }
0x13d: {  	[tilespmem:s29], [sflag:$0x1] =	stream.indirect.gather [hbm4b:s1+s8], $0x10, s31, s8, $0xb8;
	[tilespmem:$0xA410] =	vst v63  }
0x13e: {  	s18 =	sadd.s32 $0x3C0, s15;
	s30 =	rddreg [dreg:$0xe]  }
0x13f: {  	[tilespmem:s30], [sflag:$0x1] =	stream.indirect.gather [hbm4b:s1+s8], $0x10, s18, s8, $0xb8;
	[tilespmem:$0xA410] =	vst v63  }
0x140: {  	s19 =	rddreg [dreg:$0xf];
	s20 =	sadd.s32 $0x410, s15  }
0x141: {  	[tilespmem:s19], [sflag:$0x1] =	stream.indirect.gather [hbm4b:s1+s8], $0x10, s20, s8, $0xb8;
	[tilespmem:$0xA410] =	vst v63  }
0x142: {  	s21 =	rddreg [dreg:$0x10];
	s23 =	sadd.s32 $0x460, s15  }
0x143: {  	[tilespmem:s21], [sflag:$0x1] =	stream.indirect.gather [hbm4b:s1+s8], $0x10, s23, s8, $0xb8;
	[tilespmem:$0xA410] =	vst v63  }
0x144: {  	s22 =	rddreg [dreg:$0x11];
	s24 =	sadd.s32 $0x4B0, s15  }
0x145: {  	[tilespmem:s22], [sflag:$0x1] =	stream.indirect.gather [hbm4b:s1+s8], $0x10, s24, s8, $0xb8;
	[tilespmem:$0xA410] =	vst v63  }
0x146: {  	s26 =	sadd.s32 $0x500, s15;
	s25 =	rddreg [dreg:$0x12]  }
0x147: {  	[tilespmem:s25], [sflag:$0x1] =	stream.indirect.gather [hbm4b:s1+s8], $0x10, s26, s8, $0xb8;
	[tilespmem:$0xA410] =	vst v63  }
0x148: {  	s28 =	rddreg [dreg:$0x13];
	s29 =	sadd.s32 $0x550, s15  }
0x149: {  	[tilespmem:s28], [sflag:$0x1] =	stream.indirect.gather [hbm4b:s1+s8], $0x10, s29, s8, $0xb8;
	[tilespmem:$0xA410] =	vst v63  }
0x14a: {  	s30 =	rddreg [dreg:$0x14];
	s19 =	sadd.s32 $0x5A0, s15  }
0x14b: {  	[tilespmem:s30], [sflag:$0x1] =	stream.indirect.gather [hbm4b:s1+s8], $0x10, s19, s8, $0xb8;
	[tilespmem:$0xA410] =	vst v63  }
0x14c: {  	s31 =	rddreg [dreg:$0x15];
	s20 =	sadd.s32 $0x5F0, s15  }
0x14d: {  	[tilespmem:s31], [sflag:$0x1] =	stream.indirect.gather [hbm4b:s1+s8], $0x10, s20, s8, $0xb8;
	[tilespmem:$0xA410] =	vst v63  }
0x14e: {  	s21 =	rddreg [dreg:$0x16];
	s22 =	sadd.s32 $0x640, s15  }
0x14f: {  	[tilespmem:s21], [sflag:$0x1] =	stream.indirect.gather [hbm4b:s1+s8], $0x10, s22, s8, $0xb8;
	[tilespmem:$0xA410] =	vst v63  }
0x150: {  	s23 =	rddreg [dreg:$0x17];
	s24 =	sadd.s32 $0x690, s15  }
0x151: {  	[tilespmem:s23], [sflag:$0x1] =	stream.indirect.gather [hbm4b:s1+s8], $0x10, s24, s8, $0xb8;
	[tilespmem:$0xA410] =	vst v63  }
0x152: {  	s25 =	rddreg [dreg:$0x18];
	s26 =	sadd.s32 $0x6E0, s15  }
0x153: {  	[tilespmem:s25], [sflag:$0x1] =	stream.indirect.gather [hbm4b:s1+s8], $0x10, s26, s8, $0xb8;
	[tilespmem:$0xA410] =	vst v63  }
0x154: {  	s28 =	rddreg [dreg:$0x19];
	s29 =	sadd.s32 $0x730, s15  }
0x155: {  	[tilespmem:s28], [sflag:$0x1] =	stream.indirect.gather [hbm4b:s1+s8], $0x10, s29, s8, $0xb8;
	[tilespmem:$0xA410] =	vst v63  }
0x156: {  	s30 =	rddreg [dreg:$0x1a];
	s31 =	sadd.s32 $0x780, s15  }
0x157: {  	[tilespmem:s30], [sflag:$0x1] =	stream.indirect.gather [hbm4b:s1+s8], $0x10, s31, s8, $0xb8;
	[tilespmem:$0xA410] =	vst v63  }
0x158: {  	_ =	swait.ge [sflag:s10], $0x500  }
0x159: {  	[sflag:s10] =	ssyncset.done $0x0  }
0x15a: {  	[sflag:s10] =	ssyncadd.s32 $0xFFFFFB00  }
0x15b: {  	_ =	swait.ge [sflag:s10], $0x500  }
0x15c: {  	[sflag:s10] =	ssyncset.done $0x0  }
0x15d: {  	[sflag:s10] =	ssyncadd.s32 $0xFFFFFB00  }
0x15e: {  	_ =	swait.ge [sflag:s10], $0x500  }
0x15f: {  	[sflag:s10] =	ssyncset.done $0x0  }
0x160: {  	[sflag:s10] =	ssyncadd.s32 $0xFFFFFB00  }
0x161: {  	_ =	swait.ge [sflag:s10], $0x500  }
0x162: {  	[sflag:s10] =	ssyncset.done $0x0  }
0x163: {  	[sflag:s10] =	ssyncadd.s32 $0xFFFFFB00  }
0x164: {  	_ =	swait.ge [sflag:s10], $0x500  }
0x165: {  	[sflag:s10] =	ssyncset.done $0x0  }
0x166: {  	[sflag:s10] =	ssyncadd.s32 $0xFFFFFB00  }
0x167: {  	_ =	swait.ge [sflag:s10], $0x500  }
0x168: {  	[sflag:s10] =	ssyncset.done $0x0  }
0x169: {  	[sflag:s10] =	ssyncadd.s32 $0xFFFFFB00  }
0x16a: {  	_ =	swait.ge [sflag:s10], $0x500  }
0x16b: {  	[sflag:s10] =	ssyncset.done $0x0  }
0x16c: {  	[sflag:s10] =	ssyncadd.s32 $0xFFFFFB00  }
0x16d: {  	_ =	swait.ge [sflag:s10], $0x500  }
0x16e: {  	[sflag:s10] =	ssyncset.done $0x0  }
0x16f: {  	[sflag:s10] =	ssyncadd.s32 $0xFFFFFB00  }
0x170: {  	_ =	swait.ge [sflag:s10], $0x500  }
0x171: {  	[sflag:s10] =	ssyncset.done $0x0  }
0x172: {  	[sflag:s10] =	ssyncadd.s32 $0xFFFFFB00  }
0x173: {  	_ =	swait.ge [sflag:s10], $0x500  }
0x174: {  	[sflag:s10] =	ssyncset.done $0x0  }
0x175: {  	[sflag:s10] =	ssyncadd.s32 $0xFFFFFB00  }
0x176: {  	_ =	swait.ge [sflag:s10], $0x500  }
0x177: {  	[sflag:s10] =	ssyncset.done $0x0  }
0x178: {  	[sflag:s10] =	ssyncadd.s32 $0xFFFFFB00  }
0x179: {  	_ =	swait.ge [sflag:s10], $0x500  }
0x17a: {  	[sflag:s10] =	ssyncset.done $0x0  }
0x17b: {  	[sflag:s10] =	ssyncadd.s32 $0xFFFFFB00  }
0x17c: {  	_ =	swait.ge [sflag:s10], $0x500  }
0x17d: {  	[sflag:s10] =	ssyncset.done $0x0  }
0x17e: {  	[sflag:s10] =	ssyncadd.s32 $0xFFFFFB00  }
0x17f: {  	_ =	swait.ge [sflag:s10], $0x500  }
0x180: {  	[sflag:s10] =	ssyncset.done $0x0  }
0x181: {  	[sflag:s10] =	ssyncadd.s32 $0xFFFFFB00  }
0x182: {  	_ =	swait.ge [sflag:s10], $0x500  }
0x183: {  	[sflag:s10] =	ssyncset.done $0x0  }
0x184: {  	[sflag:s10] =	ssyncadd.s32 $0xFFFFFB00  }
0x185: {  	_ =	swait.ge [sflag:s10], $0x500  }
0x186: {  	[sflag:s10] =	ssyncset.done $0x0  }
0x187: {  	[sflag:s10] =	ssyncadd.s32 $0xFFFFFB00  }
0x188: {  	_ =	swait.ge [sflag:s10], $0x500  }
0x189: {  	[sflag:s10] =	ssyncset.done $0x0  }
0x18a: {  	[sflag:s10] =	ssyncadd.s32 $0xFFFFFB00  }
0x18b: {  	_ =	swait.ge [sflag:s10], $0x500  }
0x18c: {  	[sflag:s10] =	ssyncset.done $0x0  }
0x18d: {  	[sflag:s10] =	ssyncadd.s32 $0xFFFFFB00  }
0x18e: {  	_ =	swait.ge [sflag:s10], $0x500  }
0x18f: {  	[sflag:s10] =	ssyncset.done $0x0  }
0x190: {  	[sflag:s10] =	ssyncadd.s32 $0xFFFFFB00  }
0x191: {  	_ =	swait.ge [sflag:s10], $0x500  }
0x192: {  	[sflag:s10] =	ssyncset.done $0x0  }
0x193: {  	[sflag:s10] =	ssyncadd.s32 $0xFFFFFB00  }
0x194: {  	_ =	swait.ge [sflag:s10], $0x500  }
0x195: {  	[sflag:s10] =	ssyncset.done $0x0  }
0x196: {  	[sflag:s10] =	ssyncadd.s32 $0xFFFFFB00  }
0x197: {  	_ =	swait.ge [sflag:s10], $0x500  }
0x198: {  	[sflag:s10] =	ssyncset.done $0x0  }
0x199: {  	[sflag:s10] =	ssyncadd.s32 $0xFFFFFB00  }
0x19a: {  	_ =	swait.ge [sflag:s10], $0x500  }
0x19b: {  	[sflag:s10] =	ssyncset.done $0x0  }
0x19c: {  	[sflag:s10] =	ssyncadd.s32 $0xFFFFFB00  }
0x19d: {  	_ =	swait.ge [sflag:s10], $0x500  }
0x19e: {  	[sflag:s10] =	ssyncset.done $0x0  }
0x19f: {  	[sflag:s10] =	ssyncadd.s32 $0xFFFFFB00  }
0x1a0: {  	s13 =	sadd.s32 $0x1, s13;
	_ =	swait.ge [sflag:s10], $0x500  }
0x1a1: {  	p0 =	sne.s32 s13, s5;
	[sflag:s10] =	ssyncset.done $0x0  }
.Ltmp1:
0x1a2: {  	[sflag:s10] =	ssyncadd.s32 $0xFFFFFB00;
	(pc) =	sbr.rel @p0 .LBB2_1-.Ltmp1, $4  }
0x1a3: {  	[hbm4b:s14+s11] =	stream.strided.scatter [tilespmem:s9], [sflag:$0x2], $0x7D00, s12, s11, $0x38;
	[tilespmem:$0xA410] =	vst v63  }
0x1a4: {  	_ =	swait.ge [sflag:s7], $0x7D00  }
0x1a5: {  	[sflag:s7] =	ssyncset.done $0x0  }
0x1a6: {  	[sflag:s7] =	ssyncadd.s32 $0xFFFF8300  }
0x1a7: {  	_ =	sfence.sel $0x180000  }
0x1a8: {  	[bflag:$0x0] =	sbarrier.arrive $0xFFFF  }
0x1a9: {  	p0 =	sne.s32 s3, $0x0;
	_ =	strace $0x90000047  }
0x1aa: {  	s0 =	sadd.s32 @!p0 $0x100000, s0;
	[bflag:$0x2] =	sbarrier.arrive $0xFFFF  }
0x1ab: {  	[sflag:s0] =	ssyncadd.tile.s32 @!p0 $0x1;
	_ =	shalt  }
.Lfunc_end2:
_tile_overlayer_lowered:
.L_overlay_start_2:
0x1ac: {  	(tag) =	ssettag $0x2  }
0x1ad: {  	s0 =	rddreg [dreg:$0x0];
	s2 =	stileid.u32  }
0x1ae: {  	s1 =	rddreg [dreg:$0x1];
	p0 =	sne.s32 s2, $0x0  }
0x1af: {  	s3 =	rddreg [dreg:$0x2];
	[bflag:$0x3] =	sbarrier.arrive $0xFFFF;
	s2 =	simm.s32 @!p0 $0x1C02  }
0x1b0: {  	[timem:s3], [sflag:s2] =	dma.local @!p0 [hbm:s0], s1  }
0x1b1: {  	s0 =	simm.s32 @!p0 $0x2  }
0x1b2: {  	_ =	swait.ge @!p0 [sflag:s0], s1  }
0x1b3: {  	s1 =	ssub.s32 @!p0 $0x0, s1;
	[sflag:s0] =	ssyncset.done @!p0 $0x0  }
0x1b4: {  	[sflag:s0] =	ssyncadd.s32 @!p0 s1  }
0x1b5: {  	[bflag:$0x3] =	sbarrier.arrive $0xFFFF  }
0x1b6: {  	_ =	shalt  }

// kernel: kernel.13.cloned.1.call-start
scs
__scs_entry_jumppad:
0x0: {  	(pc) =	sbr.rel $0x88, $3  }
0x1: {  	(tag) =	ssettag $0x0;
	lr =	simm.s32 $0x1  }
0x2: {  	[smem:$0x3F92] =	sst lr;
	_ =	strace $0xD0000000  }
0x3: {  	_ = 	snop  }
0x4: {  	_ = 	snop  }
0x5: {  	_ = 	snop  }
0x6: {  	_ = 	snop  }
0x7: {  	_ = 	snop  }
__scs_overlays_trampoline_lowered:
0x8: {  	[smem:$0x3FA1] =	sst s0  }
0x9: {  	[smem:$0x3FA2] =	sst s1  }
0xa: {  	[smem:$0x3FA3] =	sst s2  }
0xb: {  	[smem:$0x3FA4] =	sst s3  }
0xc: {  	[smem:$0x3FA5] =	sst s4  }
0xd: {  	[smem:$0x3FA6] =	sst s5  }
0xe: {  	[smem:$0x3FA7] =	sst s6  }
0xf: {  	[smem:$0x3FA8] =	sst s7  }
0x10: {  	[smem:$0x3FA9] =	sst s8  }
0x11: {  	[smem:$0x3FAA] =	sst s9;
	s0 =	simm.s32 @!p0 $0x0  }
0x12: {  	s1 =	sld [smem:$0x3F90];
	s0 =	simm.s32 @p0 $0x1  }
0x13: {  	[smem:$0x3FAB] =	sst s0;
	s0 =	simm.s32 @!p1 $0x0  }
0x14: {  	s2 =	sld [smem:$0x3F8F];
	s0 =	simm.s32 @p1 $0x1  }
0x15: {  	[smem:$0x3FAC] =	sst s0;
	s0 =	simm.s32 @!p2 $0x0  }
0x16: {  	s3 =	sld [smem:$0x3FDB];
	s0 =	simm.s32 @p2 $0x1  }
0x17: {  	s4 =	simm.s32 $0x1BF5;
	[smem:$0x3FAE] =	sst s0  }
0x18: {  	s0 =	sld [smem:$0x3F91];
	_ =	swait.ge [sflag:s4], $0x0  }
0x19: {  	s7 =	sld [smem:$0x3F92]  }
0x1a: {  	s8 =	sadd.s32 $0xFFFFE003, lr  }
0x1b: {  	s9 =	sadd.s32 $0xFFFFFEF7, lr;
	s5 =	simm.s32 $0xFFFFFFFF;
	p2 =	slt.u32 s8, $0xFFFFF086  }
0x1c: {  	p1 =	slt.u32 s9, $0xF7A;
	s5 =	simm.s32 @!p2 $0x0  }
0x1d: {  	s5 =	simm.s32 @p1 $0x1;
	p0 =	seq.s32 s7, s2  }
0x1e: {  	s7 =	smul.u32 @!p0 $0xF7A, s2;
	p2 =	seq.s32 @!p0 s5, $0x0  }
0x1f: {  	s9 =	smul.u32 $0xF7A, s1;
	s8 =	simm.s32 @!p0 $0x1BF5;
	p2 =	por !p2, p0  }
0x20: {  	[sflag:s8] =	ssyncset.s32 @!p0 $0xFFFFF086;
	s6 =	sadd.s32 @!p0 s3, s7;
	s7 =	simm.s32 @!p0 $0x108  }
0x21: {  	s3 =	sadd.s32 s3, s9;
	s6 =	sadd.s32 @!p0 $0x88, s6;
	s7 =	simm.s32 @p2 $0x1082  }
0x22: {  	[simem:s7], [sflag:s8] =	dma.local @!p0 [hbm:s6], $0xF7A  }
0x23: {  	s9 =	sor.u32 $0xD0000000, s2;
	s6 =	simm.s32 $0x108;
	_ =	swait.ge @!p0 [sflag:s8], $0x0  }
0x24: {  	s3 =	sadd.s32 $0x88, s3;
	s6 =	simm.s32 @!p1 $0x1082;
	[sflag:s4] =	ssyncset.s32 $0xFFFFF086  }
0x25: {  	[simem:s6], [sflag:s4] =	dma.local [hbm:s3], $0xF7A  }
0x26: {  	[smem:$0x3F92] =	sst s1;
	(tag) =	ssettag s2;
	_ =	strace s9  }
0x27: {  	s1 =	sld [smem:$0x3FA2]  }
0x28: {  	s2 =	sld [smem:$0x3FA3]  }
0x29: {  	s4 =	sld [smem:$0x3FA5]  }
0x2a: {  	p0 =	seq.s32 s5, $0x0;
	s5 =	sld [smem:$0x3FA6]  }
0x2b: {  	s6 =	sld [smem:$0x3FA7]  }
0x2c: {  	s7 =	sld [smem:$0x3FA8]  }
0x2d: {  	s3 =	simm.s32 $0x108;
	s8 =	sld [smem:$0x3FA9]  }
0x2e: {  	s3 =	simm.s32 @!p0 $0x1082;
	s9 =	sld [smem:$0x3FAA]  }
0x2f: {  	lr =	sadd.s32 s0, s3;
	s0 =	sld [smem:$0x3FA1]  }
0x30: {  	s3 =	sld [smem:$0x3FA4]  }
0x31: {  	[smem:$0x3FAD] =	sst s10  }
0x32: {  	s10 =	sld [smem:$0x3FAB];
	_ =	sdelay $0x3  }
0x33: {  	p0 =	seq.s32 s10, $0x1;
	s10 =	sld [smem:$0x3FAD];
	_ =	sdelay $0x3  }
0x34: {  	[smem:$0x3FAD] =	sst s10  }
0x35: {  	s10 =	sld [smem:$0x3FAC];
	_ =	sdelay $0x3  }
0x36: {  	p1 =	seq.s32 s10, $0x1;
	s10 =	sld [smem:$0x3FAD];
	_ =	sdelay $0x3  }
0x37: {  	[smem:$0x3FAD] =	sst s10  }
0x38: {  	s10 =	sld [smem:$0x3FAE]  }
0x39: {  	_ = 	snop;
	(pc) =	sbr.ind lr, $3  }
0x3a: {  	_ = 	snop  }
0x3b: {  	_ = 	snop  }
0x3c: {  	p2 =	seq.s32 s10, $0x1;
	s10 =	sld [smem:$0x3FAD]  }
0x3d: {  	_ =	shalt  }
0x3e: {  	_ =	shalt  }
0x3f: {  	_ =	shalt  }
0x40: {  	_ =	shalt  }
0x41: {  	_ =	shalt  }
0x42: {  	_ =	shalt  }
0x43: {  	_ =	shalt  }
0x44: {  	_ =	shalt  }
0x45: {  	_ =	shalt  }
0x46: {  	_ =	shalt  }
0x47: {  	_ =	shalt  }
0x48: {  	_ =	shalt  }
0x49: {  	_ =	shalt  }
0x4a: {  	_ =	shalt  }
0x4b: {  	_ =	shalt  }
0x4c: {  	_ =	shalt  }
0x4d: {  	_ =	shalt  }
0x4e: {  	_ =	shalt  }
0x4f: {  	_ =	shalt  }
0x50: {  	_ =	shalt  }
0x51: {  	_ =	shalt  }
0x52: {  	_ =	shalt  }
0x53: {  	_ =	shalt  }
0x54: {  	_ =	shalt  }
0x55: {  	_ =	shalt  }
0x56: {  	_ =	shalt  }
0x57: {  	_ =	shalt  }
0x58: {  	_ =	shalt  }
0x59: {  	_ =	shalt  }
0x5a: {  	_ =	shalt  }
0x5b: {  	_ =	shalt  }
0x5c: {  	_ =	shalt  }
0x5d: {  	_ =	shalt  }
0x5e: {  	_ =	shalt  }
0x5f: {  	_ =	shalt  }
0x60: {  	_ =	shalt  }
0x61: {  	_ =	shalt  }
0x62: {  	_ =	shalt  }
0x63: {  	_ =	shalt  }
0x64: {  	_ =	shalt  }
0x65: {  	_ =	shalt  }
0x66: {  	_ =	shalt  }
0x67: {  	_ =	shalt  }
0x68: {  	_ =	shalt  }
0x69: {  	_ =	shalt  }
0x6a: {  	_ =	shalt  }
0x6b: {  	_ =	shalt  }
0x6c: {  	_ =	shalt  }
0x6d: {  	_ =	shalt  }
0x6e: {  	_ =	shalt  }
0x6f: {  	_ =	shalt  }
0x70: {  	_ =	shalt  }
0x71: {  	_ =	shalt  }
0x72: {  	_ =	shalt  }
0x73: {  	_ =	shalt  }
0x74: {  	_ =	shalt  }
0x75: {  	_ =	shalt  }
0x76: {  	_ =	shalt  }
0x77: {  	_ =	shalt  }
0x78: {  	_ =	shalt  }
0x79: {  	_ =	shalt  }
0x7a: {  	_ =	shalt  }
0x7b: {  	_ =	shalt  }
0x7c: {  	_ =	shalt  }
0x7d: {  	_ =	shalt  }
0x7e: {  	_ =	shalt  }
0x7f: {  	_ =	shalt  }
0x80: {  	_ =	shalt  }
0x81: {  	_ =	shalt  }
0x82: {  	_ =	shalt  }
0x83: {  	_ =	shalt  }
0x84: {  	_ =	shalt  }
0x85: {  	_ =	shalt  }
0x86: {  	_ =	shalt  }
0x87: {  	_ =	shalt  }
.Lfunc_end0:
.L_simem_size_0:
called_computation.1_lowered:
.L_overlay_start_0:
0x88: {  	s2 =	sld [smem:$0x3FD9]  }
0x89: {  	s3 =	sld [smem:$0x3FFE];
	_ =	sdelay $0x1  }
0x8a: {  	s1 =	srdreg.scid  }
0x8b: {  	s0 =	sand.u32 $0x1, s1  }
0x8c: {  	s16 =	sshll.u32 s0, $0xA;
	s2 =	sadd.s32 s3, s2  }
0x8d: {  	s2 =	sadd.s32 s2, s16  }
0x8e: {  	[smem:$0x3FB9] =	sst s2  }
0x8f: {  	_ = 	snop  }
0x90: {  	(tm) =	ssettm $0x1  }
0x91: {  	s17 =	sld [smem:$0x3FFB];
	_ =	sdelay $0x3  }
0x92: {  	_ =	strace s17  }
0x93: {  	s2 =	sld [smem:$0x3FFC];
	_ =	sdelay $0x3  }
0x94: {  	_ =	strace s2  }
0x95: {  	s2 =	sld [smem:$0x3FFD];
	_ =	sdelay $0x3  }
0x96: {  	_ =	strace s2  }
0x97: {  	_ =	strace $0x8FFFFFFF  }
0x98: {  	s18 =	sld [smem:$0x3FDB];
	_ =	sdelay $0x1  }
0x99: {  	s19 =	simm.s32 $_scs_section_size  }
0x9a: {  	s4 =	simm.s32 $_size__tile_overlayer_lowered;
	s5 =	simm.s32 $_tile_overlayer_lowered  }
0x9b: {  	s22 =	simm.s32 $0x1BFF;
	s21 =	sshll.u32 s5, $0x1;
	s2 =	sadd.s32 s19, s18  }
0x9c: {  	s6 =	simm.s32 $0x0;
	s20 =	sshll.u32 s4, $0x1;
	s4 =	sadd.s32 s21, s2  }
0x9d: {  	[timem:s6], [sflag:s22] =	dma.local [hbm:s4], s20  }
0x9e: {  	_ =	swait.ge [sflag:s22], s20  }
0x9f: {  	s3 =	ssub.s32 $0x0, s20;
	[sflag:s22] =	ssyncset.done $0x0  }
0xa0: {  	[sflag:s22] =	ssyncadd.s32 s3;
	_ =	sdelay $0x1  }
0xa1: {  	s23 =	simm.s32 $0x1B8B  }
0xa2: {  	_ =	swait.ge [sflag:s23], $0x1  }
0xa3: {  	[sflag:s23] =	ssyncset.done $0x0  }
0xa4: {  	s25 =	simm.s32 $0x1B8E;
	s24 =	sld [smem:$0x3FFE];
	[sflag:s23] =	ssyncadd.s32 $0xFFFFFFFF  }
0xa5: {  	s26 =	simm.s32 $execute0_lowered;
	[smem:$0x3FD2] =	sst s25  }
0xa6: {  	s4 =	sshll.u32 s26, $0x1;
	_ =	strace $0x80000049;
	[dreg:$0x1] =	wrdreg $0xFFFFFFFF  }
0xa7: {  	s28 =	simm.s32 $_size_execute0_lowered;
	s2 =	sadd.s32 s2, s4;
	[dreg:$0x0] =	wrdreg $0x0  }
0xa8: {  	s4 =	sshll.u32 s28, $0x1;
	[dreg:$0x2] =	wrdreg s2  }
0xa9: {  	[dreg:$0x3] =	wrdreg s4  }
0xaa: {  	[dreg:$0x4] =	wrdreg $0xC0  }
0xab: {  	_ =	task [dreg:s6], $0x5FFFF  }
0xac: {  	[dreg:$0x1] =	wrdreg $0xFFFFFFFF  }
0xad: {  	[dreg:$0x0] =	wrdreg $0x60  }
0xae: {  	[dreg:$0x2] =	wrdreg s24  }
0xaf: {  	[dreg:$0x3] =	wrdreg $0x0  }
0xb0: {  	[dreg:$0x4] =	wrdreg $0x9  }
0xb1: {  	_ =	task.clear_ibuf [dreg:s6], $0x5FFFF;
	_ =	strace $0x90000049  }
0xb2: {  	s29 =	simm.s32 $0x9;
	_ =	strace $0x8000004B  }
0xb3: {  	_ =	swait.ge [sflag:s29], $0x1  }
0xb4: {  	[sflag:s29] =	ssyncadd.s32 $0xFFFFFFFF  }
0xb5: {  	_ =	strace $0x9000004B  }
0xb6: {  	_ =	sfence  }
0xb7: {  	s30 =	sld [smem:$0x0];
	_ =	sdelay $0x2  }
0xb8: {  	s31 =	sshll.u32 s1, $0xD;
	s1 =	sshrl.u32 s1, $0x2  }
0xb9: {  	s3 =	sand.u32 $0x4000, s31;
	s1 =	sadd.s32 s1, s30  }
0xba: {  	s0 =	sor.u32 s3, s0;
	s1 =	sshll.u32 s1, $0x11  }
0xbb: {  	s0 =	sor.u32 s1, s0  }
0xbc: {  	s0 =	sadd.s32 $0x8F2B, s0  }
0xbd: {  	[sflag:s0] =	ssyncadd.remote.s32 $0x1  }
0xbe: {  	_ =	sfence.sel $0xFFFF  }
0xbf: {  	[dreg:$0x0] =	wrdreg $0xFFFFFFFF;
	(pc) =	sbr.abs _section_cstart, $3  }
0xc0: {  	[dreg:$0x1] =	wrdreg $0xFFFFFFFF  }
0xc1: {  	_ =	task.clear_ibuf [dreg:s6], $0x2FFFF;
	_ =	strace $0x9FFFFFFF  }
0xc2: {  	(tm) =	ssettm $0x7FFFFFFF  }
0xc3: {  	_ =	shalt  }
tec
execute0_lowered:
.L_overlay_start_1:
0x0: {  	(tag) =	ssettag $0x1  }
0x1: {  	s5 =	rddreg [dreg:$0x0]  }
0x2: {  	s2 =	rddreg [dreg:$0x1]  }
0x3: {  	s0 =	rddreg [dreg:$0x2];
	s3 =	simm.s32 $0x0  }
0x4: {  	s8 =	simm.s32 $0x10;
	[smem:$0x7FF] =	sst s3  }
0x5: {  	s25 =	simm.s32 $0x80;
	_ =	strace $0x8000004A;
	[dreg:$0x3] =	wrdreg s8  }
0x6: {  	s26 =	simm.s32 $0x5320;
	[dreg:$0x4] =	wrdreg s25  }
0x7: {  	s28 =	simm.s32 $0x5820;
	[dreg:$0x5] =	wrdreg s26  }
0x8: {  	s30 =	simm.s32 $0x5D20;
	[dreg:$0x6] =	wrdreg s28  }
0x9: {  	s11 =	simm.s32 $0x6220;
	[dreg:$0x7] =	wrdreg s30  }
0xa: {  	s12 =	simm.s32 $0x6C20;
	[dreg:$0x8] =	wrdreg s11  }
0xb: {  	s4 =	srdreg.scid;
	s13 =	simm.s32 $0x7120;
	[dreg:$0xa] =	wrdreg s12  }
0xc: {  	s1 =	stileid.u32;
	s14 =	simm.s32 $0x7620;
	[dreg:$0xb] =	wrdreg s13  }
0xd: {  	s15 =	simm.s32 $0x7B20;
	s17 =	simm.s32 $0x8020;
	[dreg:$0xc] =	wrdreg s14  }
0xe: {  	s19 =	simm.s32 $0x8520;
	s20 =	simm.s32 $0x8A20;
	[dreg:$0xd] =	wrdreg s15  }
0xf: {  	s22 =	simm.s32 $0x8F20;
	s23 =	simm.s32 $0x9420;
	[dreg:$0xe] =	wrdreg s17  }
0x10: {  	s6 =	sand.u32 $0x1, s4;
	s31 =	smul.u32 $0x4E2, s1;
	[dreg:$0xf] =	wrdreg s19  }
0x11: {  	s24 =	sshll.u32 s1, $0x1;
	s18 =	smul.u32 $0x9C40, s1;
	[dreg:$0x10] =	wrdreg s20  }
0x12: {  	s4 =	sor.u32 s6, s24;
	s10 =	smul.u32 $0x4E20, s6;
	[dreg:$0x11] =	wrdreg s22  }
0x13: {  	s11 =	simm.s32 $0x6720;
	s6 =	ssub.s32 $0x2, s6;
	[dreg:$0x12] =	wrdreg s23  }
0x14: {  	s24 =	simm.s32 $0x9920;
	s25 =	sand.u32 $0xE, s1;
	s26 =	simm.s32 $0x9E20  }
0x15: {  	s12 =	simm.s32 $0xA320;
	s28 =	simm.s32 $0xA820;
	[dreg:$0x9] =	wrdreg s11  }
0x16: {  	s30 =	simm.s32 $0xB220;
	s13 =	simm.s32 $0xBC20;
	[dreg:$0x13] =	wrdreg s24  }
0x17: {  	s15 =	simm.s32 $0xC120;
	s14 =	simm.s32 $0x50;
	[dreg:$0x14] =	wrdreg s26  }
0x18: {  	s17 =	simm.s32 $0x0;
	s7 =	sand.u32 $0x3, s4;
	[dreg:$0x15] =	wrdreg s12  }
0x19: {  	s4 =	smul.u32 $0x4E2, s4;
	s16 =	sshrl.u32 s6, $0x1;
	[dreg:$0x16] =	wrdreg s28  }
0x1a: {  	s21 =	sshrl.u32 s18, $0x2;
	[dreg:$0x18] =	wrdreg s30;
	s11 =	simm.s32 $0x2  }
0x1b: {  	s12 =	simm.s32 $0x2710;
	[dreg:$0x1a] =	wrdreg s13;
	s7 =	smul.u32 $0x27100, s7  }
0x1c: {  	s13 =	simm.s32 $0x4E20;
	[dreg:$0x1b] =	wrdreg s15;
	s15 =	simm.s32 $0xC620  }
0x1d: {  	s29 =	sadd.s32 s4, s5;
	s4 =	sadd.s32 $0x5BD800, s5;
	s9 =	sadd.s32 s7, s5  }
0x1e: {  	s7 =	sadd.s32 s31, s10;
	s10 =	ssub.s32 s6, s16;
	s6 =	sadd.s32 $0xE400, s29  }
0x1f: {  	s29 =	simm.s32 $0xAD20;
	s31 =	simm.s32 $0xB720;
	s16 =	simm.s32 $0x1  }
0x20: {  	s7 =	sadd.s32 s7, s5;
	s5 =	sadd.s32 s21, s2;
	s8 =	smax.u32 s10, $0x1  }
0x21: {  	s9 =	sadd.s32 s25, s9;
	[dreg:$0x17] =	wrdreg s29;
	s10 =	simm.s32 $0xCB20  }
0x22: {  	[dreg:$0x19] =	wrdreg s31;
	s7 =	sadd.s32 $0x5BDE00, s7;
	s9 =	sadd.s32 $0x3F400, s9  }
.LBB2_1:
0x23: {  	[tilespmem:s10], [sflag:$0x2] =	stream.linear.gather [hbm4b:s4+s3], $0x2710, $0x38;
	[tilespmem:$0xF230] =	vst v63  }
0x24: {  	_ =	swait.ge [sflag:s11], $0x2710  }
0x25: {  	[sflag:s11] =	ssyncset.done $0x0  }
0x26: {  	[sflag:s11] =	ssyncadd.s32 $0xFFFFD8F0  }
0x27: {  	[spmem:s5] =	stream.linear.scatter [tilespmem:s10], [sflag:$0x2], $0x2710, $0x38;
	[tilespmem:$0xF230] =	vst v63  }
0x28: {  	_ =	swait.ge [sflag:s11], $0x2710  }
0x29: {  	[sflag:s11] =	ssyncset.done $0x0  }
0x2a: {  	[sflag:s11] =	ssyncadd.s32 $0xFFFFD8F0  }
0x2b: {  	[bflag:$0x0] =	sbarrier.arrive $0xFFFF  }
0x2c: {  	[tilespmem:s12], [sflag:$0x2] =	stream.linear.gather [hbm4b:s6+s3], $0x2710, $0x38;
	[tilespmem:$0xF230] =	vst v63  }
0x2d: {  	_ =	swait.ge [sflag:s11], $0x2710  }
0x2e: {  	s18 =	rddreg [dreg:$0x3];
	[sflag:s11] =	ssyncset.done $0x0  }
0x2f: {  	s19 =	rddreg [dreg:$0x4];
	[sflag:s11] =	ssyncadd.s32 $0xFFFFD8F0  }
0x30: {  	[tilespmem:s13], [sflag:$0x2] =	stream.strided.gather [hbm4b:s9+s18], $0x7D00, s19, s18, $0x38;
	[tilespmem:$0xF230] =	vst v63  }
0x31: {  	_ =	swait.ge [sflag:s11], $0x7D00  }
0x32: {  	[sflag:s11] =	ssyncset.done $0x0  }
0x33: {  	s24 =	simm.s32 $0x2710;
	[sflag:s11] =	ssyncadd.s32 $0xFFFF8300  }
0x34: {  	[spmem:s2] =	stream.indirect.scatter.add.f32 [tilespmem:s13], [sflag:$0x1], $0x10, s24, s14, $0xb8;
	[tilespmem:$0xF230] =	vst v63  }
0x35: {  	s26 =	simm.s32 $0x2760;
	s25 =	rddreg [dreg:$0x5]  }
0x36: {  	[spmem:s2] =	stream.indirect.scatter.add.f32 [tilespmem:s25], [sflag:$0x1], $0x10, s26, s14, $0xb8;
	[tilespmem:$0xF230] =	vst v63  }
0x37: {  	s28 =	simm.s32 $0x27B0;
	s20 =	rddreg [dreg:$0x6]  }
0x38: {  	[spmem:s2] =	stream.indirect.scatter.add.f32 [tilespmem:s20], [sflag:$0x1], $0x10, s28, s14, $0xb8;
	[tilespmem:$0xF230] =	vst v63  }
0x39: {  	s30 =	simm.s32 $0x2800;
	s29 =	rddreg [dreg:$0x7]  }
0x3a: {  	[spmem:s2] =	stream.indirect.scatter.add.f32 [tilespmem:s29], [sflag:$0x1], $0x10, s30, s14, $0xb8;
	[tilespmem:$0xF230] =	vst v63  }
0x3b: {  	s21 =	simm.s32 $0x2850;
	s31 =	rddreg [dreg:$0x8]  }
0x3c: {  	[spmem:s2] =	stream.indirect.scatter.add.f32 [tilespmem:s31], [sflag:$0x1], $0x10, s21, s14, $0xb8;
	[tilespmem:$0xF230] =	vst v63  }
0x3d: {  	s23 =	simm.s32 $0x28A0;
	s22 =	rddreg [dreg:$0x9]  }
0x3e: {  	[spmem:s2] =	stream.indirect.scatter.add.f32 [tilespmem:s22], [sflag:$0x1], $0x10, s23, s14, $0xb8;
	[tilespmem:$0xF230] =	vst v63  }
0x3f: {  	s24 =	rddreg [dreg:$0xa];
	s25 =	simm.s32 $0x28F0  }
0x40: {  	[spmem:s2] =	stream.indirect.scatter.add.f32 [tilespmem:s24], [sflag:$0x1], $0x10, s25, s14, $0xb8;
	[tilespmem:$0xF230] =	vst v63  }
0x41: {  	s26 =	rddreg [dreg:$0xb];
	s28 =	simm.s32 $0x2940  }
0x42: {  	[spmem:s2] =	stream.indirect.scatter.add.f32 [tilespmem:s26], [sflag:$0x1], $0x10, s28, s14, $0xb8;
	[tilespmem:$0xF230] =	vst v63  }
0x43: {  	s29 =	rddreg [dreg:$0xc];
	s30 =	simm.s32 $0x2990  }
0x44: {  	[spmem:s2] =	stream.indirect.scatter.add.f32 [tilespmem:s29], [sflag:$0x1], $0x10, s30, s14, $0xb8;
	[tilespmem:$0xF230] =	vst v63  }
0x45: {  	s31 =	rddreg [dreg:$0xd];
	s21 =	simm.s32 $0x29E0  }
0x46: {  	[spmem:s2] =	stream.indirect.scatter.add.f32 [tilespmem:s31], [sflag:$0x1], $0x10, s21, s14, $0xb8;
	[tilespmem:$0xF230] =	vst v63  }
0x47: {  	s22 =	rddreg [dreg:$0xe];
	s23 =	simm.s32 $0x2A30  }
0x48: {  	[spmem:s2] =	stream.indirect.scatter.add.f32 [tilespmem:s22], [sflag:$0x1], $0x10, s23, s14, $0xb8;
	[tilespmem:$0xF230] =	vst v63  }
0x49: {  	s24 =	rddreg [dreg:$0xf];
	s25 =	simm.s32 $0x2A80  }
0x4a: {  	[spmem:s2] =	stream.indirect.scatter.add.f32 [tilespmem:s24], [sflag:$0x1], $0x10, s25, s14, $0xb8;
	[tilespmem:$0xF230] =	vst v63  }
0x4b: {  	s26 =	rddreg [dreg:$0x10];
	s28 =	simm.s32 $0x2AD0  }
0x4c: {  	[spmem:s2] =	stream.indirect.scatter.add.f32 [tilespmem:s26], [sflag:$0x1], $0x10, s28, s14, $0xb8;
	[tilespmem:$0xF230] =	vst v63  }
0x4d: {  	s29 =	rddreg [dreg:$0x11];
	s30 =	simm.s32 $0x2B20  }
0x4e: {  	[spmem:s2] =	stream.indirect.scatter.add.f32 [tilespmem:s29], [sflag:$0x1], $0x10, s30, s14, $0xb8;
	[tilespmem:$0xF230] =	vst v63  }
0x4f: {  	s31 =	rddreg [dreg:$0x12];
	s21 =	simm.s32 $0x2B70  }
0x50: {  	[spmem:s2] =	stream.indirect.scatter.add.f32 [tilespmem:s31], [sflag:$0x1], $0x10, s21, s14, $0xb8;
	[tilespmem:$0xF230] =	vst v63  }
0x51: {  	s22 =	rddreg [dreg:$0x13];
	s23 =	simm.s32 $0x2BC0  }
0x52: {  	[spmem:s2] =	stream.indirect.scatter.add.f32 [tilespmem:s22], [sflag:$0x1], $0x10, s23, s14, $0xb8;
	[tilespmem:$0xF230] =	vst v63  }
0x53: {  	s24 =	rddreg [dreg:$0x14];
	s25 =	simm.s32 $0x2C10  }
0x54: {  	[spmem:s2] =	stream.indirect.scatter.add.f32 [tilespmem:s24], [sflag:$0x1], $0x10, s25, s14, $0xb8;
	[tilespmem:$0xF230] =	vst v63  }
0x55: {  	s26 =	rddreg [dreg:$0x15];
	s28 =	simm.s32 $0x2C60  }
0x56: {  	[spmem:s2] =	stream.indirect.scatter.add.f32 [tilespmem:s26], [sflag:$0x1], $0x10, s28, s14, $0xb8;
	[tilespmem:$0xF230] =	vst v63  }
0x57: {  	s29 =	rddreg [dreg:$0x16];
	s30 =	simm.s32 $0x2CB0  }
0x58: {  	[spmem:s2] =	stream.indirect.scatter.add.f32 [tilespmem:s29], [sflag:$0x1], $0x10, s30, s14, $0xb8;
	[tilespmem:$0xF230] =	vst v63  }
0x59: {  	s31 =	rddreg [dreg:$0x17];
	s21 =	simm.s32 $0x2D00  }
0x5a: {  	[spmem:s2] =	stream.indirect.scatter.add.f32 [tilespmem:s31], [sflag:$0x1], $0x10, s21, s14, $0xb8;
	[tilespmem:$0xF230] =	vst v63  }
0x5b: {  	s22 =	rddreg [dreg:$0x18];
	s23 =	simm.s32 $0x2D50  }
0x5c: {  	[spmem:s2] =	stream.indirect.scatter.add.f32 [tilespmem:s22], [sflag:$0x1], $0x10, s23, s14, $0xb8;
	[tilespmem:$0xF230] =	vst v63  }
0x5d: {  	s24 =	rddreg [dreg:$0x19];
	s25 =	simm.s32 $0x2DA0  }
0x5e: {  	[spmem:s2] =	stream.indirect.scatter.add.f32 [tilespmem:s24], [sflag:$0x1], $0x10, s25, s14, $0xb8;
	[tilespmem:$0xF230] =	vst v63  }
0x5f: {  	s26 =	rddreg [dreg:$0x1a];
	s28 =	simm.s32 $0x2DF0  }
0x60: {  	[spmem:s2] =	stream.indirect.scatter.add.f32 [tilespmem:s26], [sflag:$0x1], $0x10, s28, s14, $0xb8;
	[tilespmem:$0xF230] =	vst v63  }
0x61: {  	s29 =	rddreg [dreg:$0x1b];
	s30 =	simm.s32 $0x2E40  }
0x62: {  	[spmem:s2] =	stream.indirect.scatter.add.f32 [tilespmem:s29], [sflag:$0x1], $0x10, s30, s14, $0xb8;
	[tilespmem:$0xF230] =	vst v63  }
0x63: {  	s31 =	simm.s32 $0x2E90  }
0x64: {  	[spmem:s2] =	stream.indirect.scatter.add.f32 [tilespmem:s15], [sflag:$0x1], $0x10, s31, s14, $0xb8;
	[tilespmem:$0xF230] =	vst v63  }
0x65: {  	_ =	swait.ge [sflag:s16], $0x500  }
0x66: {  	[sflag:s16] =	ssyncset.done $0x0  }
0x67: {  	[sflag:s16] =	ssyncadd.s32 $0xFFFFFB00  }
0x68: {  	_ =	swait.ge [sflag:s16], $0x500  }
0x69: {  	[sflag:s16] =	ssyncset.done $0x0  }
0x6a: {  	[sflag:s16] =	ssyncadd.s32 $0xFFFFFB00  }
0x6b: {  	_ =	swait.ge [sflag:s16], $0x500  }
0x6c: {  	[sflag:s16] =	ssyncset.done $0x0  }
0x6d: {  	[sflag:s16] =	ssyncadd.s32 $0xFFFFFB00  }
0x6e: {  	_ =	swait.ge [sflag:s16], $0x500  }
0x6f: {  	[sflag:s16] =	ssyncset.done $0x0  }
0x70: {  	[sflag:s16] =	ssyncadd.s32 $0xFFFFFB00  }
0x71: {  	_ =	swait.ge [sflag:s16], $0x500  }
0x72: {  	[sflag:s16] =	ssyncset.done $0x0  }
0x73: {  	[sflag:s16] =	ssyncadd.s32 $0xFFFFFB00  }
0x74: {  	_ =	swait.ge [sflag:s16], $0x500  }
0x75: {  	[sflag:s16] =	ssyncset.done $0x0  }
0x76: {  	[sflag:s16] =	ssyncadd.s32 $0xFFFFFB00  }
0x77: {  	_ =	swait.ge [sflag:s16], $0x500  }
0x78: {  	[sflag:s16] =	ssyncset.done $0x0  }
0x79: {  	[sflag:s16] =	ssyncadd.s32 $0xFFFFFB00  }
0x7a: {  	_ =	swait.ge [sflag:s16], $0x500  }
0x7b: {  	[sflag:s16] =	ssyncset.done $0x0  }
0x7c: {  	[sflag:s16] =	ssyncadd.s32 $0xFFFFFB00  }
0x7d: {  	_ =	swait.ge [sflag:s16], $0x500  }
0x7e: {  	[sflag:s16] =	ssyncset.done $0x0  }
0x7f: {  	[sflag:s16] =	ssyncadd.s32 $0xFFFFFB00  }
0x80: {  	_ =	swait.ge [sflag:s16], $0x500  }
0x81: {  	[sflag:s16] =	ssyncset.done $0x0  }
0x82: {  	[sflag:s16] =	ssyncadd.s32 $0xFFFFFB00  }
0x83: {  	_ =	swait.ge [sflag:s16], $0x500  }
0x84: {  	[sflag:s16] =	ssyncset.done $0x0  }
0x85: {  	[sflag:s16] =	ssyncadd.s32 $0xFFFFFB00  }
0x86: {  	_ =	swait.ge [sflag:s16], $0x500  }
0x87: {  	[sflag:s16] =	ssyncset.done $0x0  }
0x88: {  	[sflag:s16] =	ssyncadd.s32 $0xFFFFFB00  }
0x89: {  	_ =	swait.ge [sflag:s16], $0x500  }
0x8a: {  	[sflag:s16] =	ssyncset.done $0x0  }
0x8b: {  	[sflag:s16] =	ssyncadd.s32 $0xFFFFFB00  }
0x8c: {  	_ =	swait.ge [sflag:s16], $0x500  }
0x8d: {  	[sflag:s16] =	ssyncset.done $0x0  }
0x8e: {  	[sflag:s16] =	ssyncadd.s32 $0xFFFFFB00  }
0x8f: {  	_ =	swait.ge [sflag:s16], $0x500  }
0x90: {  	[sflag:s16] =	ssyncset.done $0x0  }
0x91: {  	[sflag:s16] =	ssyncadd.s32 $0xFFFFFB00  }
0x92: {  	_ =	swait.ge [sflag:s16], $0x500  }
0x93: {  	[sflag:s16] =	ssyncset.done $0x0  }
0x94: {  	[sflag:s16] =	ssyncadd.s32 $0xFFFFFB00  }
0x95: {  	_ =	swait.ge [sflag:s16], $0x500  }
0x96: {  	[sflag:s16] =	ssyncset.done $0x0  }
0x97: {  	[sflag:s16] =	ssyncadd.s32 $0xFFFFFB00  }
0x98: {  	_ =	swait.ge [sflag:s16], $0x500  }
0x99: {  	[sflag:s16] =	ssyncset.done $0x0  }
0x9a: {  	[sflag:s16] =	ssyncadd.s32 $0xFFFFFB00  }
0x9b: {  	_ =	swait.ge [sflag:s16], $0x500  }
0x9c: {  	[sflag:s16] =	ssyncset.done $0x0  }
0x9d: {  	[sflag:s16] =	ssyncadd.s32 $0xFFFFFB00  }
0x9e: {  	_ =	swait.ge [sflag:s16], $0x500  }
0x9f: {  	[sflag:s16] =	ssyncset.done $0x0  }
0xa0: {  	[sflag:s16] =	ssyncadd.s32 $0xFFFFFB00  }
0xa1: {  	_ =	swait.ge [sflag:s16], $0x500  }
0xa2: {  	[sflag:s16] =	ssyncset.done $0x0  }
0xa3: {  	[sflag:s16] =	ssyncadd.s32 $0xFFFFFB00  }
0xa4: {  	_ =	swait.ge [sflag:s16], $0x500  }
0xa5: {  	[sflag:s16] =	ssyncset.done $0x0  }
0xa6: {  	[sflag:s16] =	ssyncadd.s32 $0xFFFFFB00  }
0xa7: {  	_ =	swait.ge [sflag:s16], $0x500  }
0xa8: {  	[sflag:s16] =	ssyncset.done $0x0  }
0xa9: {  	[sflag:s16] =	ssyncadd.s32 $0xFFFFFB00  }
0xaa: {  	_ =	swait.ge [sflag:s16], $0x500  }
0xab: {  	[sflag:s16] =	ssyncset.done $0x0  }
0xac: {  	[sflag:s16] =	ssyncadd.s32 $0xFFFFFB00  }
0xad: {  	s18 =	simm.s32 $0x1F40;
	s19 =	smov.u32 s9;
	_ =	swait.ge [sflag:s16], $0x500  }
0xae: {  	s20 =	simm.s32 $0x3E80;
	s21 =	rddreg [dreg:$0x3];
	[sflag:s16] =	ssyncset.done $0x0  }
.LBB2_2:
0xaf: {  	s22 =	rddreg [dreg:$0x4];
	[sflag:s16] =	ssyncadd.s32 $0xFFFFFB00;
	s19 =	sadd.s32 $0x7D00, s19  }
0xb0: {  	[tilespmem:s13], [sflag:$0x2] =	stream.strided.gather [hbm4b:s19+s21], $0x7D00, s22, s21, $0x38;
	[tilespmem:$0xF230] =	vst v63  }
0xb1: {  	_ =	swait.ge [sflag:s11], $0x7D00  }
0xb2: {  	s21 =	sshra.s32 s18, $0x2;
	[sflag:s11] =	ssyncset.done $0x0  }
0xb3: {  	s29 =	sadd.s32 $0x2710, s21;
	[sflag:s11] =	ssyncadd.s32 $0xFFFF8300  }
0xb4: {  	[spmem:s2] =	stream.indirect.scatter.add.f32 [tilespmem:s13], [sflag:$0x1], $0x10, s29, s14, $0xb8;
	[tilespmem:$0xF230] =	vst v63  }
0xb5: {  	s31 =	sadd.s32 $0x2760, s21;
	s30 =	rddreg [dreg:$0x5]  }
0xb6: {  	[spmem:s2] =	stream.indirect.scatter.add.f32 [tilespmem:s30], [sflag:$0x1], $0x10, s31, s14, $0xb8;
	[tilespmem:$0xF230] =	vst v63  }
0xb7: {  	s25 =	sadd.s32 $0x27B0, s21;
	s24 =	rddreg [dreg:$0x6]  }
0xb8: {  	[spmem:s2] =	stream.indirect.scatter.add.f32 [tilespmem:s24], [sflag:$0x1], $0x10, s25, s14, $0xb8;
	[tilespmem:$0xF230] =	vst v63  }
0xb9: {  	s28 =	sadd.s32 $0x2800, s21;
	s26 =	rddreg [dreg:$0x7]  }
0xba: {  	[spmem:s2] =	stream.indirect.scatter.add.f32 [tilespmem:s26], [sflag:$0x1], $0x10, s28, s14, $0xb8;
	[tilespmem:$0xF230] =	vst v63  }
0xbb: {  	s29 =	rddreg [dreg:$0x8];
	s30 =	sadd.s32 $0x2850, s21  }
0xbc: {  	[spmem:s2] =	stream.indirect.scatter.add.f32 [tilespmem:s29], [sflag:$0x1], $0x10, s30, s14, $0xb8;
	[tilespmem:$0xF230] =	vst v63  }
0xbd: {  	s31 =	rddreg [dreg:$0x9];
	s25 =	sadd.s32 $0x28A0, s21  }
0xbe: {  	[spmem:s2] =	stream.indirect.scatter.add.f32 [tilespmem:s31], [sflag:$0x1], $0x10, s25, s14, $0xb8;
	[tilespmem:$0xF230] =	vst v63  }
0xbf: {  	s26 =	rddreg [dreg:$0xa];
	s28 =	sadd.s32 $0x28F0, s21  }
0xc0: {  	[spmem:s2] =	stream.indirect.scatter.add.f32 [tilespmem:s26], [sflag:$0x1], $0x10, s28, s14, $0xb8;
	[tilespmem:$0xF230] =	vst v63  }
0xc1: {  	s29 =	rddreg [dreg:$0xb];
	s30 =	sadd.s32 $0x2940, s21  }
0xc2: {  	[spmem:s2] =	stream.indirect.scatter.add.f32 [tilespmem:s29], [sflag:$0x1], $0x10, s30, s14, $0xb8;
	[tilespmem:$0xF230] =	vst v63  }
0xc3: {  	s31 =	rddreg [dreg:$0xc];
	s25 =	sadd.s32 $0x2990, s21  }
0xc4: {  	[spmem:s2] =	stream.indirect.scatter.add.f32 [tilespmem:s31], [sflag:$0x1], $0x10, s25, s14, $0xb8;
	[tilespmem:$0xF230] =	vst v63  }
0xc5: {  	s26 =	rddreg [dreg:$0xd];
	s28 =	sadd.s32 $0x29E0, s21  }
0xc6: {  	[spmem:s2] =	stream.indirect.scatter.add.f32 [tilespmem:s26], [sflag:$0x1], $0x10, s28, s14, $0xb8;
	[tilespmem:$0xF230] =	vst v63  }
0xc7: {  	s29 =	rddreg [dreg:$0xe];
	s30 =	sadd.s32 $0x2A30, s21  }
0xc8: {  	[spmem:s2] =	stream.indirect.scatter.add.f32 [tilespmem:s29], [sflag:$0x1], $0x10, s30, s14, $0xb8;
	[tilespmem:$0xF230] =	vst v63  }
0xc9: {  	s31 =	rddreg [dreg:$0xf];
	s25 =	sadd.s32 $0x2A80, s21  }
0xca: {  	[spmem:s2] =	stream.indirect.scatter.add.f32 [tilespmem:s31], [sflag:$0x1], $0x10, s25, s14, $0xb8;
	[tilespmem:$0xF230] =	vst v63  }
0xcb: {  	s26 =	rddreg [dreg:$0x10];
	s28 =	sadd.s32 $0x2AD0, s21  }
0xcc: {  	[spmem:s2] =	stream.indirect.scatter.add.f32 [tilespmem:s26], [sflag:$0x1], $0x10, s28, s14, $0xb8;
	[tilespmem:$0xF230] =	vst v63  }
0xcd: {  	s29 =	rddreg [dreg:$0x11];
	s30 =	sadd.s32 $0x2B20, s21  }
0xce: {  	[spmem:s2] =	stream.indirect.scatter.add.f32 [tilespmem:s29], [sflag:$0x1], $0x10, s30, s14, $0xb8;
	[tilespmem:$0xF230] =	vst v63  }
0xcf: {  	s31 =	rddreg [dreg:$0x12];
	s25 =	sadd.s32 $0x2B70, s21  }
0xd0: {  	[spmem:s2] =	stream.indirect.scatter.add.f32 [tilespmem:s31], [sflag:$0x1], $0x10, s25, s14, $0xb8;
	[tilespmem:$0xF230] =	vst v63  }
0xd1: {  	s26 =	rddreg [dreg:$0x13];
	s28 =	sadd.s32 $0x2BC0, s21  }
0xd2: {  	[spmem:s2] =	stream.indirect.scatter.add.f32 [tilespmem:s26], [sflag:$0x1], $0x10, s28, s14, $0xb8;
	[tilespmem:$0xF230] =	vst v63  }
0xd3: {  	s29 =	rddreg [dreg:$0x14];
	s30 =	sadd.s32 $0x2C10, s21  }
0xd4: {  	[spmem:s2] =	stream.indirect.scatter.add.f32 [tilespmem:s29], [sflag:$0x1], $0x10, s30, s14, $0xb8;
	[tilespmem:$0xF230] =	vst v63  }
0xd5: {  	s31 =	rddreg [dreg:$0x15];
	s25 =	sadd.s32 $0x2C60, s21  }
0xd6: {  	[spmem:s2] =	stream.indirect.scatter.add.f32 [tilespmem:s31], [sflag:$0x1], $0x10, s25, s14, $0xb8;
	[tilespmem:$0xF230] =	vst v63  }
0xd7: {  	s26 =	rddreg [dreg:$0x16];
	s28 =	sadd.s32 $0x2CB0, s21  }
0xd8: {  	[spmem:s2] =	stream.indirect.scatter.add.f32 [tilespmem:s26], [sflag:$0x1], $0x10, s28, s14, $0xb8;
	[tilespmem:$0xF230] =	vst v63  }
0xd9: {  	s23 =	smov.u32 s20;
	s29 =	rddreg [dreg:$0x17];
	s30 =	sadd.s32 $0x2D00, s21  }
0xda: {  	[spmem:s2] =	stream.indirect.scatter.add.f32 [tilespmem:s29], [sflag:$0x1], $0x10, s30, s14, $0xb8;
	[tilespmem:$0xF230] =	vst v63  }
0xdb: {  	s18 =	smov.u32 s23;
	s23 =	sadd.s32 $0x2D50, s21;
	s31 =	rddreg [dreg:$0x18]  }
0xdc: {  	[spmem:s2] =	stream.indirect.scatter.add.f32 [tilespmem:s31], [sflag:$0x1], $0x10, s23, s14, $0xb8;
	[tilespmem:$0xF230] =	vst v63  }
0xdd: {  	s25 =	rddreg [dreg:$0x19];
	s26 =	sadd.s32 $0x2DA0, s21  }
0xde: {  	[spmem:s2] =	stream.indirect.scatter.add.f32 [tilespmem:s25], [sflag:$0x1], $0x10, s26, s14, $0xb8;
	[tilespmem:$0xF230] =	vst v63  }
0xdf: {  	s28 =	rddreg [dreg:$0x1a];
	s29 =	sadd.s32 $0x2DF0, s21  }
0xe0: {  	[spmem:s2] =	stream.indirect.scatter.add.f32 [tilespmem:s28], [sflag:$0x1], $0x10, s29, s14, $0xb8;
	[tilespmem:$0xF230] =	vst v63  }
0xe1: {  	s30 =	rddreg [dreg:$0x1b];
	s31 =	sadd.s32 $0x2E40, s21  }
0xe2: {  	[spmem:s2] =	stream.indirect.scatter.add.f32 [tilespmem:s30], [sflag:$0x1], $0x10, s31, s14, $0xb8;
	[tilespmem:$0xF230] =	vst v63  }
0xe3: {  	s21 =	sadd.s32 $0x2E90, s21  }
0xe4: {  	[spmem:s2] =	stream.indirect.scatter.add.f32 [tilespmem:s15], [sflag:$0x1], $0x10, s21, s14, $0xb8;
	[tilespmem:$0xF230] =	vst v63  }
0xe5: {  	_ =	swait.ge [sflag:s16], $0x500  }
0xe6: {  	[sflag:s16] =	ssyncset.done $0x0  }
0xe7: {  	[sflag:s16] =	ssyncadd.s32 $0xFFFFFB00  }
0xe8: {  	_ =	swait.ge [sflag:s16], $0x500  }
0xe9: {  	[sflag:s16] =	ssyncset.done $0x0  }
0xea: {  	[sflag:s16] =	ssyncadd.s32 $0xFFFFFB00  }
0xeb: {  	_ =	swait.ge [sflag:s16], $0x500  }
0xec: {  	[sflag:s16] =	ssyncset.done $0x0  }
0xed: {  	[sflag:s16] =	ssyncadd.s32 $0xFFFFFB00  }
0xee: {  	_ =	swait.ge [sflag:s16], $0x500  }
0xef: {  	[sflag:s16] =	ssyncset.done $0x0  }
0xf0: {  	[sflag:s16] =	ssyncadd.s32 $0xFFFFFB00  }
0xf1: {  	_ =	swait.ge [sflag:s16], $0x500  }
0xf2: {  	[sflag:s16] =	ssyncset.done $0x0  }
0xf3: {  	[sflag:s16] =	ssyncadd.s32 $0xFFFFFB00  }
0xf4: {  	_ =	swait.ge [sflag:s16], $0x500  }
0xf5: {  	[sflag:s16] =	ssyncset.done $0x0  }
0xf6: {  	[sflag:s16] =	ssyncadd.s32 $0xFFFFFB00  }
0xf7: {  	_ =	swait.ge [sflag:s16], $0x500  }
0xf8: {  	[sflag:s16] =	ssyncset.done $0x0  }
0xf9: {  	[sflag:s16] =	ssyncadd.s32 $0xFFFFFB00  }
0xfa: {  	_ =	swait.ge [sflag:s16], $0x500  }
0xfb: {  	[sflag:s16] =	ssyncset.done $0x0  }
0xfc: {  	[sflag:s16] =	ssyncadd.s32 $0xFFFFFB00  }
0xfd: {  	_ =	swait.ge [sflag:s16], $0x500  }
0xfe: {  	[sflag:s16] =	ssyncset.done $0x0  }
0xff: {  	[sflag:s16] =	ssyncadd.s32 $0xFFFFFB00  }
0x100: {  	_ =	swait.ge [sflag:s16], $0x500  }
0x101: {  	[sflag:s16] =	ssyncset.done $0x0  }
0x102: {  	[sflag:s16] =	ssyncadd.s32 $0xFFFFFB00  }
0x103: {  	_ =	swait.ge [sflag:s16], $0x500  }
0x104: {  	[sflag:s16] =	ssyncset.done $0x0  }
0x105: {  	[sflag:s16] =	ssyncadd.s32 $0xFFFFFB00  }
0x106: {  	_ =	swait.ge [sflag:s16], $0x500  }
0x107: {  	[sflag:s16] =	ssyncset.done $0x0  }
0x108: {  	[sflag:s16] =	ssyncadd.s32 $0xFFFFFB00  }
0x109: {  	_ =	swait.ge [sflag:s16], $0x500  }
0x10a: {  	[sflag:s16] =	ssyncset.done $0x0  }
0x10b: {  	[sflag:s16] =	ssyncadd.s32 $0xFFFFFB00  }
0x10c: {  	_ =	swait.ge [sflag:s16], $0x500  }
0x10d: {  	[sflag:s16] =	ssyncset.done $0x0  }
0x10e: {  	[sflag:s16] =	ssyncadd.s32 $0xFFFFFB00  }
0x10f: {  	_ =	swait.ge [sflag:s16], $0x500  }
0x110: {  	[sflag:s16] =	ssyncset.done $0x0  }
0x111: {  	[sflag:s16] =	ssyncadd.s32 $0xFFFFFB00  }
0x112: {  	_ =	swait.ge [sflag:s16], $0x500  }
0x113: {  	[sflag:s16] =	ssyncset.done $0x0  }
0x114: {  	[sflag:s16] =	ssyncadd.s32 $0xFFFFFB00  }
0x115: {  	_ =	swait.ge [sflag:s16], $0x500  }
0x116: {  	[sflag:s16] =	ssyncset.done $0x0  }
0x117: {  	[sflag:s16] =	ssyncadd.s32 $0xFFFFFB00  }
0x118: {  	_ =	swait.ge [sflag:s16], $0x500  }
0x119: {  	[sflag:s16] =	ssyncset.done $0x0  }
0x11a: {  	[sflag:s16] =	ssyncadd.s32 $0xFFFFFB00  }
0x11b: {  	_ =	swait.ge [sflag:s16], $0x500  }
0x11c: {  	[sflag:s16] =	ssyncset.done $0x0  }
0x11d: {  	[sflag:s16] =	ssyncadd.s32 $0xFFFFFB00  }
0x11e: {  	_ =	swait.ge [sflag:s16], $0x500  }
0x11f: {  	[sflag:s16] =	ssyncset.done $0x0  }
0x120: {  	[sflag:s16] =	ssyncadd.s32 $0xFFFFFB00  }
0x121: {  	_ =	swait.ge [sflag:s16], $0x500  }
0x122: {  	[sflag:s16] =	ssyncset.done $0x0  }
0x123: {  	[sflag:s16] =	ssyncadd.s32 $0xFFFFFB00  }
0x124: {  	_ =	swait.ge [sflag:s16], $0x500  }
0x125: {  	[sflag:s16] =	ssyncset.done $0x0  }
0x126: {  	[sflag:s16] =	ssyncadd.s32 $0xFFFFFB00  }
0x127: {  	_ =	swait.ge [sflag:s16], $0x500  }
0x128: {  	[sflag:s16] =	ssyncset.done $0x0  }
0x129: {  	p0 =	sne.s32 s20, $0x7D00;
	[sflag:s16] =	ssyncadd.s32 $0xFFFFFB00  }
.Ltmp0:
0x12a: {  	_ =	swait.ge [sflag:s16], $0x500;
	(pc) =	sbr.rel @p0 .LBB2_2-.Ltmp0, $4  }
0x12b: {  	[sflag:s16] =	ssyncset.done $0x0  }
0x12c: {  	[sflag:s16] =	ssyncadd.s32 $0xFFFFFB00  }
0x12d: {  	_ =	swait.ge [sflag:s16], $0x500  }
0x12e: {  	s20 =	sadd.s32 $0x1F40, s20;
	s21 =	rddreg [dreg:$0x3];
	[sflag:s16] =	ssyncset.done $0x0  }
0x12f: {  	s20 =	rddreg [dreg:$0x4];
	[sflag:s16] =	ssyncadd.s32 $0xFFFFFB00;
	s19 =	sadd.s32 $0x7D00, s19  }
0x130: {  	[tilespmem:s13], [sflag:$0x2] =	stream.strided.gather [hbm4b:s19+s21], $0x7D00, s20, s21, $0x38;
	[tilespmem:$0xF230] =	vst v63  }
0x131: {  	_ =	swait.ge [sflag:s11], $0x7D00  }
0x132: {  	s18 =	sshra.s32 s18, $0x2;
	[sflag:s11] =	ssyncset.done $0x0  }
0x133: {  	s23 =	sadd.s32 $0x2710, s18;
	[sflag:s11] =	ssyncadd.s32 $0xFFFF8300  }
0x134: {  	[spmem:s2] =	stream.indirect.scatter.add.f32 [tilespmem:s13], [sflag:$0x1], $0x10, s23, s14, $0xb8;
	[tilespmem:$0xF230] =	vst v63  }
0x135: {  	s25 =	sadd.s32 $0x2760, s18;
	s24 =	rddreg [dreg:$0x5]  }
0x136: {  	[spmem:s2] =	stream.indirect.scatter.add.f32 [tilespmem:s24], [sflag:$0x1], $0x10, s25, s14, $0xb8;
	[tilespmem:$0xF230] =	vst v63  }
0x137: {  	s28 =	sadd.s32 $0x27B0, s18;
	s26 =	rddreg [dreg:$0x6]  }
0x138: {  	[spmem:s2] =	stream.indirect.scatter.add.f32 [tilespmem:s26], [sflag:$0x1], $0x10, s28, s14, $0xb8;
	[tilespmem:$0xF230] =	vst v63  }
0x139: {  	s30 =	sadd.s32 $0x2800, s18;
	s29 =	rddreg [dreg:$0x7]  }
0x13a: {  	[spmem:s2] =	stream.indirect.scatter.add.f32 [tilespmem:s29], [sflag:$0x1], $0x10, s30, s14, $0xb8;
	[tilespmem:$0xF230] =	vst v63  }
0x13b: {  	s20 =	sadd.s32 $0x2850, s18;
	s31 =	rddreg [dreg:$0x8]  }
0x13c: {  	[spmem:s2] =	stream.indirect.scatter.add.f32 [tilespmem:s31], [sflag:$0x1], $0x10, s20, s14, $0xb8;
	[tilespmem:$0xF230] =	vst v63  }
0x13d: {  	s22 =	rddreg [dreg:$0x9];
	s23 =	sadd.s32 $0x28A0, s18  }
0x13e: {  	[spmem:s2] =	stream.indirect.scatter.add.f32 [tilespmem:s22], [sflag:$0x1], $0x10, s23, s14, $0xb8;
	[tilespmem:$0xF230] =	vst v63  }
0x13f: {  	s24 =	rddreg [dreg:$0xa];
	s25 =	sadd.s32 $0x28F0, s18  }
0x140: {  	[spmem:s2] =	stream.indirect.scatter.add.f32 [tilespmem:s24], [sflag:$0x1], $0x10, s25, s14, $0xb8;
	[tilespmem:$0xF230] =	vst v63  }
0x141: {  	s26 =	rddreg [dreg:$0xb];
	s28 =	sadd.s32 $0x2940, s18  }
0x142: {  	[spmem:s2] =	stream.indirect.scatter.add.f32 [tilespmem:s26], [sflag:$0x1], $0x10, s28, s14, $0xb8;
	[tilespmem:$0xF230] =	vst v63  }
0x143: {  	s29 =	rddreg [dreg:$0xc];
	s30 =	sadd.s32 $0x2990, s18  }
0x144: {  	[spmem:s2] =	stream.indirect.scatter.add.f32 [tilespmem:s29], [sflag:$0x1], $0x10, s30, s14, $0xb8;
	[tilespmem:$0xF230] =	vst v63  }
0x145: {  	s21 =	sadd.s32 $0x29E0, s18;
	s31 =	rddreg [dreg:$0xd]  }
0x146: {  	[spmem:s2] =	stream.indirect.scatter.add.f32 [tilespmem:s31], [sflag:$0x1], $0x10, s21, s14, $0xb8;
	[tilespmem:$0xF230] =	vst v63  }
0x147: {  	s22 =	rddreg [dreg:$0xe];
	s23 =	sadd.s32 $0x2A30, s18  }
0x148: {  	[spmem:s2] =	stream.indirect.scatter.add.f32 [tilespmem:s22], [sflag:$0x1], $0x10, s23, s14, $0xb8;
	[tilespmem:$0xF230] =	vst v63  }
0x149: {  	s24 =	rddreg [dreg:$0xf];
	s25 =	sadd.s32 $0x2A80, s18  }
0x14a: {  	[spmem:s2] =	stream.indirect.scatter.add.f32 [tilespmem:s24], [sflag:$0x1], $0x10, s25, s14, $0xb8;
	[tilespmem:$0xF230] =	vst v63  }
0x14b: {  	s26 =	rddreg [dreg:$0x10];
	s28 =	sadd.s32 $0x2AD0, s18  }
0x14c: {  	[spmem:s2] =	stream.indirect.scatter.add.f32 [tilespmem:s26], [sflag:$0x1], $0x10, s28, s14, $0xb8;
	[tilespmem:$0xF230] =	vst v63  }
0x14d: {  	s29 =	rddreg [dreg:$0x11];
	s30 =	sadd.s32 $0x2B20, s18  }
0x14e: {  	[spmem:s2] =	stream.indirect.scatter.add.f32 [tilespmem:s29], [sflag:$0x1], $0x10, s30, s14, $0xb8;
	[tilespmem:$0xF230] =	vst v63  }
0x14f: {  	s20 =	sadd.s32 $0x2B70, s18;
	s31 =	rddreg [dreg:$0x12]  }
0x150: {  	[spmem:s2] =	stream.indirect.scatter.add.f32 [tilespmem:s31], [sflag:$0x1], $0x10, s20, s14, $0xb8;
	[tilespmem:$0xF230] =	vst v63  }
0x151: {  	s22 =	rddreg [dreg:$0x13];
	s23 =	sadd.s32 $0x2BC0, s18  }
0x152: {  	[spmem:s2] =	stream.indirect.scatter.add.f32 [tilespmem:s22], [sflag:$0x1], $0x10, s23, s14, $0xb8;
	[tilespmem:$0xF230] =	vst v63  }
0x153: {  	s24 =	rddreg [dreg:$0x14];
	s25 =	sadd.s32 $0x2C10, s18  }
0x154: {  	[spmem:s2] =	stream.indirect.scatter.add.f32 [tilespmem:s24], [sflag:$0x1], $0x10, s25, s14, $0xb8;
	[tilespmem:$0xF230] =	vst v63  }
0x155: {  	s26 =	rddreg [dreg:$0x15];
	s28 =	sadd.s32 $0x2C60, s18  }
0x156: {  	[spmem:s2] =	stream.indirect.scatter.add.f32 [tilespmem:s26], [sflag:$0x1], $0x10, s28, s14, $0xb8;
	[tilespmem:$0xF230] =	vst v63  }
0x157: {  	s29 =	rddreg [dreg:$0x16];
	s30 =	sadd.s32 $0x2CB0, s18  }
0x158: {  	[spmem:s2] =	stream.indirect.scatter.add.f32 [tilespmem:s29], [sflag:$0x1], $0x10, s30, s14, $0xb8;
	[tilespmem:$0xF230] =	vst v63  }
0x159: {  	s31 =	rddreg [dreg:$0x17];
	s22 =	sadd.s32 $0x2D00, s18  }
0x15a: {  	[spmem:s2] =	stream.indirect.scatter.add.f32 [tilespmem:s31], [sflag:$0x1], $0x10, s22, s14, $0xb8;
	[tilespmem:$0xF230] =	vst v63  }
0x15b: {  	s23 =	rddreg [dreg:$0x18];
	s24 =	sadd.s32 $0x2D50, s18  }
0x15c: {  	[spmem:s2] =	stream.indirect.scatter.add.f32 [tilespmem:s23], [sflag:$0x1], $0x10, s24, s14, $0xb8;
	[tilespmem:$0xF230] =	vst v63  }
0x15d: {  	s25 =	rddreg [dreg:$0x19];
	s26 =	sadd.s32 $0x2DA0, s18  }
0x15e: {  	[spmem:s2] =	stream.indirect.scatter.add.f32 [tilespmem:s25], [sflag:$0x1], $0x10, s26, s14, $0xb8;
	[tilespmem:$0xF230] =	vst v63  }
0x15f: {  	s28 =	rddreg [dreg:$0x1a];
	s29 =	sadd.s32 $0x2DF0, s18  }
0x160: {  	[spmem:s2] =	stream.indirect.scatter.add.f32 [tilespmem:s28], [sflag:$0x1], $0x10, s29, s14, $0xb8;
	[tilespmem:$0xF230] =	vst v63  }
0x161: {  	s30 =	rddreg [dreg:$0x1b];
	s31 =	sadd.s32 $0x2E40, s18  }
0x162: {  	[spmem:s2] =	stream.indirect.scatter.add.f32 [tilespmem:s30], [sflag:$0x1], $0x10, s31, s14, $0xb8;
	[tilespmem:$0xF230] =	vst v63  }
0x163: {  	s18 =	sadd.s32 $0x2E90, s18  }
0x164: {  	[spmem:s2] =	stream.indirect.scatter.add.f32 [tilespmem:s15], [sflag:$0x1], $0x10, s18, s14, $0xb8;
	[tilespmem:$0xF230] =	vst v63  }
0x165: {  	_ =	swait.ge [sflag:s16], $0x500  }
0x166: {  	[sflag:s16] =	ssyncset.done $0x0  }
0x167: {  	[sflag:s16] =	ssyncadd.s32 $0xFFFFFB00  }
0x168: {  	_ =	swait.ge [sflag:s16], $0x500  }
0x169: {  	[sflag:s16] =	ssyncset.done $0x0  }
0x16a: {  	[sflag:s16] =	ssyncadd.s32 $0xFFFFFB00  }
0x16b: {  	_ =	swait.ge [sflag:s16], $0x500  }
0x16c: {  	[sflag:s16] =	ssyncset.done $0x0  }
0x16d: {  	[sflag:s16] =	ssyncadd.s32 $0xFFFFFB00  }
0x16e: {  	_ =	swait.ge [sflag:s16], $0x500  }
0x16f: {  	[sflag:s16] =	ssyncset.done $0x0  }
0x170: {  	[sflag:s16] =	ssyncadd.s32 $0xFFFFFB00  }
0x171: {  	_ =	swait.ge [sflag:s16], $0x500  }
0x172: {  	[sflag:s16] =	ssyncset.done $0x0  }
0x173: {  	[sflag:s16] =	ssyncadd.s32 $0xFFFFFB00  }
0x174: {  	_ =	swait.ge [sflag:s16], $0x500  }
0x175: {  	[sflag:s16] =	ssyncset.done $0x0  }
0x176: {  	[sflag:s16] =	ssyncadd.s32 $0xFFFFFB00  }
0x177: {  	_ =	swait.ge [sflag:s16], $0x500  }
0x178: {  	[sflag:s16] =	ssyncset.done $0x0  }
0x179: {  	[sflag:s16] =	ssyncadd.s32 $0xFFFFFB00  }
0x17a: {  	_ =	swait.ge [sflag:s16], $0x500  }
0x17b: {  	[sflag:s16] =	ssyncset.done $0x0  }
0x17c: {  	[sflag:s16] =	ssyncadd.s32 $0xFFFFFB00  }
0x17d: {  	_ =	swait.ge [sflag:s16], $0x500  }
0x17e: {  	[sflag:s16] =	ssyncset.done $0x0  }
0x17f: {  	[sflag:s16] =	ssyncadd.s32 $0xFFFFFB00  }
0x180: {  	_ =	swait.ge [sflag:s16], $0x500  }
0x181: {  	[sflag:s16] =	ssyncset.done $0x0  }
0x182: {  	[sflag:s16] =	ssyncadd.s32 $0xFFFFFB00  }
0x183: {  	_ =	swait.ge [sflag:s16], $0x500  }
0x184: {  	[sflag:s16] =	ssyncset.done $0x0  }
0x185: {  	[sflag:s16] =	ssyncadd.s32 $0xFFFFFB00  }
0x186: {  	_ =	swait.ge [sflag:s16], $0x500  }
0x187: {  	[sflag:s16] =	ssyncset.done $0x0  }
0x188: {  	[sflag:s16] =	ssyncadd.s32 $0xFFFFFB00  }
0x189: {  	_ =	swait.ge [sflag:s16], $0x500  }
0x18a: {  	[sflag:s16] =	ssyncset.done $0x0  }
0x18b: {  	[sflag:s16] =	ssyncadd.s32 $0xFFFFFB00  }
0x18c: {  	_ =	swait.ge [sflag:s16], $0x500  }
0x18d: {  	[sflag:s16] =	ssyncset.done $0x0  }
0x18e: {  	[sflag:s16] =	ssyncadd.s32 $0xFFFFFB00  }
0x18f: {  	_ =	swait.ge [sflag:s16], $0x500  }
0x190: {  	[sflag:s16] =	ssyncset.done $0x0  }
0x191: {  	[sflag:s16] =	ssyncadd.s32 $0xFFFFFB00  }
0x192: {  	_ =	swait.ge [sflag:s16], $0x500  }
0x193: {  	[sflag:s16] =	ssyncset.done $0x0  }
0x194: {  	[sflag:s16] =	ssyncadd.s32 $0xFFFFFB00  }
0x195: {  	_ =	swait.ge [sflag:s16], $0x500  }
0x196: {  	[sflag:s16] =	ssyncset.done $0x0  }
0x197: {  	[sflag:s16] =	ssyncadd.s32 $0xFFFFFB00  }
0x198: {  	_ =	swait.ge [sflag:s16], $0x500  }
0x199: {  	[sflag:s16] =	ssyncset.done $0x0  }
0x19a: {  	[sflag:s16] =	ssyncadd.s32 $0xFFFFFB00  }
0x19b: {  	_ =	swait.ge [sflag:s16], $0x500  }
0x19c: {  	[sflag:s16] =	ssyncset.done $0x0  }
0x19d: {  	[sflag:s16] =	ssyncadd.s32 $0xFFFFFB00  }
0x19e: {  	_ =	swait.ge [sflag:s16], $0x500  }
0x19f: {  	[sflag:s16] =	ssyncset.done $0x0  }
0x1a0: {  	[sflag:s16] =	ssyncadd.s32 $0xFFFFFB00  }
0x1a1: {  	_ =	swait.ge [sflag:s16], $0x500  }
0x1a2: {  	[sflag:s16] =	ssyncset.done $0x0  }
0x1a3: {  	[sflag:s16] =	ssyncadd.s32 $0xFFFFFB00  }
0x1a4: {  	_ =	swait.ge [sflag:s16], $0x500  }
0x1a5: {  	[sflag:s16] =	ssyncset.done $0x0  }
0x1a6: {  	[sflag:s16] =	ssyncadd.s32 $0xFFFFFB00  }
0x1a7: {  	_ =	swait.ge [sflag:s16], $0x500  }
0x1a8: {  	[sflag:s16] =	ssyncset.done $0x0  }
0x1a9: {  	[sflag:s16] =	ssyncadd.s32 $0xFFFFFB00  }
0x1aa: {  	_ =	swait.ge [sflag:s16], $0x500  }
0x1ab: {  	[sflag:s16] =	ssyncset.done $0x0  }
0x1ac: {  	[sflag:s16] =	ssyncadd.s32 $0xFFFFFB00  }
0x1ad: {  	_ =	swait.ge [sflag:s16], $0x500  }
0x1ae: {  	[sflag:s16] =	ssyncset.done $0x0  }
0x1af: {  	[sflag:s16] =	ssyncadd.s32 $0xFFFFFB00  }
0x1b0: {  	[bflag:$0x0] =	sbarrier.arrive $0xFFFF  }
0x1b1: {  	[tilespmem:s10], [sflag:$0x2] =	stream.linear.gather [spmem:s5], $0x2710, $0x38;
	[tilespmem:$0xF230] =	vst v63  }
0x1b2: {  	s17 =	sadd.s32 $0x1, s17;
	_ =	swait.ge [sflag:s11], $0x2710  }
0x1b3: {  	p0 =	sne.s32 s17, s8;
	[sflag:s11] =	ssyncset.done $0x0  }
.Ltmp1:
0x1b4: {  	[sflag:s11] =	ssyncadd.s32 $0xFFFFD8F0;
	(pc) =	sbr.rel @p0 .LBB2_1-.Ltmp1, $4  }
0x1b5: {  	[hbm4b:s7+s3] =	stream.linear.scatter [tilespmem:s10], [sflag:$0x2], $0x2710, $0x38;
	[tilespmem:$0xF230] =	vst v63  }
0x1b6: {  	_ =	swait.ge [sflag:s11], $0x2710  }
0x1b7: {  	[sflag:s11] =	ssyncset.done $0x0  }
0x1b8: {  	[sflag:s11] =	ssyncadd.s32 $0xFFFFD8F0  }
0x1b9: {  	_ =	sfence.sel $0x180000  }
0x1ba: {  	[bflag:$0x0] =	sbarrier.arrive $0xFFFF  }
0x1bb: {  	p0 =	sne.s32 s1, $0x0;
	_ =	strace $0x9000004A  }
0x1bc: {  	s0 =	sadd.s32 @!p0 $0x100000, s0;
	[bflag:$0x2] =	sbarrier.arrive $0xFFFF  }
0x1bd: {  	[sflag:s0] =	ssyncadd.tile.s32 @!p0 $0x1;
	_ =	shalt  }
.Lfunc_end2:
_tile_overlayer_lowered:
.L_overlay_start_2:
0x1be: {  	(tag) =	ssettag $0x2  }
0x1bf: {  	s0 =	rddreg [dreg:$0x0];
	s2 =	stileid.u32  }
0x1c0: {  	s1 =	rddreg [dreg:$0x1];
	p0 =	sne.s32 s2, $0x0  }
0x1c1: {  	s3 =	rddreg [dreg:$0x2];
	[bflag:$0x3] =	sbarrier.arrive $0xFFFF;
	s2 =	simm.s32 @!p0 $0x1C02  }
0x1c2: {  	[timem:s3], [sflag:s2] =	dma.local @!p0 [hbm:s0], s1  }
0x1c3: {  	s0 =	simm.s32 @!p0 $0x2  }
0x1c4: {  	_ =	swait.ge @!p0 [sflag:s0], s1  }
0x1c5: {  	s1 =	ssub.s32 @!p0 $0x0, s1;
	[sflag:s0] =	ssyncset.done @!p0 $0x0  }
0x1c6: {  	[sflag:s0] =	ssyncadd.s32 @!p0 s1  }
0x1c7: {  	[bflag:$0x3] =	sbarrier.arrive $0xFFFF  }
0x1c8: {  	_ =	shalt  }

// kernel: kernel.16.cloned.1.call-start
scs
__scs_entry_jumppad:
0x0: {  	(pc) =	sbr.rel $0x88, $3  }
0x1: {  	(tag) =	ssettag $0x0;
	lr =	simm.s32 $0x1  }
0x2: {  	[smem:$0x3F92] =	sst lr;
	_ =	strace $0xD0000000  }
0x3: {  	_ = 	snop  }
0x4: {  	_ = 	snop  }
0x5: {  	_ = 	snop  }
0x6: {  	_ = 	snop  }
0x7: {  	_ = 	snop  }
__scs_overlays_trampoline_lowered:
0x8: {  	[smem:$0x3FA1] =	sst s0  }
0x9: {  	[smem:$0x3FA2] =	sst s1  }
0xa: {  	[smem:$0x3FA3] =	sst s2  }
0xb: {  	[smem:$0x3FA4] =	sst s3  }
0xc: {  	[smem:$0x3FA5] =	sst s4  }
0xd: {  	[smem:$0x3FA6] =	sst s5  }
0xe: {  	[smem:$0x3FA7] =	sst s6  }
0xf: {  	[smem:$0x3FA8] =	sst s7  }
0x10: {  	[smem:$0x3FA9] =	sst s8  }
0x11: {  	[smem:$0x3FAA] =	sst s9;
	s0 =	simm.s32 @!p0 $0x0  }
0x12: {  	s1 =	sld [smem:$0x3F90];
	s0 =	simm.s32 @p0 $0x1  }
0x13: {  	[smem:$0x3FAB] =	sst s0;
	s0 =	simm.s32 @!p1 $0x0  }
0x14: {  	s2 =	sld [smem:$0x3F8F];
	s0 =	simm.s32 @p1 $0x1  }
0x15: {  	[smem:$0x3FAC] =	sst s0;
	s0 =	simm.s32 @!p2 $0x0  }
0x16: {  	s3 =	sld [smem:$0x3FDB];
	s0 =	simm.s32 @p2 $0x1  }
0x17: {  	s4 =	simm.s32 $0x1BF5;
	[smem:$0x3FAE] =	sst s0  }
0x18: {  	s0 =	sld [smem:$0x3F91];
	_ =	swait.ge [sflag:s4], $0x0  }
0x19: {  	s7 =	sld [smem:$0x3F92]  }
0x1a: {  	s8 =	sadd.s32 $0xFFFFE003, lr  }
0x1b: {  	s9 =	sadd.s32 $0xFFFFFEF7, lr;
	s5 =	simm.s32 $0xFFFFFFFF;
	p2 =	slt.u32 s8, $0xFFFFF086  }
0x1c: {  	p1 =	slt.u32 s9, $0xF7A;
	s5 =	simm.s32 @!p2 $0x0  }
0x1d: {  	s5 =	simm.s32 @p1 $0x1;
	p0 =	seq.s32 s7, s2  }
0x1e: {  	s7 =	smul.u32 @!p0 $0xF7A, s2;
	p2 =	seq.s32 @!p0 s5, $0x0  }
0x1f: {  	s9 =	smul.u32 $0xF7A, s1;
	s8 =	simm.s32 @!p0 $0x1BF5;
	p2 =	por !p2, p0  }
0x20: {  	[sflag:s8] =	ssyncset.s32 @!p0 $0xFFFFF086;
	s6 =	sadd.s32 @!p0 s3, s7;
	s7 =	simm.s32 @!p0 $0x108  }
0x21: {  	s3 =	sadd.s32 s3, s9;
	s6 =	sadd.s32 @!p0 $0x88, s6;
	s7 =	simm.s32 @p2 $0x1082  }
0x22: {  	[simem:s7], [sflag:s8] =	dma.local @!p0 [hbm:s6], $0xF7A  }
0x23: {  	s9 =	sor.u32 $0xD0000000, s2;
	s6 =	simm.s32 $0x108;
	_ =	swait.ge @!p0 [sflag:s8], $0x0  }
0x24: {  	s3 =	sadd.s32 $0x88, s3;
	s6 =	simm.s32 @!p1 $0x1082;
	[sflag:s4] =	ssyncset.s32 $0xFFFFF086  }
0x25: {  	[simem:s6], [sflag:s4] =	dma.local [hbm:s3], $0xF7A  }
0x26: {  	[smem:$0x3F92] =	sst s1;
	(tag) =	ssettag s2;
	_ =	strace s9  }
0x27: {  	s1 =	sld [smem:$0x3FA2]  }
0x28: {  	s2 =	sld [smem:$0x3FA3]  }
0x29: {  	s4 =	sld [smem:$0x3FA5]  }
0x2a: {  	p0 =	seq.s32 s5, $0x0;
	s5 =	sld [smem:$0x3FA6]  }
0x2b: {  	s6 =	sld [smem:$0x3FA7]  }
0x2c: {  	s7 =	sld [smem:$0x3FA8]  }
0x2d: {  	s3 =	simm.s32 $0x108;
	s8 =	sld [smem:$0x3FA9]  }
0x2e: {  	s3 =	simm.s32 @!p0 $0x1082;
	s9 =	sld [smem:$0x3FAA]  }
0x2f: {  	lr =	sadd.s32 s0, s3;
	s0 =	sld [smem:$0x3FA1]  }
0x30: {  	s3 =	sld [smem:$0x3FA4]  }
0x31: {  	[smem:$0x3FAD] =	sst s10  }
0x32: {  	s10 =	sld [smem:$0x3FAB];
	_ =	sdelay $0x3  }
0x33: {  	p0 =	seq.s32 s10, $0x1;
	s10 =	sld [smem:$0x3FAD];
	_ =	sdelay $0x3  }
0x34: {  	[smem:$0x3FAD] =	sst s10  }
0x35: {  	s10 =	sld [smem:$0x3FAC];
	_ =	sdelay $0x3  }
0x36: {  	p1 =	seq.s32 s10, $0x1;
	s10 =	sld [smem:$0x3FAD];
	_ =	sdelay $0x3  }
0x37: {  	[smem:$0x3FAD] =	sst s10  }
0x38: {  	s10 =	sld [smem:$0x3FAE]  }
0x39: {  	_ = 	snop;
	(pc) =	sbr.ind lr, $3  }
0x3a: {  	_ = 	snop  }
0x3b: {  	_ = 	snop  }
0x3c: {  	p2 =	seq.s32 s10, $0x1;
	s10 =	sld [smem:$0x3FAD]  }
0x3d: {  	_ =	shalt  }
0x3e: {  	_ =	shalt  }
0x3f: {  	_ =	shalt  }
0x40: {  	_ =	shalt  }
0x41: {  	_ =	shalt  }
0x42: {  	_ =	shalt  }
0x43: {  	_ =	shalt  }
0x44: {  	_ =	shalt  }
0x45: {  	_ =	shalt  }
0x46: {  	_ =	shalt  }
0x47: {  	_ =	shalt  }
0x48: {  	_ =	shalt  }
0x49: {  	_ =	shalt  }
0x4a: {  	_ =	shalt  }
0x4b: {  	_ =	shalt  }
0x4c: {  	_ =	shalt  }
0x4d: {  	_ =	shalt  }
0x4e: {  	_ =	shalt  }
0x4f: {  	_ =	shalt  }
0x50: {  	_ =	shalt  }
0x51: {  	_ =	shalt  }
0x52: {  	_ =	shalt  }
0x53: {  	_ =	shalt  }
0x54: {  	_ =	shalt  }
0x55: {  	_ =	shalt  }
0x56: {  	_ =	shalt  }
0x57: {  	_ =	shalt  }
0x58: {  	_ =	shalt  }
0x59: {  	_ =	shalt  }
0x5a: {  	_ =	shalt  }
0x5b: {  	_ =	shalt  }
0x5c: {  	_ =	shalt  }
0x5d: {  	_ =	shalt  }
0x5e: {  	_ =	shalt  }
0x5f: {  	_ =	shalt  }
0x60: {  	_ =	shalt  }
0x61: {  	_ =	shalt  }
0x62: {  	_ =	shalt  }
0x63: {  	_ =	shalt  }
0x64: {  	_ =	shalt  }
0x65: {  	_ =	shalt  }
0x66: {  	_ =	shalt  }
0x67: {  	_ =	shalt  }
0x68: {  	_ =	shalt  }
0x69: {  	_ =	shalt  }
0x6a: {  	_ =	shalt  }
0x6b: {  	_ =	shalt  }
0x6c: {  	_ =	shalt  }
0x6d: {  	_ =	shalt  }
0x6e: {  	_ =	shalt  }
0x6f: {  	_ =	shalt  }
0x70: {  	_ =	shalt  }
0x71: {  	_ =	shalt  }
0x72: {  	_ =	shalt  }
0x73: {  	_ =	shalt  }
0x74: {  	_ =	shalt  }
0x75: {  	_ =	shalt  }
0x76: {  	_ =	shalt  }
0x77: {  	_ =	shalt  }
0x78: {  	_ =	shalt  }
0x79: {  	_ =	shalt  }
0x7a: {  	_ =	shalt  }
0x7b: {  	_ =	shalt  }
0x7c: {  	_ =	shalt  }
0x7d: {  	_ =	shalt  }
0x7e: {  	_ =	shalt  }
0x7f: {  	_ =	shalt  }
0x80: {  	_ =	shalt  }
0x81: {  	_ =	shalt  }
0x82: {  	_ =	shalt  }
0x83: {  	_ =	shalt  }
0x84: {  	_ =	shalt  }
0x85: {  	_ =	shalt  }
0x86: {  	_ =	shalt  }
0x87: {  	_ =	shalt  }
.Lfunc_end0:
.L_simem_size_0:
called_computation.2_lowered:
.L_overlay_start_0:
0x88: {  	s2 =	sld [smem:$0x3FD9]  }
0x89: {  	s3 =	sld [smem:$0x3FFE];
	_ =	sdelay $0x1  }
0x8a: {  	s1 =	srdreg.scid  }
0x8b: {  	s0 =	sand.u32 $0x1, s1  }
0x8c: {  	s17 =	sshll.u32 s0, $0xA;
	s2 =	sadd.s32 s3, s2  }
0x8d: {  	s2 =	sadd.s32 s2, s17  }
0x8e: {  	[smem:$0x3FB9] =	sst s2  }
0x8f: {  	_ = 	snop  }
0x90: {  	s2 =	sld [smem:$0x3FD0];
	(tm) =	ssettm $0x1  }
0x91: {  	s18 =	sld [smem:$0x3FFB];
	_ =	sdelay $0x3  }
0x92: {  	_ =	strace s18  }
0x93: {  	s3 =	sld [smem:$0x3FFC];
	_ =	sdelay $0x3  }
0x94: {  	_ =	strace s3  }
0x95: {  	s3 =	sld [smem:$0x3FFD];
	_ =	sdelay $0x3  }
0x96: {  	_ =	strace s3  }
0x97: {  	_ =	strace $0x8FFFFFFF  }
0x98: {  	s19 =	sld [smem:$0x3FDB];
	_ =	sdelay $0x1  }
0x99: {  	s4 =	simm.s32 $_scs_section_size  }
0x9a: {  	s5 =	simm.s32 $_size__tile_overlayer_lowered;
	s6 =	simm.s32 $_tile_overlayer_lowered  }
0x9b: {  	s22 =	simm.s32 $0x1BFF;
	s21 =	sshll.u32 s6, $0x1;
	s3 =	sadd.s32 s4, s19  }
0x9c: {  	s7 =	simm.s32 $0x0;
	s20 =	sshll.u32 s5, $0x1;
	s5 =	sadd.s32 s21, s3  }
0x9d: {  	[timem:s7], [sflag:s22] =	dma.local [hbm:s5], s20  }
0x9e: {  	_ =	swait.ge [sflag:s22], s20  }
0x9f: {  	s4 =	ssub.s32 $0x0, s20;
	[sflag:s22] =	ssyncset.done $0x0  }
0xa0: {  	[sflag:s22] =	ssyncadd.s32 s4;
	_ =	sdelay $0x1  }
0xa1: {  	s23 =	simm.s32 $0x1B8B  }
0xa2: {  	_ =	swait.ge [sflag:s23], $0x1  }
0xa3: {  	[sflag:s23] =	ssyncset.done $0x0  }
0xa4: {  	s25 =	simm.s32 $0x1B8E;
	s24 =	sld [smem:$0x3FFE];
	[sflag:s23] =	ssyncadd.s32 $0xFFFFFFFF  }
0xa5: {  	s26 =	simm.s32 $execute0_lowered;
	[smem:$0x3FD2] =	sst s25  }
0xa6: {  	s5 =	sshll.u32 s26, $0x1;
	_ =	strace $0x8000004C;
	[dreg:$0x1] =	wrdreg $0xFFFFFFFF  }
0xa7: {  	s28 =	simm.s32 $_size_execute0_lowered;
	s3 =	sadd.s32 s3, s5;
	[dreg:$0x0] =	wrdreg $0x0  }
0xa8: {  	s5 =	sshll.u32 s28, $0x1;
	[dreg:$0x2] =	wrdreg s3  }
0xa9: {  	[dreg:$0x3] =	wrdreg s5  }
0xaa: {  	[dreg:$0x4] =	wrdreg $0xC0  }
0xab: {  	_ =	task [dreg:s7], $0x5FFFF  }
0xac: {  	[dreg:$0x1] =	wrdreg $0xFFFFFFFF  }
0xad: {  	[dreg:$0x0] =	wrdreg $0x60  }
0xae: {  	[dreg:$0x2] =	wrdreg s2  }
0xaf: {  	[dreg:$0x3] =	wrdreg s24  }
0xb0: {  	[dreg:$0x4] =	wrdreg $0x9  }
0xb1: {  	_ =	task.clear_ibuf [dreg:s7], $0x5FFFF;
	_ =	strace $0x9000004C  }
0xb2: {  	s29 =	simm.s32 $0x9;
	_ =	strace $0x8000004E  }
0xb3: {  	_ =	swait.ge [sflag:s29], $0x1  }
0xb4: {  	[sflag:s29] =	ssyncadd.s32 $0xFFFFFFFF  }
0xb5: {  	_ =	strace $0x9000004E  }
0xb6: {  	_ =	sfence  }
0xb7: {  	s30 =	sld [smem:$0x0];
	_ =	sdelay $0x2  }
0xb8: {  	s31 =	sshll.u32 s1, $0xD;
	s1 =	sshrl.u32 s1, $0x2  }
0xb9: {  	s3 =	sand.u32 $0x4000, s31;
	s1 =	sadd.s32 s1, s30  }
0xba: {  	s0 =	sor.u32 s3, s0;
	s1 =	sshll.u32 s1, $0x11  }
0xbb: {  	s0 =	sor.u32 s1, s0  }
0xbc: {  	s0 =	sadd.s32 $0x8F2B, s0  }
0xbd: {  	[sflag:s0] =	ssyncadd.remote.s32 $0x1  }
0xbe: {  	_ =	sfence.sel $0xFFFF  }
0xbf: {  	[dreg:$0x0] =	wrdreg $0xFFFFFFFF;
	(pc) =	sbr.abs _section_cstart, $3  }
0xc0: {  	[dreg:$0x1] =	wrdreg $0xFFFFFFFF  }
0xc1: {  	_ =	task.clear_ibuf [dreg:s7], $0x2FFFF;
	_ =	strace $0x9FFFFFFF  }
0xc2: {  	(tm) =	ssettm $0x7FFFFFFF  }
0xc3: {  	_ =	shalt  }
tec
execute0_lowered:
.L_overlay_start_1:
0x0: {  	(tag) =	ssettag $0x1  }
0x1: {  	s1 =	rddreg [dreg:$0x0]  }
0x2: {  	s4 =	rddreg [dreg:$0x1]  }
0x3: {  	s0 =	rddreg [dreg:$0x2];
	s2 =	simm.s32 $0x0  }
0x4: {  	s3 =	simm.s32 $0x2C10;
	[smem:$0x7FF] =	sst s2  }
0x5: {  	s9 =	simm.s32 $0x3110;
	_ =	strace $0x8000004D;
	[dreg:$0x3] =	wrdreg s3  }
0x6: {  	s10 =	simm.s32 $0x3610;
	[dreg:$0x4] =	wrdreg s9  }
0x7: {  	s11 =	simm.s32 $0x3B10;
	[dreg:$0x5] =	wrdreg s10  }
0x8: {  	s6 =	simm.s32 $0x4010;
	[dreg:$0x6] =	wrdreg s11  }
0x9: {  	s12 =	simm.s32 $0x4510;
	[dreg:$0x7] =	wrdreg s6  }
0xa: {  	s13 =	simm.s32 $0x4A10;
	[dreg:$0x8] =	wrdreg s12  }
0xb: {  	s14 =	simm.s32 $0x4F10;
	[dreg:$0x9] =	wrdreg s13  }
0xc: {  	s15 =	simm.s32 $0x5410;
	[dreg:$0xa] =	wrdreg s14  }
0xd: {  	s16 =	simm.s32 $0x5910;
	[dreg:$0xb] =	wrdreg s15  }
0xe: {  	s17 =	simm.s32 $0x5E10;
	[dreg:$0xc] =	wrdreg s16  }
0xf: {  	s18 =	simm.s32 $0x6310;
	[dreg:$0xd] =	wrdreg s17  }
0x10: {  	s19 =	simm.s32 $0x6810;
	[dreg:$0xe] =	wrdreg s18  }
0x11: {  	s20 =	simm.s32 $0x6D10;
	[dreg:$0xf] =	wrdreg s19  }
0x12: {  	s21 =	simm.s32 $0x7210;
	[dreg:$0x10] =	wrdreg s20  }
0x13: {  	s23 =	simm.s32 $0x7710;
	[dreg:$0x11] =	wrdreg s21  }
0x14: {  	s24 =	simm.s32 $0x7C10;
	[dreg:$0x12] =	wrdreg s23  }
0x15: {  	s25 =	simm.s32 $0x8110;
	[dreg:$0x13] =	wrdreg s24  }
0x16: {  	s28 =	simm.s32 $0x8610;
	[dreg:$0x14] =	wrdreg s25  }
0x17: {  	s5 =	srdreg.scid;
	s29 =	simm.s32 $0x8B10;
	[dreg:$0x15] =	wrdreg s28  }
0x18: {  	s30 =	simm.s32 $0x9010;
	s31 =	simm.s32 $0x9510;
	[dreg:$0x16] =	wrdreg s29  }
0x19: {  	s5 =	sand.u32 $0x1, s5;
	s3 =	stileid.u32;
	[dreg:$0x17] =	wrdreg s30  }
0x1a: {  	[dreg:$0x18] =	wrdreg s31;
	s9 =	simm.s32 $0x9A10;
	s10 =	simm.s32 $0x9F10  }
0x1b: {  	s11 =	simm.s32 $0x10;
	s12 =	simm.s32 $0x80;
	s7 =	sshll.u32 s3, $0x1  }
0x1c: {  	s13 =	simm.s32 $0x0;
	s26 =	sand.u32 $0xE, s3;
	s7 =	sor.u32 s5, s7  }
0x1d: {  	[dreg:$0x19] =	wrdreg s9;
	s8 =	smul.u32 $0x4E2, s7;
	s7 =	sand.u32 $0x3, s7  }
0x1e: {  	s9 =	simm.s32 $0x2710;
	s5 =	ssub.s32 $0x2, s5;
	s7 =	smul.u32 $0x27100, s7  }
0x1f: {  	[dreg:$0x1a] =	wrdreg s10;
	s10 =	simm.s32 $0x1;
	s22 =	sshrl.u32 s5, $0x1  }
0x20: {  	s5 =	ssub.s32 s5, s22;
	s8 =	sadd.s32 s8, s4;
	s7 =	sadd.s32 s7, s4  }
0x21: {  	s5 =	smax.u32 s5, $0x1;
	s4 =	sadd.s32 $0x4600, s8;
	s7 =	sadd.s32 s26, s7  }
0x22: {  	s8 =	simm.s32 $0x50;
	s6 =	sadd.s32 $0x1A200, s7;
	s7 =	simm.s32 $0x2  }
.LBB2_1:
0x23: {  	[tilespmem:s2], [sflag:$0x2] =	stream.linear.gather [hbm4b:s4+s2], $0x2710, $0x38;
	[tilespmem:$0xA410] =	vst v63  }
0x24: {  	_ =	swait.ge [sflag:s7], $0x2710  }
0x25: {  	[sflag:s7] =	ssyncset.done $0x0  }
0x26: {  	s14 =	simm.s32 $0x0;
	[sflag:s7] =	ssyncadd.s32 $0xFFFFD8F0  }
0x27: {  	[tilespmem:s9], [sflag:$0x1] =	stream.indirect.gather [hbm4b:s1+s8], $0x10, s14, s8, $0xb8;
	[tilespmem:$0xA410] =	vst v63  }
0x28: {  	s29 =	simm.s32 $0x50;
	s15 =	rddreg [dreg:$0x3]  }
0x29: {  	[tilespmem:s15], [sflag:$0x1] =	stream.indirect.gather [hbm4b:s1+s8], $0x10, s29, s8, $0xb8;
	[tilespmem:$0xA410] =	vst v63  }
0x2a: {  	s31 =	simm.s32 $0xA0;
	s16 =	rddreg [dreg:$0x4]  }
0x2b: {  	[tilespmem:s16], [sflag:$0x1] =	stream.indirect.gather [hbm4b:s1+s8], $0x10, s31, s8, $0xb8;
	[tilespmem:$0xA410] =	vst v63  }
0x2c: {  	s17 =	simm.s32 $0xF0;
	s30 =	rddreg [dreg:$0x5]  }
0x2d: {  	[tilespmem:s30], [sflag:$0x1] =	stream.indirect.gather [hbm4b:s1+s8], $0x10, s17, s8, $0xb8;
	[tilespmem:$0xA410] =	vst v63  }
0x2e: {  	s20 =	simm.s32 $0x140;
	s18 =	rddreg [dreg:$0x6]  }
0x2f: {  	[tilespmem:s18], [sflag:$0x1] =	stream.indirect.gather [hbm4b:s1+s8], $0x10, s20, s8, $0xb8;
	[tilespmem:$0xA410] =	vst v63  }
0x30: {  	s21 =	simm.s32 $0x190;
	s19 =	rddreg [dreg:$0x7]  }
0x31: {  	[tilespmem:s19], [sflag:$0x1] =	stream.indirect.gather [hbm4b:s1+s8], $0x10, s21, s8, $0xb8;
	[tilespmem:$0xA410] =	vst v63  }
0x32: {  	s23 =	simm.s32 $0x1E0;
	s22 =	rddreg [dreg:$0x8]  }
0x33: {  	[tilespmem:s22], [sflag:$0x1] =	stream.indirect.gather [hbm4b:s1+s8], $0x10, s23, s8, $0xb8;
	[tilespmem:$0xA410] =	vst v63  }
0x34: {  	s25 =	simm.s32 $0x230;
	s24 =	rddreg [dreg:$0x9]  }
0x35: {  	[tilespmem:s24], [sflag:$0x1] =	stream.indirect.gather [hbm4b:s1+s8], $0x10, s25, s8, $0xb8;
	[tilespmem:$0xA410] =	vst v63  }
0x36: {  	s28 =	simm.s32 $0x280;
	s26 =	rddreg [dreg:$0xa]  }
0x37: {  	[tilespmem:s26], [sflag:$0x1] =	stream.indirect.gather [hbm4b:s1+s8], $0x10, s28, s8, $0xb8;
	[tilespmem:$0xA410] =	vst v63  }
0x38: {  	s29 =	rddreg [dreg:$0xb];
	s31 =	simm.s32 $0x2D0  }
0x39: {  	[tilespmem:s29], [sflag:$0x1] =	stream.indirect.gather [hbm4b:s1+s8], $0x10, s31, s8, $0xb8;
	[tilespmem:$0xA410] =	vst v63  }
0x3a: {  	s30 =	rddreg [dreg:$0xc];
	s17 =	simm.s32 $0x320  }
0x3b: {  	[tilespmem:s30], [sflag:$0x1] =	stream.indirect.gather [hbm4b:s1+s8], $0x10, s17, s8, $0xb8;
	[tilespmem:$0xA410] =	vst v63  }
0x3c: {  	s18 =	rddreg [dreg:$0xd];
	s20 =	simm.s32 $0x370  }
0x3d: {  	[tilespmem:s18], [sflag:$0x1] =	stream.indirect.gather [hbm4b:s1+s8], $0x10, s20, s8, $0xb8;
	[tilespmem:$0xA410] =	vst v63  }
0x3e: {  	s19 =	rddreg [dreg:$0xe];
	s21 =	simm.s32 $0x3C0  }
0x3f: {  	[tilespmem:s19], [sflag:$0x1] =	stream.indirect.gather [hbm4b:s1+s8], $0x10, s21, s8, $0xb8;
	[tilespmem:$0xA410] =	vst v63  }
0x40: {  	s22 =	rddreg [dreg:$0xf];
	s23 =	simm.s32 $0x410  }
0x41: {  	[tilespmem:s22], [sflag:$0x1] =	stream.indirect.gather [hbm4b:s1+s8], $0x10, s23, s8, $0xb8;
	[tilespmem:$0xA410] =	vst v63  }
0x42: {  	s24 =	rddreg [dreg:$0x10];
	s26 =	simm.s32 $0x460  }
0x43: {  	[tilespmem:s24], [sflag:$0x1] =	stream.indirect.gather [hbm4b:s1+s8], $0x10, s26, s8, $0xb8;
	[tilespmem:$0xA410] =	vst v63  }
0x44: {  	s25 =	rddreg [dreg:$0x11];
	s28 =	simm.s32 $0x4B0  }
0x45: {  	[tilespmem:s25], [sflag:$0x1] =	stream.indirect.gather [hbm4b:s1+s8], $0x10, s28, s8, $0xb8;
	[tilespmem:$0xA410] =	vst v63  }
0x46: {  	s29 =	rddreg [dreg:$0x12];
	s30 =	simm.s32 $0x500  }
0x47: {  	[tilespmem:s29], [sflag:$0x1] =	stream.indirect.gather [hbm4b:s1+s8], $0x10, s30, s8, $0xb8;
	[tilespmem:$0xA410] =	vst v63  }
0x48: {  	s16 =	simm.s32 $0x550;
	s31 =	rddreg [dreg:$0x13]  }
0x49: {  	[tilespmem:s31], [sflag:$0x1] =	stream.indirect.gather [hbm4b:s1+s8], $0x10, s16, s8, $0xb8;
	[tilespmem:$0xA410] =	vst v63  }
0x4a: {  	s17 =	rddreg [dreg:$0x14];
	s19 =	simm.s32 $0x5A0  }
0x4b: {  	[tilespmem:s17], [sflag:$0x1] =	stream.indirect.gather [hbm4b:s1+s8], $0x10, s19, s8, $0xb8;
	[tilespmem:$0xA410] =	vst v63  }
0x4c: {  	s18 =	rddreg [dreg:$0x15];
	s20 =	simm.s32 $0x5F0  }
0x4d: {  	[tilespmem:s18], [sflag:$0x1] =	stream.indirect.gather [hbm4b:s1+s8], $0x10, s20, s8, $0xb8;
	[tilespmem:$0xA410] =	vst v63  }
0x4e: {  	s21 =	rddreg [dreg:$0x16];
	s22 =	simm.s32 $0x640  }
0x4f: {  	[tilespmem:s21], [sflag:$0x1] =	stream.indirect.gather [hbm4b:s1+s8], $0x10, s22, s8, $0xb8;
	[tilespmem:$0xA410] =	vst v63  }
0x50: {  	s23 =	rddreg [dreg:$0x17];
	s24 =	simm.s32 $0x690  }
0x51: {  	[tilespmem:s23], [sflag:$0x1] =	stream.indirect.gather [hbm4b:s1+s8], $0x10, s24, s8, $0xb8;
	[tilespmem:$0xA410] =	vst v63  }
0x52: {  	s26 =	simm.s32 $0x6E0;
	s25 =	rddreg [dreg:$0x18]  }
0x53: {  	[tilespmem:s25], [sflag:$0x1] =	stream.indirect.gather [hbm4b:s1+s8], $0x10, s26, s8, $0xb8;
	[tilespmem:$0xA410] =	vst v63  }
0x54: {  	s28 =	rddreg [dreg:$0x19];
	s29 =	simm.s32 $0x730  }
0x55: {  	[tilespmem:s28], [sflag:$0x1] =	stream.indirect.gather [hbm4b:s1+s8], $0x10, s29, s8, $0xb8;
	[tilespmem:$0xA410] =	vst v63  }
0x56: {  	s30 =	rddreg [dreg:$0x1a];
	s31 =	simm.s32 $0x780  }
0x57: {  	[tilespmem:s30], [sflag:$0x1] =	stream.indirect.gather [hbm4b:s1+s8], $0x10, s31, s8, $0xb8;
	[tilespmem:$0xA410] =	vst v63  }
0x58: {  	_ =	swait.ge [sflag:s10], $0x500  }
0x59: {  	[sflag:s10] =	ssyncset.done $0x0  }
0x5a: {  	[sflag:s10] =	ssyncadd.s32 $0xFFFFFB00  }
0x5b: {  	_ =	swait.ge [sflag:s10], $0x500  }
0x5c: {  	[sflag:s10] =	ssyncset.done $0x0  }
0x5d: {  	[sflag:s10] =	ssyncadd.s32 $0xFFFFFB00  }
0x5e: {  	_ =	swait.ge [sflag:s10], $0x500  }
0x5f: {  	[sflag:s10] =	ssyncset.done $0x0  }
0x60: {  	[sflag:s10] =	ssyncadd.s32 $0xFFFFFB00  }
0x61: {  	_ =	swait.ge [sflag:s10], $0x500  }
0x62: {  	[sflag:s10] =	ssyncset.done $0x0  }
0x63: {  	[sflag:s10] =	ssyncadd.s32 $0xFFFFFB00  }
0x64: {  	_ =	swait.ge [sflag:s10], $0x500  }
0x65: {  	[sflag:s10] =	ssyncset.done $0x0  }
0x66: {  	[sflag:s10] =	ssyncadd.s32 $0xFFFFFB00  }
0x67: {  	_ =	swait.ge [sflag:s10], $0x500  }
0x68: {  	[sflag:s10] =	ssyncset.done $0x0  }
0x69: {  	[sflag:s10] =	ssyncadd.s32 $0xFFFFFB00  }
0x6a: {  	_ =	swait.ge [sflag:s10], $0x500  }
0x6b: {  	[sflag:s10] =	ssyncset.done $0x0  }
0x6c: {  	[sflag:s10] =	ssyncadd.s32 $0xFFFFFB00  }
0x6d: {  	_ =	swait.ge [sflag:s10], $0x500  }
0x6e: {  	[sflag:s10] =	ssyncset.done $0x0  }
0x6f: {  	[sflag:s10] =	ssyncadd.s32 $0xFFFFFB00  }
0x70: {  	_ =	swait.ge [sflag:s10], $0x500  }
0x71: {  	[sflag:s10] =	ssyncset.done $0x0  }
0x72: {  	[sflag:s10] =	ssyncadd.s32 $0xFFFFFB00  }
0x73: {  	_ =	swait.ge [sflag:s10], $0x500  }
0x74: {  	[sflag:s10] =	ssyncset.done $0x0  }
0x75: {  	[sflag:s10] =	ssyncadd.s32 $0xFFFFFB00  }
0x76: {  	_ =	swait.ge [sflag:s10], $0x500  }
0x77: {  	[sflag:s10] =	ssyncset.done $0x0  }
0x78: {  	[sflag:s10] =	ssyncadd.s32 $0xFFFFFB00  }
0x79: {  	_ =	swait.ge [sflag:s10], $0x500  }
0x7a: {  	[sflag:s10] =	ssyncset.done $0x0  }
0x7b: {  	[sflag:s10] =	ssyncadd.s32 $0xFFFFFB00  }
0x7c: {  	_ =	swait.ge [sflag:s10], $0x500  }
0x7d: {  	[sflag:s10] =	ssyncset.done $0x0  }
0x7e: {  	[sflag:s10] =	ssyncadd.s32 $0xFFFFFB00  }
0x7f: {  	_ =	swait.ge [sflag:s10], $0x500  }
0x80: {  	[sflag:s10] =	ssyncset.done $0x0  }
0x81: {  	[sflag:s10] =	ssyncadd.s32 $0xFFFFFB00  }
0x82: {  	_ =	swait.ge [sflag:s10], $0x500  }
0x83: {  	[sflag:s10] =	ssyncset.done $0x0  }
0x84: {  	[sflag:s10] =	ssyncadd.s32 $0xFFFFFB00  }
0x85: {  	_ =	swait.ge [sflag:s10], $0x500  }
0x86: {  	[sflag:s10] =	ssyncset.done $0x0  }
0x87: {  	[sflag:s10] =	ssyncadd.s32 $0xFFFFFB00  }
0x88: {  	_ =	swait.ge [sflag:s10], $0x500  }
0x89: {  	[sflag:s10] =	ssyncset.done $0x0  }
0x8a: {  	[sflag:s10] =	ssyncadd.s32 $0xFFFFFB00  }
0x8b: {  	_ =	swait.ge [sflag:s10], $0x500  }
0x8c: {  	[sflag:s10] =	ssyncset.done $0x0  }
0x8d: {  	[sflag:s10] =	ssyncadd.s32 $0xFFFFFB00  }
0x8e: {  	_ =	swait.ge [sflag:s10], $0x500  }
0x8f: {  	[sflag:s10] =	ssyncset.done $0x0  }
0x90: {  	[sflag:s10] =	ssyncadd.s32 $0xFFFFFB00  }
0x91: {  	_ =	swait.ge [sflag:s10], $0x500  }
0x92: {  	[sflag:s10] =	ssyncset.done $0x0  }
0x93: {  	[sflag:s10] =	ssyncadd.s32 $0xFFFFFB00  }
0x94: {  	_ =	swait.ge [sflag:s10], $0x500  }
0x95: {  	[sflag:s10] =	ssyncset.done $0x0  }
0x96: {  	[sflag:s10] =	ssyncadd.s32 $0xFFFFFB00  }
0x97: {  	_ =	swait.ge [sflag:s10], $0x500  }
0x98: {  	[sflag:s10] =	ssyncset.done $0x0  }
0x99: {  	[sflag:s10] =	ssyncadd.s32 $0xFFFFFB00  }
0x9a: {  	_ =	swait.ge [sflag:s10], $0x500  }
0x9b: {  	[sflag:s10] =	ssyncset.done $0x0  }
0x9c: {  	[sflag:s10] =	ssyncadd.s32 $0xFFFFFB00  }
0x9d: {  	_ =	swait.ge [sflag:s10], $0x500  }
0x9e: {  	[sflag:s10] =	ssyncset.done $0x0  }
0x9f: {  	[sflag:s10] =	ssyncadd.s32 $0xFFFFFB00  }
0xa0: {  	_ =	swait.ge [sflag:s10], $0x500  }
0xa1: {  	[sflag:s10] =	ssyncset.done $0x0  }
0xa2: {  	s14 =	sadd.s32 $0x7D00, s6;
	[sflag:s10] =	ssyncadd.s32 $0xFFFFFB00  }
0xa3: {  	[hbm4b:s6+s11] =	stream.strided.scatter [tilespmem:s9], [sflag:$0x2], $0x7D00, s12, s11, $0x38;
	[tilespmem:$0xA410] =	vst v63  }
0xa4: {  	s15 =	simm.s32 $0x7D0;
	s18 =	simm.s32 $0x3E80;
	_ =	swait.ge [sflag:s7], $0x7D00  }
.LBB2_2:
0xa5: {  	[sflag:s7] =	ssyncset.done $0x0  }
0xa6: {  	[sflag:s7] =	ssyncadd.s32 $0xFFFF8300  }
0xa7: {  	[tilespmem:s9], [sflag:$0x1] =	stream.indirect.gather [hbm4b:s1+s8], $0x10, s15, s8, $0xb8;
	[tilespmem:$0xA410] =	vst v63  }
0xa8: {  	s19 =	rddreg [dreg:$0x3];
	s20 =	sadd.s32 $0x50, s15  }
0xa9: {  	[tilespmem:s19], [sflag:$0x1] =	stream.indirect.gather [hbm4b:s1+s8], $0x10, s20, s8, $0xb8;
	[tilespmem:$0xA410] =	vst v63  }
0xaa: {  	s22 =	sadd.s32 $0xA0, s15;
	s23 =	rddreg [dreg:$0x4]  }
0xab: {  	[tilespmem:s23], [sflag:$0x1] =	stream.indirect.gather [hbm4b:s1+s8], $0x10, s22, s8, $0xb8;
	[tilespmem:$0xA410] =	vst v63  }
0xac: {  	s21 =	rddreg [dreg:$0x5];
	s24 =	sadd.s32 $0xF0, s15  }
0xad: {  	[tilespmem:s21], [sflag:$0x1] =	stream.indirect.gather [hbm4b:s1+s8], $0x10, s24, s8, $0xb8;
	[tilespmem:$0xA410] =	vst v63  }
0xae: {  	s26 =	sadd.s32 $0x140, s15;
	s28 =	rddreg [dreg:$0x6]  }
0xaf: {  	[tilespmem:s28], [sflag:$0x1] =	stream.indirect.gather [hbm4b:s1+s8], $0x10, s26, s8, $0xb8;
	[tilespmem:$0xA410] =	vst v63  }
0xb0: {  	s25 =	rddreg [dreg:$0x7];
	s29 =	sadd.s32 $0x190, s15  }
0xb1: {  	[tilespmem:s25], [sflag:$0x1] =	stream.indirect.gather [hbm4b:s1+s8], $0x10, s29, s8, $0xb8;
	[tilespmem:$0xA410] =	vst v63  }
0xb2: {  	s30 =	rddreg [dreg:$0x8];
	s31 =	sadd.s32 $0x1E0, s15  }
0xb3: {  	[tilespmem:s30], [sflag:$0x1] =	stream.indirect.gather [hbm4b:s1+s8], $0x10, s31, s8, $0xb8;
	[tilespmem:$0xA410] =	vst v63  }
0xb4: {  	s23 =	sadd.s32 $0x230, s15;
	s24 =	rddreg [dreg:$0x9]  }
0xb5: {  	[tilespmem:s24], [sflag:$0x1] =	stream.indirect.gather [hbm4b:s1+s8], $0x10, s23, s8, $0xb8;
	[tilespmem:$0xA410] =	vst v63  }
0xb6: {  	s26 =	rddreg [dreg:$0xa];
	s25 =	sadd.s32 $0x280, s15  }
0xb7: {  	[tilespmem:s26], [sflag:$0x1] =	stream.indirect.gather [hbm4b:s1+s8], $0x10, s25, s8, $0xb8;
	[tilespmem:$0xA410] =	vst v63  }
0xb8: {  	s28 =	sadd.s32 $0x2D0, s15;
	s29 =	rddreg [dreg:$0xb]  }
0xb9: {  	[tilespmem:s29], [sflag:$0x1] =	stream.indirect.gather [hbm4b:s1+s8], $0x10, s28, s8, $0xb8;
	[tilespmem:$0xA410] =	vst v63  }
0xba: {  	s22 =	rddreg [dreg:$0xc];
	s30 =	sadd.s32 $0x320, s15  }
0xbb: {  	[tilespmem:s22], [sflag:$0x1] =	stream.indirect.gather [hbm4b:s1+s8], $0x10, s30, s8, $0xb8;
	[tilespmem:$0xA410] =	vst v63  }
0xbc: {  	s19 =	sadd.s32 $0x370, s15;
	s23 =	rddreg [dreg:$0xd]  }
0xbd: {  	[tilespmem:s23], [sflag:$0x1] =	stream.indirect.gather [hbm4b:s1+s8], $0x10, s19, s8, $0xb8;
	[tilespmem:$0xA410] =	vst v63  }
0xbe: {  	s31 =	rddreg [dreg:$0xe];
	s24 =	sadd.s32 $0x3C0, s15  }
0xbf: {  	[tilespmem:s31], [sflag:$0x1] =	stream.indirect.gather [hbm4b:s1+s8], $0x10, s24, s8, $0xb8;
	[tilespmem:$0xA410] =	vst v63  }
0xc0: {  	s25 =	rddreg [dreg:$0xf];
	s26 =	sadd.s32 $0x410, s15  }
0xc1: {  	[tilespmem:s25], [sflag:$0x1] =	stream.indirect.gather [hbm4b:s1+s8], $0x10, s26, s8, $0xb8;
	[tilespmem:$0xA410] =	vst v63  }
0xc2: {  	s29 =	sadd.s32 $0x460, s15;
	s30 =	rddreg [dreg:$0x10]  }
0xc3: {  	[tilespmem:s30], [sflag:$0x1] =	stream.indirect.gather [hbm4b:s1+s8], $0x10, s29, s8, $0xb8;
	[tilespmem:$0xA410] =	vst v63  }
0xc4: {  	s28 =	rddreg [dreg:$0x11];
	s31 =	sadd.s32 $0x4B0, s15  }
0xc5: {  	[tilespmem:s28], [sflag:$0x1] =	stream.indirect.gather [hbm4b:s1+s8], $0x10, s31, s8, $0xb8;
	[tilespmem:$0xA410] =	vst v63  }
0xc6: {  	s23 =	sadd.s32 $0x500, s15;
	s24 =	rddreg [dreg:$0x12]  }
0xc7: {  	[tilespmem:s24], [sflag:$0x1] =	stream.indirect.gather [hbm4b:s1+s8], $0x10, s23, s8, $0xb8;
	[tilespmem:$0xA410] =	vst v63  }
0xc8: {  	s25 =	sadd.s32 $0x550, s15;
	s26 =	rddreg [dreg:$0x13]  }
0xc9: {  	[tilespmem:s26], [sflag:$0x1] =	stream.indirect.gather [hbm4b:s1+s8], $0x10, s25, s8, $0xb8;
	[tilespmem:$0xA410] =	vst v63  }
0xca: {  	s29 =	rddreg [dreg:$0x14];
	s28 =	sadd.s32 $0x5A0, s15  }
0xcb: {  	[tilespmem:s29], [sflag:$0x1] =	stream.indirect.gather [hbm4b:s1+s8], $0x10, s28, s8, $0xb8;
	[tilespmem:$0xA410] =	vst v63  }
0xcc: {  	s22 =	rddreg [dreg:$0x15];
	s30 =	sadd.s32 $0x5F0, s15  }
0xcd: {  	[tilespmem:s22], [sflag:$0x1] =	stream.indirect.gather [hbm4b:s1+s8], $0x10, s30, s8, $0xb8;
	[tilespmem:$0xA410] =	vst v63  }
0xce: {  	s21 =	sadd.s32 $0x640, s15;
	s31 =	rddreg [dreg:$0x16]  }
0xcf: {  	[tilespmem:s31], [sflag:$0x1] =	stream.indirect.gather [hbm4b:s1+s8], $0x10, s21, s8, $0xb8;
	[tilespmem:$0xA410] =	vst v63  }
0xd0: {  	s23 =	rddreg [dreg:$0x17];
	s24 =	sadd.s32 $0x690, s15  }
0xd1: {  	[tilespmem:s23], [sflag:$0x1] =	stream.indirect.gather [hbm4b:s1+s8], $0x10, s24, s8, $0xb8;
	[tilespmem:$0xA410] =	vst v63  }
0xd2: {  	s25 =	rddreg [dreg:$0x18];
	s26 =	sadd.s32 $0x6E0, s15  }
0xd3: {  	[tilespmem:s25], [sflag:$0x1] =	stream.indirect.gather [hbm4b:s1+s8], $0x10, s26, s8, $0xb8;
	[tilespmem:$0xA410] =	vst v63  }
0xd4: {  	s28 =	rddreg [dreg:$0x19];
	s29 =	sadd.s32 $0x730, s15  }
0xd5: {  	[tilespmem:s28], [sflag:$0x1] =	stream.indirect.gather [hbm4b:s1+s8], $0x10, s29, s8, $0xb8;
	[tilespmem:$0xA410] =	vst v63  }
0xd6: {  	s30 =	rddreg [dreg:$0x1a];
	s31 =	sadd.s32 $0x780, s15  }
0xd7: {  	[tilespmem:s30], [sflag:$0x1] =	stream.indirect.gather [hbm4b:s1+s8], $0x10, s31, s8, $0xb8;
	[tilespmem:$0xA410] =	vst v63  }
0xd8: {  	_ =	swait.ge [sflag:s10], $0x500  }
0xd9: {  	[sflag:s10] =	ssyncset.done $0x0  }
0xda: {  	[sflag:s10] =	ssyncadd.s32 $0xFFFFFB00  }
0xdb: {  	_ =	swait.ge [sflag:s10], $0x500  }
0xdc: {  	[sflag:s10] =	ssyncset.done $0x0  }
0xdd: {  	[sflag:s10] =	ssyncadd.s32 $0xFFFFFB00  }
0xde: {  	_ =	swait.ge [sflag:s10], $0x500  }
0xdf: {  	[sflag:s10] =	ssyncset.done $0x0  }
0xe0: {  	[sflag:s10] =	ssyncadd.s32 $0xFFFFFB00  }
0xe1: {  	_ =	swait.ge [sflag:s10], $0x500  }
0xe2: {  	[sflag:s10] =	ssyncset.done $0x0  }
0xe3: {  	[sflag:s10] =	ssyncadd.s32 $0xFFFFFB00  }
0xe4: {  	_ =	swait.ge [sflag:s10], $0x500  }
0xe5: {  	[sflag:s10] =	ssyncset.done $0x0  }
0xe6: {  	[sflag:s10] =	ssyncadd.s32 $0xFFFFFB00  }
0xe7: {  	_ =	swait.ge [sflag:s10], $0x500  }
0xe8: {  	[sflag:s10] =	ssyncset.done $0x0  }
0xe9: {  	[sflag:s10] =	ssyncadd.s32 $0xFFFFFB00  }
0xea: {  	_ =	swait.ge [sflag:s10], $0x500  }
0xeb: {  	[sflag:s10] =	ssyncset.done $0x0  }
0xec: {  	[sflag:s10] =	ssyncadd.s32 $0xFFFFFB00  }
0xed: {  	_ =	swait.ge [sflag:s10], $0x500  }
0xee: {  	[sflag:s10] =	ssyncset.done $0x0  }
0xef: {  	[sflag:s10] =	ssyncadd.s32 $0xFFFFFB00  }
0xf0: {  	_ =	swait.ge [sflag:s10], $0x500  }
0xf1: {  	[sflag:s10] =	ssyncset.done $0x0  }
0xf2: {  	[sflag:s10] =	ssyncadd.s32 $0xFFFFFB00  }
0xf3: {  	_ =	swait.ge [sflag:s10], $0x500  }
0xf4: {  	[sflag:s10] =	ssyncset.done $0x0  }
0xf5: {  	[sflag:s10] =	ssyncadd.s32 $0xFFFFFB00  }
0xf6: {  	_ =	swait.ge [sflag:s10], $0x500  }
0xf7: {  	[sflag:s10] =	ssyncset.done $0x0  }
0xf8: {  	[sflag:s10] =	ssyncadd.s32 $0xFFFFFB00  }
0xf9: {  	_ =	swait.ge [sflag:s10], $0x500  }
0xfa: {  	[sflag:s10] =	ssyncset.done $0x0  }
0xfb: {  	[sflag:s10] =	ssyncadd.s32 $0xFFFFFB00  }
0xfc: {  	_ =	swait.ge [sflag:s10], $0x500  }
0xfd: {  	[sflag:s10] =	ssyncset.done $0x0  }
0xfe: {  	[sflag:s10] =	ssyncadd.s32 $0xFFFFFB00  }
0xff: {  	_ =	swait.ge [sflag:s10], $0x500  }
0x100: {  	[sflag:s10] =	ssyncset.done $0x0  }
0x101: {  	[sflag:s10] =	ssyncadd.s32 $0xFFFFFB00  }
0x102: {  	_ =	swait.ge [sflag:s10], $0x500  }
0x103: {  	[sflag:s10] =	ssyncset.done $0x0  }
0x104: {  	[sflag:s10] =	ssyncadd.s32 $0xFFFFFB00  }
0x105: {  	_ =	swait.ge [sflag:s10], $0x500  }
0x106: {  	[sflag:s10] =	ssyncset.done $0x0  }
0x107: {  	[sflag:s10] =	ssyncadd.s32 $0xFFFFFB00  }
0x108: {  	_ =	swait.ge [sflag:s10], $0x500  }
0x109: {  	[sflag:s10] =	ssyncset.done $0x0  }
0x10a: {  	[sflag:s10] =	ssyncadd.s32 $0xFFFFFB00  }
0x10b: {  	_ =	swait.ge [sflag:s10], $0x500  }
0x10c: {  	[sflag:s10] =	ssyncset.done $0x0  }
0x10d: {  	[sflag:s10] =	ssyncadd.s32 $0xFFFFFB00  }
0x10e: {  	_ =	swait.ge [sflag:s10], $0x500  }
0x10f: {  	[sflag:s10] =	ssyncset.done $0x0  }
0x110: {  	[sflag:s10] =	ssyncadd.s32 $0xFFFFFB00  }
0x111: {  	_ =	swait.ge [sflag:s10], $0x500  }
0x112: {  	[sflag:s10] =	ssyncset.done $0x0  }
0x113: {  	[sflag:s10] =	ssyncadd.s32 $0xFFFFFB00  }
0x114: {  	_ =	swait.ge [sflag:s10], $0x500  }
0x115: {  	[sflag:s10] =	ssyncset.done $0x0  }
0x116: {  	[sflag:s10] =	ssyncadd.s32 $0xFFFFFB00  }
0x117: {  	_ =	swait.ge [sflag:s10], $0x500  }
0x118: {  	[sflag:s10] =	ssyncset.done $0x0  }
0x119: {  	[sflag:s10] =	ssyncadd.s32 $0xFFFFFB00  }
0x11a: {  	_ =	swait.ge [sflag:s10], $0x500  }
0x11b: {  	[sflag:s10] =	ssyncset.done $0x0  }
0x11c: {  	[sflag:s10] =	ssyncadd.s32 $0xFFFFFB00  }
0x11d: {  	_ =	swait.ge [sflag:s10], $0x500  }
0x11e: {  	[sflag:s10] =	ssyncset.done $0x0  }
0x11f: {  	p0 =	sne.s32 s18, $0x7D00;
	[sflag:s10] =	ssyncadd.s32 $0xFFFFFB00  }
.Ltmp0:
0x120: {  	s16 =	smov.u32 s18;
	_ =	swait.ge [sflag:s10], $0x500;
	(pc) =	sbr.rel @p0 .LBB2_2-.Ltmp0, $4  }
0x121: {  	s16 =	sadd.s32 $0x1F40, s18;
	[sflag:s10] =	ssyncset.done $0x0  }
0x122: {  	s17 =	sshra.s32 s18, $0x2;
	s18 =	smov.u32 s16;
	[sflag:s10] =	ssyncadd.s32 $0xFFFFFB00  }
0x123: {  	[hbm4b:s14+s11] =	stream.strided.scatter [tilespmem:s9], [sflag:$0x2], $0x7D00, s12, s11, $0x38;
	[tilespmem:$0xA410] =	vst v63  }
0x124: {  	s15 =	smov.u32 s17;
	s14 =	sadd.s32 $0x7D00, s14;
	_ =	swait.ge [sflag:s7], $0x7D00  }
0x125: {  	[sflag:s7] =	ssyncset.done $0x0  }
0x126: {  	[sflag:s7] =	ssyncadd.s32 $0xFFFF8300  }
0x127: {  	[tilespmem:s9], [sflag:$0x1] =	stream.indirect.gather [hbm4b:s1+s8], $0x10, s15, s8, $0xb8;
	[tilespmem:$0xA410] =	vst v63  }
0x128: {  	s16 =	rddreg [dreg:$0x3];
	s17 =	sadd.s32 $0x50, s15  }
0x129: {  	[tilespmem:s16], [sflag:$0x1] =	stream.indirect.gather [hbm4b:s1+s8], $0x10, s17, s8, $0xb8;
	[tilespmem:$0xA410] =	vst v63  }
0x12a: {  	s18 =	rddreg [dreg:$0x4];
	s24 =	sadd.s32 $0xA0, s15  }
0x12b: {  	[tilespmem:s18], [sflag:$0x1] =	stream.indirect.gather [hbm4b:s1+s8], $0x10, s24, s8, $0xb8;
	[tilespmem:$0xA410] =	vst v63  }
0x12c: {  	s23 =	rddreg [dreg:$0x5];
	s25 =	sadd.s32 $0xF0, s15  }
0x12d: {  	[tilespmem:s23], [sflag:$0x1] =	stream.indirect.gather [hbm4b:s1+s8], $0x10, s25, s8, $0xb8;
	[tilespmem:$0xA410] =	vst v63  }
0x12e: {  	s26 =	rddreg [dreg:$0x6];
	s29 =	sadd.s32 $0x140, s15  }
0x12f: {  	[tilespmem:s26], [sflag:$0x1] =	stream.indirect.gather [hbm4b:s1+s8], $0x10, s29, s8, $0xb8;
	[tilespmem:$0xA410] =	vst v63  }
0x130: {  	s28 =	rddreg [dreg:$0x7];
	s30 =	sadd.s32 $0x190, s15  }
0x131: {  	[tilespmem:s28], [sflag:$0x1] =	stream.indirect.gather [hbm4b:s1+s8], $0x10, s30, s8, $0xb8;
	[tilespmem:$0xA410] =	vst v63  }
0x132: {  	s31 =	rddreg [dreg:$0x8];
	s19 =	sadd.s32 $0x1E0, s15  }
0x133: {  	[tilespmem:s31], [sflag:$0x1] =	stream.indirect.gather [hbm4b:s1+s8], $0x10, s19, s8, $0xb8;
	[tilespmem:$0xA410] =	vst v63  }
0x134: {  	s20 =	rddreg [dreg:$0x9];
	s21 =	sadd.s32 $0x230, s15  }
0x135: {  	[tilespmem:s20], [sflag:$0x1] =	stream.indirect.gather [hbm4b:s1+s8], $0x10, s21, s8, $0xb8;
	[tilespmem:$0xA410] =	vst v63  }
0x136: {  	s22 =	rddreg [dreg:$0xa];
	s23 =	sadd.s32 $0x280, s15  }
0x137: {  	[tilespmem:s22], [sflag:$0x1] =	stream.indirect.gather [hbm4b:s1+s8], $0x10, s23, s8, $0xb8;
	[tilespmem:$0xA410] =	vst v63  }
0x138: {  	s24 =	rddreg [dreg:$0xb];
	s26 =	sadd.s32 $0x2D0, s15  }
0x139: {  	[tilespmem:s24], [sflag:$0x1] =	stream.indirect.gather [hbm4b:s1+s8], $0x10, s26, s8, $0xb8;
	[tilespmem:$0xA410] =	vst v63  }
0x13a: {  	s25 =	rddreg [dreg:$0xc];
	s28 =	sadd.s32 $0x320, s15  }
0x13b: {  	[tilespmem:s25], [sflag:$0x1] =	stream.indirect.gather [hbm4b:s1+s8], $0x10, s28, s8, $0xb8;
	[tilespmem:$0xA410] =	vst v63  }
0x13c: {  	s29 =	rddreg [dreg:$0xd];
	s31 =	sadd.s32 $0x370, s15  }
0x13d: {  	[tilespmem:s29], [sflag:$0x1] =	stream.indirect.gather [hbm4b:s1+s8], $0x10, s31, s8, $0xb8;
	[tilespmem:$0xA410] =	vst v63  }
0x13e: {  	s18 =	sadd.s32 $0x3C0, s15;
	s30 =	rddreg [dreg:$0xe]  }
0x13f: {  	[tilespmem:s30], [sflag:$0x1] =	stream.indirect.gather [hbm4b:s1+s8], $0x10, s18, s8, $0xb8;
	[tilespmem:$0xA410] =	vst v63  }
0x140: {  	s19 =	rddreg [dreg:$0xf];
	s20 =	sadd.s32 $0x410, s15  }
0x141: {  	[tilespmem:s19], [sflag:$0x1] =	stream.indirect.gather [hbm4b:s1+s8], $0x10, s20, s8, $0xb8;
	[tilespmem:$0xA410] =	vst v63  }
0x142: {  	s21 =	rddreg [dreg:$0x10];
	s23 =	sadd.s32 $0x460, s15  }
0x143: {  	[tilespmem:s21], [sflag:$0x1] =	stream.indirect.gather [hbm4b:s1+s8], $0x10, s23, s8, $0xb8;
	[tilespmem:$0xA410] =	vst v63  }
0x144: {  	s22 =	rddreg [dreg:$0x11];
	s24 =	sadd.s32 $0x4B0, s15  }
0x145: {  	[tilespmem:s22], [sflag:$0x1] =	stream.indirect.gather [hbm4b:s1+s8], $0x10, s24, s8, $0xb8;
	[tilespmem:$0xA410] =	vst v63  }
0x146: {  	s26 =	sadd.s32 $0x500, s15;
	s25 =	rddreg [dreg:$0x12]  }
0x147: {  	[tilespmem:s25], [sflag:$0x1] =	stream.indirect.gather [hbm4b:s1+s8], $0x10, s26, s8, $0xb8;
	[tilespmem:$0xA410] =	vst v63  }
0x148: {  	s28 =	rddreg [dreg:$0x13];
	s29 =	sadd.s32 $0x550, s15  }
0x149: {  	[tilespmem:s28], [sflag:$0x1] =	stream.indirect.gather [hbm4b:s1+s8], $0x10, s29, s8, $0xb8;
	[tilespmem:$0xA410] =	vst v63  }
0x14a: {  	s30 =	rddreg [dreg:$0x14];
	s19 =	sadd.s32 $0x5A0, s15  }
0x14b: {  	[tilespmem:s30], [sflag:$0x1] =	stream.indirect.gather [hbm4b:s1+s8], $0x10, s19, s8, $0xb8;
	[tilespmem:$0xA410] =	vst v63  }
0x14c: {  	s31 =	rddreg [dreg:$0x15];
	s20 =	sadd.s32 $0x5F0, s15  }
0x14d: {  	[tilespmem:s31], [sflag:$0x1] =	stream.indirect.gather [hbm4b:s1+s8], $0x10, s20, s8, $0xb8;
	[tilespmem:$0xA410] =	vst v63  }
0x14e: {  	s21 =	rddreg [dreg:$0x16];
	s22 =	sadd.s32 $0x640, s15  }
0x14f: {  	[tilespmem:s21], [sflag:$0x1] =	stream.indirect.gather [hbm4b:s1+s8], $0x10, s22, s8, $0xb8;
	[tilespmem:$0xA410] =	vst v63  }
0x150: {  	s23 =	rddreg [dreg:$0x17];
	s24 =	sadd.s32 $0x690, s15  }
0x151: {  	[tilespmem:s23], [sflag:$0x1] =	stream.indirect.gather [hbm4b:s1+s8], $0x10, s24, s8, $0xb8;
	[tilespmem:$0xA410] =	vst v63  }
0x152: {  	s25 =	rddreg [dreg:$0x18];
	s26 =	sadd.s32 $0x6E0, s15  }
0x153: {  	[tilespmem:s25], [sflag:$0x1] =	stream.indirect.gather [hbm4b:s1+s8], $0x10, s26, s8, $0xb8;
	[tilespmem:$0xA410] =	vst v63  }
0x154: {  	s28 =	rddreg [dreg:$0x19];
	s29 =	sadd.s32 $0x730, s15  }
0x155: {  	[tilespmem:s28], [sflag:$0x1] =	stream.indirect.gather [hbm4b:s1+s8], $0x10, s29, s8, $0xb8;
	[tilespmem:$0xA410] =	vst v63  }
0x156: {  	s30 =	rddreg [dreg:$0x1a];
	s31 =	sadd.s32 $0x780, s15  }
0x157: {  	[tilespmem:s30], [sflag:$0x1] =	stream.indirect.gather [hbm4b:s1+s8], $0x10, s31, s8, $0xb8;
	[tilespmem:$0xA410] =	vst v63  }
0x158: {  	_ =	swait.ge [sflag:s10], $0x500  }
0x159: {  	[sflag:s10] =	ssyncset.done $0x0  }
0x15a: {  	[sflag:s10] =	ssyncadd.s32 $0xFFFFFB00  }
0x15b: {  	_ =	swait.ge [sflag:s10], $0x500  }
0x15c: {  	[sflag:s10] =	ssyncset.done $0x0  }
0x15d: {  	[sflag:s10] =	ssyncadd.s32 $0xFFFFFB00  }
0x15e: {  	_ =	swait.ge [sflag:s10], $0x500  }
0x15f: {  	[sflag:s10] =	ssyncset.done $0x0  }
0x160: {  	[sflag:s10] =	ssyncadd.s32 $0xFFFFFB00  }
0x161: {  	_ =	swait.ge [sflag:s10], $0x500  }
0x162: {  	[sflag:s10] =	ssyncset.done $0x0  }
0x163: {  	[sflag:s10] =	ssyncadd.s32 $0xFFFFFB00  }
0x164: {  	_ =	swait.ge [sflag:s10], $0x500  }
0x165: {  	[sflag:s10] =	ssyncset.done $0x0  }
0x166: {  	[sflag:s10] =	ssyncadd.s32 $0xFFFFFB00  }
0x167: {  	_ =	swait.ge [sflag:s10], $0x500  }
0x168: {  	[sflag:s10] =	ssyncset.done $0x0  }
0x169: {  	[sflag:s10] =	ssyncadd.s32 $0xFFFFFB00  }
0x16a: {  	_ =	swait.ge [sflag:s10], $0x500  }
0x16b: {  	[sflag:s10] =	ssyncset.done $0x0  }
0x16c: {  	[sflag:s10] =	ssyncadd.s32 $0xFFFFFB00  }
0x16d: {  	_ =	swait.ge [sflag:s10], $0x500  }
0x16e: {  	[sflag:s10] =	ssyncset.done $0x0  }
0x16f: {  	[sflag:s10] =	ssyncadd.s32 $0xFFFFFB00  }
0x170: {  	_ =	swait.ge [sflag:s10], $0x500  }
0x171: {  	[sflag:s10] =	ssyncset.done $0x0  }
0x172: {  	[sflag:s10] =	ssyncadd.s32 $0xFFFFFB00  }
0x173: {  	_ =	swait.ge [sflag:s10], $0x500  }
0x174: {  	[sflag:s10] =	ssyncset.done $0x0  }
0x175: {  	[sflag:s10] =	ssyncadd.s32 $0xFFFFFB00  }
0x176: {  	_ =	swait.ge [sflag:s10], $0x500  }
0x177: {  	[sflag:s10] =	ssyncset.done $0x0  }
0x178: {  	[sflag:s10] =	ssyncadd.s32 $0xFFFFFB00  }
0x179: {  	_ =	swait.ge [sflag:s10], $0x500  }
0x17a: {  	[sflag:s10] =	ssyncset.done $0x0  }
0x17b: {  	[sflag:s10] =	ssyncadd.s32 $0xFFFFFB00  }
0x17c: {  	_ =	swait.ge [sflag:s10], $0x500  }
0x17d: {  	[sflag:s10] =	ssyncset.done $0x0  }
0x17e: {  	[sflag:s10] =	ssyncadd.s32 $0xFFFFFB00  }
0x17f: {  	_ =	swait.ge [sflag:s10], $0x500  }
0x180: {  	[sflag:s10] =	ssyncset.done $0x0  }
0x181: {  	[sflag:s10] =	ssyncadd.s32 $0xFFFFFB00  }
0x182: {  	_ =	swait.ge [sflag:s10], $0x500  }
0x183: {  	[sflag:s10] =	ssyncset.done $0x0  }
0x184: {  	[sflag:s10] =	ssyncadd.s32 $0xFFFFFB00  }
0x185: {  	_ =	swait.ge [sflag:s10], $0x500  }
0x186: {  	[sflag:s10] =	ssyncset.done $0x0  }
0x187: {  	[sflag:s10] =	ssyncadd.s32 $0xFFFFFB00  }
0x188: {  	_ =	swait.ge [sflag:s10], $0x500  }
0x189: {  	[sflag:s10] =	ssyncset.done $0x0  }
0x18a: {  	[sflag:s10] =	ssyncadd.s32 $0xFFFFFB00  }
0x18b: {  	_ =	swait.ge [sflag:s10], $0x500  }
0x18c: {  	[sflag:s10] =	ssyncset.done $0x0  }
0x18d: {  	[sflag:s10] =	ssyncadd.s32 $0xFFFFFB00  }
0x18e: {  	_ =	swait.ge [sflag:s10], $0x500  }
0x18f: {  	[sflag:s10] =	ssyncset.done $0x0  }
0x190: {  	[sflag:s10] =	ssyncadd.s32 $0xFFFFFB00  }
0x191: {  	_ =	swait.ge [sflag:s10], $0x500  }
0x192: {  	[sflag:s10] =	ssyncset.done $0x0  }
0x193: {  	[sflag:s10] =	ssyncadd.s32 $0xFFFFFB00  }
0x194: {  	_ =	swait.ge [sflag:s10], $0x500  }
0x195: {  	[sflag:s10] =	ssyncset.done $0x0  }
0x196: {  	[sflag:s10] =	ssyncadd.s32 $0xFFFFFB00  }
0x197: {  	_ =	swait.ge [sflag:s10], $0x500  }
0x198: {  	[sflag:s10] =	ssyncset.done $0x0  }
0x199: {  	[sflag:s10] =	ssyncadd.s32 $0xFFFFFB00  }
0x19a: {  	_ =	swait.ge [sflag:s10], $0x500  }
0x19b: {  	[sflag:s10] =	ssyncset.done $0x0  }
0x19c: {  	[sflag:s10] =	ssyncadd.s32 $0xFFFFFB00  }
0x19d: {  	_ =	swait.ge [sflag:s10], $0x500  }
0x19e: {  	[sflag:s10] =	ssyncset.done $0x0  }
0x19f: {  	[sflag:s10] =	ssyncadd.s32 $0xFFFFFB00  }
0x1a0: {  	s13 =	sadd.s32 $0x1, s13;
	_ =	swait.ge [sflag:s10], $0x500  }
0x1a1: {  	p0 =	sne.s32 s13, s5;
	[sflag:s10] =	ssyncset.done $0x0  }
.Ltmp1:
0x1a2: {  	[sflag:s10] =	ssyncadd.s32 $0xFFFFFB00;
	(pc) =	sbr.rel @p0 .LBB2_1-.Ltmp1, $4  }
0x1a3: {  	[hbm4b:s14+s11] =	stream.strided.scatter [tilespmem:s9], [sflag:$0x2], $0x7D00, s12, s11, $0x38;
	[tilespmem:$0xA410] =	vst v63  }
0x1a4: {  	_ =	swait.ge [sflag:s7], $0x7D00  }
0x1a5: {  	[sflag:s7] =	ssyncset.done $0x0  }
0x1a6: {  	[sflag:s7] =	ssyncadd.s32 $0xFFFF8300  }
0x1a7: {  	_ =	sfence.sel $0x180000  }
0x1a8: {  	[bflag:$0x0] =	sbarrier.arrive $0xFFFF  }
0x1a9: {  	p0 =	sne.s32 s3, $0x0;
	_ =	strace $0x9000004D  }
0x1aa: {  	s0 =	sadd.s32 @!p0 $0x100000, s0;
	[bflag:$0x2] =	sbarrier.arrive $0xFFFF  }
0x1ab: {  	[sflag:s0] =	ssyncadd.tile.s32 @!p0 $0x1;
	_ =	shalt  }
.Lfunc_end2:
_tile_overlayer_lowered:
.L_overlay_start_2:
0x1ac: {  	(tag) =	ssettag $0x2  }
0x1ad: {  	s0 =	rddreg [dreg:$0x0];
	s2 =	stileid.u32  }
0x1ae: {  	s1 =	rddreg [dreg:$0x1];
	p0 =	sne.s32 s2, $0x0  }
0x1af: {  	s3 =	rddreg [dreg:$0x2];
	[bflag:$0x3] =	sbarrier.arrive $0xFFFF;
	s2 =	simm.s32 @!p0 $0x1C02  }
0x1b0: {  	[timem:s3], [sflag:s2] =	dma.local @!p0 [hbm:s0], s1  }
0x1b1: {  	s0 =	simm.s32 @!p0 $0x2  }
0x1b2: {  	_ =	swait.ge @!p0 [sflag:s0], s1  }
0x1b3: {  	s1 =	ssub.s32 @!p0 $0x0, s1;
	[sflag:s0] =	ssyncset.done @!p0 $0x0  }
0x1b4: {  	[sflag:s0] =	ssyncadd.s32 @!p0 s1  }
0x1b5: {  	[bflag:$0x3] =	sbarrier.arrive $0xFFFF  }
0x1b6: {  	_ =	shalt  }

// kernel: kernel.19.cloned.1.call-start
scs
__scs_entry_jumppad:
0x0: {  	(pc) =	sbr.rel $0x88, $3  }
0x1: {  	(tag) =	ssettag $0x0;
	lr =	simm.s32 $0x1  }
0x2: {  	[smem:$0x3F92] =	sst lr;
	_ =	strace $0xD0000000  }
0x3: {  	_ = 	snop  }
0x4: {  	_ = 	snop  }
0x5: {  	_ = 	snop  }
0x6: {  	_ = 	snop  }
0x7: {  	_ = 	snop  }
__scs_overlays_trampoline_lowered:
0x8: {  	[smem:$0x3FA1] =	sst s0  }
0x9: {  	[smem:$0x3FA2] =	sst s1  }
0xa: {  	[smem:$0x3FA3] =	sst s2  }
0xb: {  	[smem:$0x3FA4] =	sst s3  }
0xc: {  	[smem:$0x3FA5] =	sst s4  }
0xd: {  	[smem:$0x3FA6] =	sst s5  }
0xe: {  	[smem:$0x3FA7] =	sst s6  }
0xf: {  	[smem:$0x3FA8] =	sst s7  }
0x10: {  	[smem:$0x3FA9] =	sst s8  }
0x11: {  	[smem:$0x3FAA] =	sst s9;
	s0 =	simm.s32 @!p0 $0x0  }
0x12: {  	s1 =	sld [smem:$0x3F90];
	s0 =	simm.s32 @p0 $0x1  }
0x13: {  	[smem:$0x3FAB] =	sst s0;
	s0 =	simm.s32 @!p1 $0x0  }
0x14: {  	s2 =	sld [smem:$0x3F8F];
	s0 =	simm.s32 @p1 $0x1  }
0x15: {  	[smem:$0x3FAC] =	sst s0;
	s0 =	simm.s32 @!p2 $0x0  }
0x16: {  	s3 =	sld [smem:$0x3FDB];
	s0 =	simm.s32 @p2 $0x1  }
0x17: {  	s4 =	simm.s32 $0x1BF5;
	[smem:$0x3FAE] =	sst s0  }
0x18: {  	s0 =	sld [smem:$0x3F91];
	_ =	swait.ge [sflag:s4], $0x0  }
0x19: {  	s7 =	sld [smem:$0x3F92]  }
0x1a: {  	s8 =	sadd.s32 $0xFFFFE003, lr  }
0x1b: {  	s9 =	sadd.s32 $0xFFFFFEF7, lr;
	s5 =	simm.s32 $0xFFFFFFFF;
	p2 =	slt.u32 s8, $0xFFFFF086  }
0x1c: {  	p1 =	slt.u32 s9, $0xF7A;
	s5 =	simm.s32 @!p2 $0x0  }
0x1d: {  	s5 =	simm.s32 @p1 $0x1;
	p0 =	seq.s32 s7, s2  }
0x1e: {  	s7 =	smul.u32 @!p0 $0xF7A, s2;
	p2 =	seq.s32 @!p0 s5, $0x0  }
0x1f: {  	s9 =	smul.u32 $0xF7A, s1;
	s8 =	simm.s32 @!p0 $0x1BF5;
	p2 =	por !p2, p0  }
0x20: {  	[sflag:s8] =	ssyncset.s32 @!p0 $0xFFFFF086;
	s6 =	sadd.s32 @!p0 s3, s7;
	s7 =	simm.s32 @!p0 $0x108  }
0x21: {  	s3 =	sadd.s32 s3, s9;
	s6 =	sadd.s32 @!p0 $0x88, s6;
	s7 =	simm.s32 @p2 $0x1082  }
0x22: {  	[simem:s7], [sflag:s8] =	dma.local @!p0 [hbm:s6], $0xF7A  }
0x23: {  	s9 =	sor.u32 $0xD0000000, s2;
	s6 =	simm.s32 $0x108;
	_ =	swait.ge @!p0 [sflag:s8], $0x0  }
0x24: {  	s3 =	sadd.s32 $0x88, s3;
	s6 =	simm.s32 @!p1 $0x1082;
	[sflag:s4] =	ssyncset.s32 $0xFFFFF086  }
0x25: {  	[simem:s6], [sflag:s4] =	dma.local [hbm:s3], $0xF7A  }
0x26: {  	[smem:$0x3F92] =	sst s1;
	(tag) =	ssettag s2;
	_ =	strace s9  }
0x27: {  	s1 =	sld [smem:$0x3FA2]  }
0x28: {  	s2 =	sld [smem:$0x3FA3]  }
0x29: {  	s4 =	sld [smem:$0x3FA5]  }
0x2a: {  	p0 =	seq.s32 s5, $0x0;
	s5 =	sld [smem:$0x3FA6]  }
0x2b: {  	s6 =	sld [smem:$0x3FA7]  }
0x2c: {  	s7 =	sld [smem:$0x3FA8]  }
0x2d: {  	s3 =	simm.s32 $0x108;
	s8 =	sld [smem:$0x3FA9]  }
0x2e: {  	s3 =	simm.s32 @!p0 $0x1082;
	s9 =	sld [smem:$0x3FAA]  }
0x2f: {  	lr =	sadd.s32 s0, s3;
	s0 =	sld [smem:$0x3FA1]  }
0x30: {  	s3 =	sld [smem:$0x3FA4]  }
0x31: {  	[smem:$0x3FAD] =	sst s10  }
0x32: {  	s10 =	sld [smem:$0x3FAB];
	_ =	sdelay $0x3  }
0x33: {  	p0 =	seq.s32 s10, $0x1;
	s10 =	sld [smem:$0x3FAD];
	_ =	sdelay $0x3  }
0x34: {  	[smem:$0x3FAD] =	sst s10  }
0x35: {  	s10 =	sld [smem:$0x3FAC];
	_ =	sdelay $0x3  }
0x36: {  	p1 =	seq.s32 s10, $0x1;
	s10 =	sld [smem:$0x3FAD];
	_ =	sdelay $0x3  }
0x37: {  	[smem:$0x3FAD] =	sst s10  }
0x38: {  	s10 =	sld [smem:$0x3FAE]  }
0x39: {  	_ = 	snop;
	(pc) =	sbr.ind lr, $3  }
0x3a: {  	_ = 	snop  }
0x3b: {  	_ = 	snop  }
0x3c: {  	p2 =	seq.s32 s10, $0x1;
	s10 =	sld [smem:$0x3FAD]  }
0x3d: {  	_ =	shalt  }
0x3e: {  	_ =	shalt  }
0x3f: {  	_ =	shalt  }
0x40: {  	_ =	shalt  }
0x41: {  	_ =	shalt  }
0x42: {  	_ =	shalt  }
0x43: {  	_ =	shalt  }
0x44: {  	_ =	shalt  }
0x45: {  	_ =	shalt  }
0x46: {  	_ =	shalt  }
0x47: {  	_ =	shalt  }
0x48: {  	_ =	shalt  }
0x49: {  	_ =	shalt  }
0x4a: {  	_ =	shalt  }
0x4b: {  	_ =	shalt  }
0x4c: {  	_ =	shalt  }
0x4d: {  	_ =	shalt  }
0x4e: {  	_ =	shalt  }
0x4f: {  	_ =	shalt  }
0x50: {  	_ =	shalt  }
0x51: {  	_ =	shalt  }
0x52: {  	_ =	shalt  }
0x53: {  	_ =	shalt  }
0x54: {  	_ =	shalt  }
0x55: {  	_ =	shalt  }
0x56: {  	_ =	shalt  }
0x57: {  	_ =	shalt  }
0x58: {  	_ =	shalt  }
0x59: {  	_ =	shalt  }
0x5a: {  	_ =	shalt  }
0x5b: {  	_ =	shalt  }
0x5c: {  	_ =	shalt  }
0x5d: {  	_ =	shalt  }
0x5e: {  	_ =	shalt  }
0x5f: {  	_ =	shalt  }
0x60: {  	_ =	shalt  }
0x61: {  	_ =	shalt  }
0x62: {  	_ =	shalt  }
0x63: {  	_ =	shalt  }
0x64: {  	_ =	shalt  }
0x65: {  	_ =	shalt  }
0x66: {  	_ =	shalt  }
0x67: {  	_ =	shalt  }
0x68: {  	_ =	shalt  }
0x69: {  	_ =	shalt  }
0x6a: {  	_ =	shalt  }
0x6b: {  	_ =	shalt  }
0x6c: {  	_ =	shalt  }
0x6d: {  	_ =	shalt  }
0x6e: {  	_ =	shalt  }
0x6f: {  	_ =	shalt  }
0x70: {  	_ =	shalt  }
0x71: {  	_ =	shalt  }
0x72: {  	_ =	shalt  }
0x73: {  	_ =	shalt  }
0x74: {  	_ =	shalt  }
0x75: {  	_ =	shalt  }
0x76: {  	_ =	shalt  }
0x77: {  	_ =	shalt  }
0x78: {  	_ =	shalt  }
0x79: {  	_ =	shalt  }
0x7a: {  	_ =	shalt  }
0x7b: {  	_ =	shalt  }
0x7c: {  	_ =	shalt  }
0x7d: {  	_ =	shalt  }
0x7e: {  	_ =	shalt  }
0x7f: {  	_ =	shalt  }
0x80: {  	_ =	shalt  }
0x81: {  	_ =	shalt  }
0x82: {  	_ =	shalt  }
0x83: {  	_ =	shalt  }
0x84: {  	_ =	shalt  }
0x85: {  	_ =	shalt  }
0x86: {  	_ =	shalt  }
0x87: {  	_ =	shalt  }
.Lfunc_end0:
.L_simem_size_0:
called_computation.3_lowered:
.L_overlay_start_0:
0x88: {  	s2 =	sld [smem:$0x3FD9]  }
0x89: {  	s3 =	sld [smem:$0x3FFE];
	_ =	sdelay $0x1  }
0x8a: {  	s1 =	srdreg.scid  }
0x8b: {  	s0 =	sand.u32 $0x1, s1  }
0x8c: {  	s16 =	sshll.u32 s0, $0xA;
	s2 =	sadd.s32 s3, s2  }
0x8d: {  	s2 =	sadd.s32 s2, s16  }
0x8e: {  	[smem:$0x3FB9] =	sst s2  }
0x8f: {  	_ = 	snop  }
0x90: {  	(tm) =	ssettm $0x1  }
0x91: {  	s17 =	sld [smem:$0x3FFB];
	_ =	sdelay $0x3  }
0x92: {  	_ =	strace s17  }
0x93: {  	s2 =	sld [smem:$0x3FFC];
	_ =	sdelay $0x3  }
0x94: {  	_ =	strace s2  }
0x95: {  	s2 =	sld [smem:$0x3FFD];
	_ =	sdelay $0x3  }
0x96: {  	_ =	strace s2  }
0x97: {  	_ =	strace $0x8FFFFFFF  }
0x98: {  	s18 =	sld [smem:$0x3FDB];
	_ =	sdelay $0x1  }
0x99: {  	s19 =	simm.s32 $_scs_section_size  }
0x9a: {  	s4 =	simm.s32 $_size__tile_overlayer_lowered;
	s5 =	simm.s32 $_tile_overlayer_lowered  }
0x9b: {  	s22 =	simm.s32 $0x1BFF;
	s21 =	sshll.u32 s5, $0x1;
	s2 =	sadd.s32 s19, s18  }
0x9c: {  	s6 =	simm.s32 $0x0;
	s20 =	sshll.u32 s4, $0x1;
	s4 =	sadd.s32 s21, s2  }
0x9d: {  	[timem:s6], [sflag:s22] =	dma.local [hbm:s4], s20  }
0x9e: {  	_ =	swait.ge [sflag:s22], s20  }
0x9f: {  	s3 =	ssub.s32 $0x0, s20;
	[sflag:s22] =	ssyncset.done $0x0  }
0xa0: {  	[sflag:s22] =	ssyncadd.s32 s3;
	_ =	sdelay $0x1  }
0xa1: {  	s23 =	simm.s32 $0x1B8B  }
0xa2: {  	_ =	swait.ge [sflag:s23], $0x1  }
0xa3: {  	[sflag:s23] =	ssyncset.done $0x0  }
0xa4: {  	s25 =	simm.s32 $0x1B8E;
	s24 =	sld [smem:$0x3FFE];
	[sflag:s23] =	ssyncadd.s32 $0xFFFFFFFF  }
0xa5: {  	s26 =	simm.s32 $execute0_lowered;
	[smem:$0x3FD2] =	sst s25  }
0xa6: {  	s4 =	sshll.u32 s26, $0x1;
	_ =	strace $0x8000004F;
	[dreg:$0x1] =	wrdreg $0xFFFFFFFF  }
0xa7: {  	s28 =	simm.s32 $_size_execute0_lowered;
	s2 =	sadd.s32 s2, s4;
	[dreg:$0x0] =	wrdreg $0x0  }
0xa8: {  	s4 =	sshll.u32 s28, $0x1;
	[dreg:$0x2] =	wrdreg s2  }
0xa9: {  	[dreg:$0x3] =	wrdreg s4  }
0xaa: {  	[dreg:$0x4] =	wrdreg $0xC0  }
0xab: {  	_ =	task [dreg:s6], $0x5FFFF  }
0xac: {  	[dreg:$0x1] =	wrdreg $0xFFFFFFFF  }
0xad: {  	[dreg:$0x0] =	wrdreg $0x60  }
0xae: {  	[dreg:$0x2] =	wrdreg s24  }
0xaf: {  	[dreg:$0x3] =	wrdreg $0x0  }
0xb0: {  	[dreg:$0x4] =	wrdreg $0x9  }
0xb1: {  	_ =	task.clear_ibuf [dreg:s6], $0x5FFFF;
	_ =	strace $0x9000004F  }
0xb2: {  	s29 =	simm.s32 $0x9;
	_ =	strace $0x80000051  }
0xb3: {  	_ =	swait.ge [sflag:s29], $0x1  }
0xb4: {  	[sflag:s29] =	ssyncadd.s32 $0xFFFFFFFF  }
0xb5: {  	_ =	strace $0x90000051  }
0xb6: {  	_ =	sfence  }
0xb7: {  	s30 =	sld [smem:$0x0];
	_ =	sdelay $0x2  }
0xb8: {  	s31 =	sshll.u32 s1, $0xD;
	s1 =	sshrl.u32 s1, $0x2  }
0xb9: {  	s3 =	sand.u32 $0x4000, s31;
	s1 =	sadd.s32 s1, s30  }
0xba: {  	s0 =	sor.u32 s3, s0;
	s1 =	sshll.u32 s1, $0x11  }
0xbb: {  	s0 =	sor.u32 s1, s0  }
0xbc: {  	s0 =	sadd.s32 $0x8F2B, s0  }
0xbd: {  	[sflag:s0] =	ssyncadd.remote.s32 $0x1  }
0xbe: {  	_ =	sfence.sel $0xFFFF  }
0xbf: {  	[dreg:$0x0] =	wrdreg $0xFFFFFFFF;
	(pc) =	sbr.abs _section_cstart, $3  }
0xc0: {  	[dreg:$0x1] =	wrdreg $0xFFFFFFFF  }
0xc1: {  	_ =	task.clear_ibuf [dreg:s6], $0x2FFFF;
	_ =	strace $0x9FFFFFFF  }
0xc2: {  	(tm) =	ssettm $0x7FFFFFFF  }
0xc3: {  	_ =	shalt  }
tec
execute0_lowered:
.L_overlay_start_1:
0x0: {  	(tag) =	ssettag $0x1  }
0x1: {  	s5 =	rddreg [dreg:$0x0]  }
0x2: {  	s2 =	rddreg [dreg:$0x1]  }
0x3: {  	s0 =	rddreg [dreg:$0x2];
	s3 =	simm.s32 $0x0  }
0x4: {  	s8 =	simm.s32 $0x10;
	[smem:$0x7FF] =	sst s3  }
0x5: {  	s25 =	simm.s32 $0x80;
	_ =	strace $0x80000050;
	[dreg:$0x3] =	wrdreg s8  }
0x6: {  	s26 =	simm.s32 $0x5320;
	[dreg:$0x4] =	wrdreg s25  }
0x7: {  	s28 =	simm.s32 $0x5820;
	[dreg:$0x5] =	wrdreg s26  }
0x8: {  	s30 =	simm.s32 $0x5D20;
	[dreg:$0x6] =	wrdreg s28  }
0x9: {  	s11 =	simm.s32 $0x6220;
	[dreg:$0x7] =	wrdreg s30  }
0xa: {  	s12 =	simm.s32 $0x6C20;
	[dreg:$0x8] =	wrdreg s11  }
0xb: {  	s4 =	srdreg.scid;
	s13 =	simm.s32 $0x7120;
	[dreg:$0xa] =	wrdreg s12  }
0xc: {  	s1 =	stileid.u32;
	s14 =	simm.s32 $0x7620;
	[dreg:$0xb] =	wrdreg s13  }
0xd: {  	s15 =	simm.s32 $0x7B20;
	s17 =	simm.s32 $0x8020;
	[dreg:$0xc] =	wrdreg s14  }
0xe: {  	s19 =	simm.s32 $0x8520;
	s20 =	simm.s32 $0x8A20;
	[dreg:$0xd] =	wrdreg s15  }
0xf: {  	s22 =	simm.s32 $0x8F20;
	s23 =	simm.s32 $0x9420;
	[dreg:$0xe] =	wrdreg s17  }
0x10: {  	s6 =	sand.u32 $0x1, s4;
	s31 =	smul.u32 $0x4E2, s1;
	[dreg:$0xf] =	wrdreg s19  }
0x11: {  	s24 =	sshll.u32 s1, $0x1;
	s18 =	smul.u32 $0x9C40, s1;
	[dreg:$0x10] =	wrdreg s20  }
0x12: {  	s4 =	sor.u32 s6, s24;
	s10 =	smul.u32 $0x4E20, s6;
	[dreg:$0x11] =	wrdreg s22  }
0x13: {  	s11 =	simm.s32 $0x6720;
	s6 =	ssub.s32 $0x2, s6;
	[dreg:$0x12] =	wrdreg s23  }
0x14: {  	s24 =	simm.s32 $0x9920;
	s25 =	sand.u32 $0xE, s1;
	s26 =	simm.s32 $0x9E20  }
0x15: {  	s12 =	simm.s32 $0xA320;
	s28 =	simm.s32 $0xA820;
	[dreg:$0x9] =	wrdreg s11  }
0x16: {  	s30 =	simm.s32 $0xB220;
	s13 =	simm.s32 $0xBC20;
	[dreg:$0x13] =	wrdreg s24  }
0x17: {  	s15 =	simm.s32 $0xC120;
	s14 =	simm.s32 $0x50;
	[dreg:$0x14] =	wrdreg s26  }
0x18: {  	s17 =	simm.s32 $0x0;
	s7 =	sand.u32 $0x3, s4;
	[dreg:$0x15] =	wrdreg s12  }
0x19: {  	s4 =	smul.u32 $0x4E2, s4;
	s16 =	sshrl.u32 s6, $0x1;
	[dreg:$0x16] =	wrdreg s28  }
0x1a: {  	s21 =	sshrl.u32 s18, $0x2;
	[dreg:$0x18] =	wrdreg s30;
	s11 =	simm.s32 $0x2  }
0x1b: {  	s12 =	simm.s32 $0x2710;
	[dreg:$0x1a] =	wrdreg s13;
	s7 =	smul.u32 $0x27100, s7  }
0x1c: {  	s13 =	simm.s32 $0x4E20;
	[dreg:$0x1b] =	wrdreg s15;
	s15 =	simm.s32 $0xC620  }
0x1d: {  	s29 =	sadd.s32 s4, s5;
	s4 =	sadd.s32 $0x5BD800, s5;
	s9 =	sadd.s32 s7, s5  }
0x1e: {  	s7 =	sadd.s32 s31, s10;
	s10 =	ssub.s32 s6, s16;
	s6 =	sadd.s32 $0xE400, s29  }
0x1f: {  	s29 =	simm.s32 $0xAD20;
	s31 =	simm.s32 $0xB720;
	s16 =	simm.s32 $0x1  }
0x20: {  	s7 =	sadd.s32 s7, s5;
	s5 =	sadd.s32 s21, s2;
	s8 =	smax.u32 s10, $0x1  }
0x21: {  	s9 =	sadd.s32 s25, s9;
	[dreg:$0x17] =	wrdreg s29;
	s10 =	simm.s32 $0xCB20  }
0x22: {  	[dreg:$0x19] =	wrdreg s31;
	s7 =	sadd.s32 $0x4600, s7;
	s9 =	sadd.s32 $0x1A200, s9  }
.LBB2_1:
0x23: {  	[tilespmem:s10], [sflag:$0x2] =	stream.linear.gather [hbm4b:s4+s3], $0x2710, $0x38;
	[tilespmem:$0xF230] =	vst v63  }
0x24: {  	_ =	swait.ge [sflag:s11], $0x2710  }
0x25: {  	[sflag:s11] =	ssyncset.done $0x0  }
0x26: {  	[sflag:s11] =	ssyncadd.s32 $0xFFFFD8F0  }
0x27: {  	[spmem:s5] =	stream.linear.scatter [tilespmem:s10], [sflag:$0x2], $0x2710, $0x38;
	[tilespmem:$0xF230] =	vst v63  }
0x28: {  	_ =	swait.ge [sflag:s11], $0x2710  }
0x29: {  	[sflag:s11] =	ssyncset.done $0x0  }
0x2a: {  	[sflag:s11] =	ssyncadd.s32 $0xFFFFD8F0  }
0x2b: {  	[bflag:$0x0] =	sbarrier.arrive $0xFFFF  }
0x2c: {  	[tilespmem:s12], [sflag:$0x2] =	stream.linear.gather [hbm4b:s6+s3], $0x2710, $0x38;
	[tilespmem:$0xF230] =	vst v63  }
0x2d: {  	_ =	swait.ge [sflag:s11], $0x2710  }
0x2e: {  	s18 =	rddreg [dreg:$0x3];
	[sflag:s11] =	ssyncset.done $0x0  }
0x2f: {  	s19 =	rddreg [dreg:$0x4];
	[sflag:s11] =	ssyncadd.s32 $0xFFFFD8F0  }
0x30: {  	[tilespmem:s13], [sflag:$0x2] =	stream.strided.gather [hbm4b:s9+s18], $0x7D00, s19, s18, $0x38;
	[tilespmem:$0xF230] =	vst v63  }
0x31: {  	_ =	swait.ge [sflag:s11], $0x7D00  }
0x32: {  	[sflag:s11] =	ssyncset.done $0x0  }
0x33: {  	s24 =	simm.s32 $0x2710;
	[sflag:s11] =	ssyncadd.s32 $0xFFFF8300  }
0x34: {  	[spmem:s2] =	stream.indirect.scatter.add.f32 [tilespmem:s13], [sflag:$0x1], $0x10, s24, s14, $0xb8;
	[tilespmem:$0xF230] =	vst v63  }
0x35: {  	s26 =	simm.s32 $0x2760;
	s25 =	rddreg [dreg:$0x5]  }
0x36: {  	[spmem:s2] =	stream.indirect.scatter.add.f32 [tilespmem:s25], [sflag:$0x1], $0x10, s26, s14, $0xb8;
	[tilespmem:$0xF230] =	vst v63  }
0x37: {  	s28 =	simm.s32 $0x27B0;
	s20 =	rddreg [dreg:$0x6]  }
0x38: {  	[spmem:s2] =	stream.indirect.scatter.add.f32 [tilespmem:s20], [sflag:$0x1], $0x10, s28, s14, $0xb8;
	[tilespmem:$0xF230] =	vst v63  }
0x39: {  	s30 =	simm.s32 $0x2800;
	s29 =	rddreg [dreg:$0x7]  }
0x3a: {  	[spmem:s2] =	stream.indirect.scatter.add.f32 [tilespmem:s29], [sflag:$0x1], $0x10, s30, s14, $0xb8;
	[tilespmem:$0xF230] =	vst v63  }
0x3b: {  	s21 =	simm.s32 $0x2850;
	s31 =	rddreg [dreg:$0x8]  }
0x3c: {  	[spmem:s2] =	stream.indirect.scatter.add.f32 [tilespmem:s31], [sflag:$0x1], $0x10, s21, s14, $0xb8;
	[tilespmem:$0xF230] =	vst v63  }
0x3d: {  	s23 =	simm.s32 $0x28A0;
	s22 =	rddreg [dreg:$0x9]  }
0x3e: {  	[spmem:s2] =	stream.indirect.scatter.add.f32 [tilespmem:s22], [sflag:$0x1], $0x10, s23, s14, $0xb8;
	[tilespmem:$0xF230] =	vst v63  }
0x3f: {  	s24 =	rddreg [dreg:$0xa];
	s25 =	simm.s32 $0x28F0  }
0x40: {  	[spmem:s2] =	stream.indirect.scatter.add.f32 [tilespmem:s24], [sflag:$0x1], $0x10, s25, s14, $0xb8;
	[tilespmem:$0xF230] =	vst v63  }
0x41: {  	s26 =	rddreg [dreg:$0xb];
	s28 =	simm.s32 $0x2940  }
0x42: {  	[spmem:s2] =	stream.indirect.scatter.add.f32 [tilespmem:s26], [sflag:$0x1], $0x10, s28, s14, $0xb8;
	[tilespmem:$0xF230] =	vst v63  }
0x43: {  	s29 =	rddreg [dreg:$0xc];
	s30 =	simm.s32 $0x2990  }
0x44: {  	[spmem:s2] =	stream.indirect.scatter.add.f32 [tilespmem:s29], [sflag:$0x1], $0x10, s30, s14, $0xb8;
	[tilespmem:$0xF230] =	vst v63  }
0x45: {  	s31 =	rddreg [dreg:$0xd];
	s21 =	simm.s32 $0x29E0  }
0x46: {  	[spmem:s2] =	stream.indirect.scatter.add.f32 [tilespmem:s31], [sflag:$0x1], $0x10, s21, s14, $0xb8;
	[tilespmem:$0xF230] =	vst v63  }
0x47: {  	s22 =	rddreg [dreg:$0xe];
	s23 =	simm.s32 $0x2A30  }
0x48: {  	[spmem:s2] =	stream.indirect.scatter.add.f32 [tilespmem:s22], [sflag:$0x1], $0x10, s23, s14, $0xb8;
	[tilespmem:$0xF230] =	vst v63  }
0x49: {  	s24 =	rddreg [dreg:$0xf];
	s25 =	simm.s32 $0x2A80  }
0x4a: {  	[spmem:s2] =	stream.indirect.scatter.add.f32 [tilespmem:s24], [sflag:$0x1], $0x10, s25, s14, $0xb8;
	[tilespmem:$0xF230] =	vst v63  }
0x4b: {  	s26 =	rddreg [dreg:$0x10];
	s28 =	simm.s32 $0x2AD0  }
0x4c: {  	[spmem:s2] =	stream.indirect.scatter.add.f32 [tilespmem:s26], [sflag:$0x1], $0x10, s28, s14, $0xb8;
	[tilespmem:$0xF230] =	vst v63  }
0x4d: {  	s29 =	rddreg [dreg:$0x11];
	s30 =	simm.s32 $0x2B20  }
0x4e: {  	[spmem:s2] =	stream.indirect.scatter.add.f32 [tilespmem:s29], [sflag:$0x1], $0x10, s30, s14, $0xb8;
	[tilespmem:$0xF230] =	vst v63  }
0x4f: {  	s31 =	rddreg [dreg:$0x12];
	s21 =	simm.s32 $0x2B70  }
0x50: {  	[spmem:s2] =	stream.indirect.scatter.add.f32 [tilespmem:s31], [sflag:$0x1], $0x10, s21, s14, $0xb8;
	[tilespmem:$0xF230] =	vst v63  }
0x51: {  	s22 =	rddreg [dreg:$0x13];
	s23 =	simm.s32 $0x2BC0  }
0x52: {  	[spmem:s2] =	stream.indirect.scatter.add.f32 [tilespmem:s22], [sflag:$0x1], $0x10, s23, s14, $0xb8;
	[tilespmem:$0xF230] =	vst v63  }
0x53: {  	s24 =	rddreg [dreg:$0x14];
	s25 =	simm.s32 $0x2C10  }
0x54: {  	[spmem:s2] =	stream.indirect.scatter.add.f32 [tilespmem:s24], [sflag:$0x1], $0x10, s25, s14, $0xb8;
	[tilespmem:$0xF230] =	vst v63  }
0x55: {  	s26 =	rddreg [dreg:$0x15];
	s28 =	simm.s32 $0x2C60  }
0x56: {  	[spmem:s2] =	stream.indirect.scatter.add.f32 [tilespmem:s26], [sflag:$0x1], $0x10, s28, s14, $0xb8;
	[tilespmem:$0xF230] =	vst v63  }
0x57: {  	s29 =	rddreg [dreg:$0x16];
	s30 =	simm.s32 $0x2CB0  }
0x58: {  	[spmem:s2] =	stream.indirect.scatter.add.f32 [tilespmem:s29], [sflag:$0x1], $0x10, s30, s14, $0xb8;
	[tilespmem:$0xF230] =	vst v63  }
0x59: {  	s31 =	rddreg [dreg:$0x17];
	s21 =	simm.s32 $0x2D00  }
0x5a: {  	[spmem:s2] =	stream.indirect.scatter.add.f32 [tilespmem:s31], [sflag:$0x1], $0x10, s21, s14, $0xb8;
	[tilespmem:$0xF230] =	vst v63  }
0x5b: {  	s22 =	rddreg [dreg:$0x18];
	s23 =	simm.s32 $0x2D50  }
0x5c: {  	[spmem:s2] =	stream.indirect.scatter.add.f32 [tilespmem:s22], [sflag:$0x1], $0x10, s23, s14, $0xb8;
	[tilespmem:$0xF230] =	vst v63  }
0x5d: {  	s24 =	rddreg [dreg:$0x19];
	s25 =	simm.s32 $0x2DA0  }
0x5e: {  	[spmem:s2] =	stream.indirect.scatter.add.f32 [tilespmem:s24], [sflag:$0x1], $0x10, s25, s14, $0xb8;
	[tilespmem:$0xF230] =	vst v63  }
0x5f: {  	s26 =	rddreg [dreg:$0x1a];
	s28 =	simm.s32 $0x2DF0  }
0x60: {  	[spmem:s2] =	stream.indirect.scatter.add.f32 [tilespmem:s26], [sflag:$0x1], $0x10, s28, s14, $0xb8;
	[tilespmem:$0xF230] =	vst v63  }
0x61: {  	s29 =	rddreg [dreg:$0x1b];
	s30 =	simm.s32 $0x2E40  }
0x62: {  	[spmem:s2] =	stream.indirect.scatter.add.f32 [tilespmem:s29], [sflag:$0x1], $0x10, s30, s14, $0xb8;
	[tilespmem:$0xF230] =	vst v63  }
0x63: {  	s31 =	simm.s32 $0x2E90  }
0x64: {  	[spmem:s2] =	stream.indirect.scatter.add.f32 [tilespmem:s15], [sflag:$0x1], $0x10, s31, s14, $0xb8;
	[tilespmem:$0xF230] =	vst v63  }
0x65: {  	_ =	swait.ge [sflag:s16], $0x500  }
0x66: {  	[sflag:s16] =	ssyncset.done $0x0  }
0x67: {  	[sflag:s16] =	ssyncadd.s32 $0xFFFFFB00  }
0x68: {  	_ =	swait.ge [sflag:s16], $0x500  }
0x69: {  	[sflag:s16] =	ssyncset.done $0x0  }
0x6a: {  	[sflag:s16] =	ssyncadd.s32 $0xFFFFFB00  }
0x6b: {  	_ =	swait.ge [sflag:s16], $0x500  }
0x6c: {  	[sflag:s16] =	ssyncset.done $0x0  }
0x6d: {  	[sflag:s16] =	ssyncadd.s32 $0xFFFFFB00  }
0x6e: {  	_ =	swait.ge [sflag:s16], $0x500  }
0x6f: {  	[sflag:s16] =	ssyncset.done $0x0  }
0x70: {  	[sflag:s16] =	ssyncadd.s32 $0xFFFFFB00  }
0x71: {  	_ =	swait.ge [sflag:s16], $0x500  }
0x72: {  	[sflag:s16] =	ssyncset.done $0x0  }
0x73: {  	[sflag:s16] =	ssyncadd.s32 $0xFFFFFB00  }
0x74: {  	_ =	swait.ge [sflag:s16], $0x500  }
0x75: {  	[sflag:s16] =	ssyncset.done $0x0  }
0x76: {  	[sflag:s16] =	ssyncadd.s32 $0xFFFFFB00  }
0x77: {  	_ =	swait.ge [sflag:s16], $0x500  }
0x78: {  	[sflag:s16] =	ssyncset.done $0x0  }
0x79: {  	[sflag:s16] =	ssyncadd.s32 $0xFFFFFB00  }
0x7a: {  	_ =	swait.ge [sflag:s16], $0x500  }
0x7b: {  	[sflag:s16] =	ssyncset.done $0x0  }
0x7c: {  	[sflag:s16] =	ssyncadd.s32 $0xFFFFFB00  }
0x7d: {  	_ =	swait.ge [sflag:s16], $0x500  }
0x7e: {  	[sflag:s16] =	ssyncset.done $0x0  }
0x7f: {  	[sflag:s16] =	ssyncadd.s32 $0xFFFFFB00  }
0x80: {  	_ =	swait.ge [sflag:s16], $0x500  }
0x81: {  	[sflag:s16] =	ssyncset.done $0x0  }
0x82: {  	[sflag:s16] =	ssyncadd.s32 $0xFFFFFB00  }
0x83: {  	_ =	swait.ge [sflag:s16], $0x500  }
0x84: {  	[sflag:s16] =	ssyncset.done $0x0  }
0x85: {  	[sflag:s16] =	ssyncadd.s32 $0xFFFFFB00  }
0x86: {  	_ =	swait.ge [sflag:s16], $0x500  }
0x87: {  	[sflag:s16] =	ssyncset.done $0x0  }
0x88: {  	[sflag:s16] =	ssyncadd.s32 $0xFFFFFB00  }
0x89: {  	_ =	swait.ge [sflag:s16], $0x500  }
0x8a: {  	[sflag:s16] =	ssyncset.done $0x0  }
0x8b: {  	[sflag:s16] =	ssyncadd.s32 $0xFFFFFB00  }
0x8c: {  	_ =	swait.ge [sflag:s16], $0x500  }
0x8d: {  	[sflag:s16] =	ssyncset.done $0x0  }
0x8e: {  	[sflag:s16] =	ssyncadd.s32 $0xFFFFFB00  }
0x8f: {  	_ =	swait.ge [sflag:s16], $0x500  }
0x90: {  	[sflag:s16] =	ssyncset.done $0x0  }
0x91: {  	[sflag:s16] =	ssyncadd.s32 $0xFFFFFB00  }
0x92: {  	_ =	swait.ge [sflag:s16], $0x500  }
0x93: {  	[sflag:s16] =	ssyncset.done $0x0  }
0x94: {  	[sflag:s16] =	ssyncadd.s32 $0xFFFFFB00  }
0x95: {  	_ =	swait.ge [sflag:s16], $0x500  }
0x96: {  	[sflag:s16] =	ssyncset.done $0x0  }
0x97: {  	[sflag:s16] =	ssyncadd.s32 $0xFFFFFB00  }
0x98: {  	_ =	swait.ge [sflag:s16], $0x500  }
0x99: {  	[sflag:s16] =	ssyncset.done $0x0  }
0x9a: {  	[sflag:s16] =	ssyncadd.s32 $0xFFFFFB00  }
0x9b: {  	_ =	swait.ge [sflag:s16], $0x500  }
0x9c: {  	[sflag:s16] =	ssyncset.done $0x0  }
0x9d: {  	[sflag:s16] =	ssyncadd.s32 $0xFFFFFB00  }
0x9e: {  	_ =	swait.ge [sflag:s16], $0x500  }
0x9f: {  	[sflag:s16] =	ssyncset.done $0x0  }
0xa0: {  	[sflag:s16] =	ssyncadd.s32 $0xFFFFFB00  }
0xa1: {  	_ =	swait.ge [sflag:s16], $0x500  }
0xa2: {  	[sflag:s16] =	ssyncset.done $0x0  }
0xa3: {  	[sflag:s16] =	ssyncadd.s32 $0xFFFFFB00  }
0xa4: {  	_ =	swait.ge [sflag:s16], $0x500  }
0xa5: {  	[sflag:s16] =	ssyncset.done $0x0  }
0xa6: {  	[sflag:s16] =	ssyncadd.s32 $0xFFFFFB00  }
0xa7: {  	_ =	swait.ge [sflag:s16], $0x500  }
0xa8: {  	[sflag:s16] =	ssyncset.done $0x0  }
0xa9: {  	[sflag:s16] =	ssyncadd.s32 $0xFFFFFB00  }
0xaa: {  	_ =	swait.ge [sflag:s16], $0x500  }
0xab: {  	[sflag:s16] =	ssyncset.done $0x0  }
0xac: {  	[sflag:s16] =	ssyncadd.s32 $0xFFFFFB00  }
0xad: {  	s18 =	simm.s32 $0x1F40;
	s19 =	smov.u32 s9;
	_ =	swait.ge [sflag:s16], $0x500  }
0xae: {  	s20 =	simm.s32 $0x3E80;
	s21 =	rddreg [dreg:$0x3];
	[sflag:s16] =	ssyncset.done $0x0  }
.LBB2_2:
0xaf: {  	s22 =	rddreg [dreg:$0x4];
	[sflag:s16] =	ssyncadd.s32 $0xFFFFFB00;
	s19 =	sadd.s32 $0x7D00, s19  }
0xb0: {  	[tilespmem:s13], [sflag:$0x2] =	stream.strided.gather [hbm4b:s19+s21], $0x7D00, s22, s21, $0x38;
	[tilespmem:$0xF230] =	vst v63  }
0xb1: {  	_ =	swait.ge [sflag:s11], $0x7D00  }
0xb2: {  	s21 =	sshra.s32 s18, $0x2;
	[sflag:s11] =	ssyncset.done $0x0  }
0xb3: {  	s29 =	sadd.s32 $0x2710, s21;
	[sflag:s11] =	ssyncadd.s32 $0xFFFF8300  }
0xb4: {  	[spmem:s2] =	stream.indirect.scatter.add.f32 [tilespmem:s13], [sflag:$0x1], $0x10, s29, s14, $0xb8;
	[tilespmem:$0xF230] =	vst v63  }
0xb5: {  	s31 =	sadd.s32 $0x2760, s21;
	s30 =	rddreg [dreg:$0x5]  }
0xb6: {  	[spmem:s2] =	stream.indirect.scatter.add.f32 [tilespmem:s30], [sflag:$0x1], $0x10, s31, s14, $0xb8;
	[tilespmem:$0xF230] =	vst v63  }
0xb7: {  	s25 =	sadd.s32 $0x27B0, s21;
	s24 =	rddreg [dreg:$0x6]  }
0xb8: {  	[spmem:s2] =	stream.indirect.scatter.add.f32 [tilespmem:s24], [sflag:$0x1], $0x10, s25, s14, $0xb8;
	[tilespmem:$0xF230] =	vst v63  }
0xb9: {  	s28 =	sadd.s32 $0x2800, s21;
	s26 =	rddreg [dreg:$0x7]  }
0xba: {  	[spmem:s2] =	stream.indirect.scatter.add.f32 [tilespmem:s26], [sflag:$0x1], $0x10, s28, s14, $0xb8;
	[tilespmem:$0xF230] =	vst v63  }
0xbb: {  	s29 =	rddreg [dreg:$0x8];
	s30 =	sadd.s32 $0x2850, s21  }
0xbc: {  	[spmem:s2] =	stream.indirect.scatter.add.f32 [tilespmem:s29], [sflag:$0x1], $0x10, s30, s14, $0xb8;
	[tilespmem:$0xF230] =	vst v63  }
0xbd: {  	s31 =	rddreg [dreg:$0x9];
	s25 =	sadd.s32 $0x28A0, s21  }
0xbe: {  	[spmem:s2] =	stream.indirect.scatter.add.f32 [tilespmem:s31], [sflag:$0x1], $0x10, s25, s14, $0xb8;
	[tilespmem:$0xF230] =	vst v63  }
0xbf: {  	s26 =	rddreg [dreg:$0xa];
	s28 =	sadd.s32 $0x28F0, s21  }
0xc0: {  	[spmem:s2] =	stream.indirect.scatter.add.f32 [tilespmem:s26], [sflag:$0x1], $0x10, s28, s14, $0xb8;
	[tilespmem:$0xF230] =	vst v63  }
0xc1: {  	s29 =	rddreg [dreg:$0xb];
	s30 =	sadd.s32 $0x2940, s21  }
0xc2: {  	[spmem:s2] =	stream.indirect.scatter.add.f32 [tilespmem:s29], [sflag:$0x1], $0x10, s30, s14, $0xb8;
	[tilespmem:$0xF230] =	vst v63  }
0xc3: {  	s31 =	rddreg [dreg:$0xc];
	s25 =	sadd.s32 $0x2990, s21  }
0xc4: {  	[spmem:s2] =	stream.indirect.scatter.add.f32 [tilespmem:s31], [sflag:$0x1], $0x10, s25, s14, $0xb8;
	[tilespmem:$0xF230] =	vst v63  }
0xc5: {  	s26 =	rddreg [dreg:$0xd];
	s28 =	sadd.s32 $0x29E0, s21  }
0xc6: {  	[spmem:s2] =	stream.indirect.scatter.add.f32 [tilespmem:s26], [sflag:$0x1], $0x10, s28, s14, $0xb8;
	[tilespmem:$0xF230] =	vst v63  }
0xc7: {  	s29 =	rddreg [dreg:$0xe];
	s30 =	sadd.s32 $0x2A30, s21  }
0xc8: {  	[spmem:s2] =	stream.indirect.scatter.add.f32 [tilespmem:s29], [sflag:$0x1], $0x10, s30, s14, $0xb8;
	[tilespmem:$0xF230] =	vst v63  }
0xc9: {  	s31 =	rddreg [dreg:$0xf];
	s25 =	sadd.s32 $0x2A80, s21  }
0xca: {  	[spmem:s2] =	stream.indirect.scatter.add.f32 [tilespmem:s31], [sflag:$0x1], $0x10, s25, s14, $0xb8;
	[tilespmem:$0xF230] =	vst v63  }
0xcb: {  	s26 =	rddreg [dreg:$0x10];
	s28 =	sadd.s32 $0x2AD0, s21  }
0xcc: {  	[spmem:s2] =	stream.indirect.scatter.add.f32 [tilespmem:s26], [sflag:$0x1], $0x10, s28, s14, $0xb8;
	[tilespmem:$0xF230] =	vst v63  }
0xcd: {  	s29 =	rddreg [dreg:$0x11];
	s30 =	sadd.s32 $0x2B20, s21  }
0xce: {  	[spmem:s2] =	stream.indirect.scatter.add.f32 [tilespmem:s29], [sflag:$0x1], $0x10, s30, s14, $0xb8;
	[tilespmem:$0xF230] =	vst v63  }
0xcf: {  	s31 =	rddreg [dreg:$0x12];
	s25 =	sadd.s32 $0x2B70, s21  }
0xd0: {  	[spmem:s2] =	stream.indirect.scatter.add.f32 [tilespmem:s31], [sflag:$0x1], $0x10, s25, s14, $0xb8;
	[tilespmem:$0xF230] =	vst v63  }
0xd1: {  	s26 =	rddreg [dreg:$0x13];
	s28 =	sadd.s32 $0x2BC0, s21  }
0xd2: {  	[spmem:s2] =	stream.indirect.scatter.add.f32 [tilespmem:s26], [sflag:$0x1], $0x10, s28, s14, $0xb8;
	[tilespmem:$0xF230] =	vst v63  }
0xd3: {  	s29 =	rddreg [dreg:$0x14];
	s30 =	sadd.s32 $0x2C10, s21  }
0xd4: {  	[spmem:s2] =	stream.indirect.scatter.add.f32 [tilespmem:s29], [sflag:$0x1], $0x10, s30, s14, $0xb8;
	[tilespmem:$0xF230] =	vst v63  }
0xd5: {  	s31 =	rddreg [dreg:$0x15];
	s25 =	sadd.s32 $0x2C60, s21  }
0xd6: {  	[spmem:s2] =	stream.indirect.scatter.add.f32 [tilespmem:s31], [sflag:$0x1], $0x10, s25, s14, $0xb8;
	[tilespmem:$0xF230] =	vst v63  }
0xd7: {  	s26 =	rddreg [dreg:$0x16];
	s28 =	sadd.s32 $0x2CB0, s21  }
0xd8: {  	[spmem:s2] =	stream.indirect.scatter.add.f32 [tilespmem:s26], [sflag:$0x1], $0x10, s28, s14, $0xb8;
	[tilespmem:$0xF230] =	vst v63  }
0xd9: {  	s23 =	smov.u32 s20;
	s29 =	rddreg [dreg:$0x17];
	s30 =	sadd.s32 $0x2D00, s21  }
0xda: {  	[spmem:s2] =	stream.indirect.scatter.add.f32 [tilespmem:s29], [sflag:$0x1], $0x10, s30, s14, $0xb8;
	[tilespmem:$0xF230] =	vst v63  }
0xdb: {  	s18 =	smov.u32 s23;
	s23 =	sadd.s32 $0x2D50, s21;
	s31 =	rddreg [dreg:$0x18]  }
0xdc: {  	[spmem:s2] =	stream.indirect.scatter.add.f32 [tilespmem:s31], [sflag:$0x1], $0x10, s23, s14, $0xb8;
	[tilespmem:$0xF230] =	vst v63  }
0xdd: {  	s25 =	rddreg [dreg:$0x19];
	s26 =	sadd.s32 $0x2DA0, s21  }
0xde: {  	[spmem:s2] =	stream.indirect.scatter.add.f32 [tilespmem:s25], [sflag:$0x1], $0x10, s26, s14, $0xb8;
	[tilespmem:$0xF230] =	vst v63  }
0xdf: {  	s28 =	rddreg [dreg:$0x1a];
	s29 =	sadd.s32 $0x2DF0, s21  }
0xe0: {  	[spmem:s2] =	stream.indirect.scatter.add.f32 [tilespmem:s28], [sflag:$0x1], $0x10, s29, s14, $0xb8;
	[tilespmem:$0xF230] =	vst v63  }
0xe1: {  	s30 =	rddreg [dreg:$0x1b];
	s31 =	sadd.s32 $0x2E40, s21  }
0xe2: {  	[spmem:s2] =	stream.indirect.scatter.add.f32 [tilespmem:s30], [sflag:$0x1], $0x10, s31, s14, $0xb8;
	[tilespmem:$0xF230] =	vst v63  }
0xe3: {  	s21 =	sadd.s32 $0x2E90, s21  }
0xe4: {  	[spmem:s2] =	stream.indirect.scatter.add.f32 [tilespmem:s15], [sflag:$0x1], $0x10, s21, s14, $0xb8;
	[tilespmem:$0xF230] =	vst v63  }
0xe5: {  	_ =	swait.ge [sflag:s16], $0x500  }
0xe6: {  	[sflag:s16] =	ssyncset.done $0x0  }
0xe7: {  	[sflag:s16] =	ssyncadd.s32 $0xFFFFFB00  }
0xe8: {  	_ =	swait.ge [sflag:s16], $0x500  }
0xe9: {  	[sflag:s16] =	ssyncset.done $0x0  }
0xea: {  	[sflag:s16] =	ssyncadd.s32 $0xFFFFFB00  }
0xeb: {  	_ =	swait.ge [sflag:s16], $0x500  }
0xec: {  	[sflag:s16] =	ssyncset.done $0x0  }
0xed: {  	[sflag:s16] =	ssyncadd.s32 $0xFFFFFB00  }
0xee: {  	_ =	swait.ge [sflag:s16], $0x500  }
0xef: {  	[sflag:s16] =	ssyncset.done $0x0  }
0xf0: {  	[sflag:s16] =	ssyncadd.s32 $0xFFFFFB00  }
0xf1: {  	_ =	swait.ge [sflag:s16], $0x500  }
0xf2: {  	[sflag:s16] =	ssyncset.done $0x0  }
0xf3: {  	[sflag:s16] =	ssyncadd.s32 $0xFFFFFB00  }
0xf4: {  	_ =	swait.ge [sflag:s16], $0x500  }
0xf5: {  	[sflag:s16] =	ssyncset.done $0x0  }
0xf6: {  	[sflag:s16] =	ssyncadd.s32 $0xFFFFFB00  }
0xf7: {  	_ =	swait.ge [sflag:s16], $0x500  }
0xf8: {  	[sflag:s16] =	ssyncset.done $0x0  }
0xf9: {  	[sflag:s16] =	ssyncadd.s32 $0xFFFFFB00  }
0xfa: {  	_ =	swait.ge [sflag:s16], $0x500  }
0xfb: {  	[sflag:s16] =	ssyncset.done $0x0  }
0xfc: {  	[sflag:s16] =	ssyncadd.s32 $0xFFFFFB00  }
0xfd: {  	_ =	swait.ge [sflag:s16], $0x500  }
0xfe: {  	[sflag:s16] =	ssyncset.done $0x0  }
0xff: {  	[sflag:s16] =	ssyncadd.s32 $0xFFFFFB00  }
0x100: {  	_ =	swait.ge [sflag:s16], $0x500  }
0x101: {  	[sflag:s16] =	ssyncset.done $0x0  }
0x102: {  	[sflag:s16] =	ssyncadd.s32 $0xFFFFFB00  }
0x103: {  	_ =	swait.ge [sflag:s16], $0x500  }
0x104: {  	[sflag:s16] =	ssyncset.done $0x0  }
0x105: {  	[sflag:s16] =	ssyncadd.s32 $0xFFFFFB00  }
0x106: {  	_ =	swait.ge [sflag:s16], $0x500  }
0x107: {  	[sflag:s16] =	ssyncset.done $0x0  }
0x108: {  	[sflag:s16] =	ssyncadd.s32 $0xFFFFFB00  }
0x109: {  	_ =	swait.ge [sflag:s16], $0x500  }
0x10a: {  	[sflag:s16] =	ssyncset.done $0x0  }
0x10b: {  	[sflag:s16] =	ssyncadd.s32 $0xFFFFFB00  }
0x10c: {  	_ =	swait.ge [sflag:s16], $0x500  }
0x10d: {  	[sflag:s16] =	ssyncset.done $0x0  }
0x10e: {  	[sflag:s16] =	ssyncadd.s32 $0xFFFFFB00  }
0x10f: {  	_ =	swait.ge [sflag:s16], $0x500  }
0x110: {  	[sflag:s16] =	ssyncset.done $0x0  }
0x111: {  	[sflag:s16] =	ssyncadd.s32 $0xFFFFFB00  }
0x112: {  	_ =	swait.ge [sflag:s16], $0x500  }
0x113: {  	[sflag:s16] =	ssyncset.done $0x0  }
0x114: {  	[sflag:s16] =	ssyncadd.s32 $0xFFFFFB00  }
0x115: {  	_ =	swait.ge [sflag:s16], $0x500  }
0x116: {  	[sflag:s16] =	ssyncset.done $0x0  }
0x117: {  	[sflag:s16] =	ssyncadd.s32 $0xFFFFFB00  }
0x118: {  	_ =	swait.ge [sflag:s16], $0x500  }
0x119: {  	[sflag:s16] =	ssyncset.done $0x0  }
0x11a: {  	[sflag:s16] =	ssyncadd.s32 $0xFFFFFB00  }
0x11b: {  	_ =	swait.ge [sflag:s16], $0x500  }
0x11c: {  	[sflag:s16] =	ssyncset.done $0x0  }
0x11d: {  	[sflag:s16] =	ssyncadd.s32 $0xFFFFFB00  }
0x11e: {  	_ =	swait.ge [sflag:s16], $0x500  }
0x11f: {  	[sflag:s16] =	ssyncset.done $0x0  }
0x120: {  	[sflag:s16] =	ssyncadd.s32 $0xFFFFFB00  }
0x121: {  	_ =	swait.ge [sflag:s16], $0x500  }
0x122: {  	[sflag:s16] =	ssyncset.done $0x0  }
0x123: {  	[sflag:s16] =	ssyncadd.s32 $0xFFFFFB00  }
0x124: {  	_ =	swait.ge [sflag:s16], $0x500  }
0x125: {  	[sflag:s16] =	ssyncset.done $0x0  }
0x126: {  	[sflag:s16] =	ssyncadd.s32 $0xFFFFFB00  }
0x127: {  	_ =	swait.ge [sflag:s16], $0x500  }
0x128: {  	[sflag:s16] =	ssyncset.done $0x0  }
0x129: {  	p0 =	sne.s32 s20, $0x7D00;
	[sflag:s16] =	ssyncadd.s32 $0xFFFFFB00  }
.Ltmp0:
0x12a: {  	_ =	swait.ge [sflag:s16], $0x500;
	(pc) =	sbr.rel @p0 .LBB2_2-.Ltmp0, $4  }
0x12b: {  	[sflag:s16] =	ssyncset.done $0x0  }
0x12c: {  	[sflag:s16] =	ssyncadd.s32 $0xFFFFFB00  }
0x12d: {  	_ =	swait.ge [sflag:s16], $0x500  }
0x12e: {  	s20 =	sadd.s32 $0x1F40, s20;
	s21 =	rddreg [dreg:$0x3];
	[sflag:s16] =	ssyncset.done $0x0  }
0x12f: {  	s20 =	rddreg [dreg:$0x4];
	[sflag:s16] =	ssyncadd.s32 $0xFFFFFB00;
	s19 =	sadd.s32 $0x7D00, s19  }
0x130: {  	[tilespmem:s13], [sflag:$0x2] =	stream.strided.gather [hbm4b:s19+s21], $0x7D00, s20, s21, $0x38;
	[tilespmem:$0xF230] =	vst v63  }
0x131: {  	_ =	swait.ge [sflag:s11], $0x7D00  }
0x132: {  	s18 =	sshra.s32 s18, $0x2;
	[sflag:s11] =	ssyncset.done $0x0  }
0x133: {  	s23 =	sadd.s32 $0x2710, s18;
	[sflag:s11] =	ssyncadd.s32 $0xFFFF8300  }
0x134: {  	[spmem:s2] =	stream.indirect.scatter.add.f32 [tilespmem:s13], [sflag:$0x1], $0x10, s23, s14, $0xb8;
	[tilespmem:$0xF230] =	vst v63  }
0x135: {  	s25 =	sadd.s32 $0x2760, s18;
	s24 =	rddreg [dreg:$0x5]  }
0x136: {  	[spmem:s2] =	stream.indirect.scatter.add.f32 [tilespmem:s24], [sflag:$0x1], $0x10, s25, s14, $0xb8;
	[tilespmem:$0xF230] =	vst v63  }
0x137: {  	s28 =	sadd.s32 $0x27B0, s18;
	s26 =	rddreg [dreg:$0x6]  }
0x138: {  	[spmem:s2] =	stream.indirect.scatter.add.f32 [tilespmem:s26], [sflag:$0x1], $0x10, s28, s14, $0xb8;
	[tilespmem:$0xF230] =	vst v63  }
0x139: {  	s30 =	sadd.s32 $0x2800, s18;
	s29 =	rddreg [dreg:$0x7]  }
0x13a: {  	[spmem:s2] =	stream.indirect.scatter.add.f32 [tilespmem:s29], [sflag:$0x1], $0x10, s30, s14, $0xb8;
	[tilespmem:$0xF230] =	vst v63  }
0x13b: {  	s20 =	sadd.s32 $0x2850, s18;
	s31 =	rddreg [dreg:$0x8]  }
0x13c: {  	[spmem:s2] =	stream.indirect.scatter.add.f32 [tilespmem:s31], [sflag:$0x1], $0x10, s20, s14, $0xb8;
	[tilespmem:$0xF230] =	vst v63  }
0x13d: {  	s22 =	rddreg [dreg:$0x9];
	s23 =	sadd.s32 $0x28A0, s18  }
0x13e: {  	[spmem:s2] =	stream.indirect.scatter.add.f32 [tilespmem:s22], [sflag:$0x1], $0x10, s23, s14, $0xb8;
	[tilespmem:$0xF230] =	vst v63  }
0x13f: {  	s24 =	rddreg [dreg:$0xa];
	s25 =	sadd.s32 $0x28F0, s18  }
0x140: {  	[spmem:s2] =	stream.indirect.scatter.add.f32 [tilespmem:s24], [sflag:$0x1], $0x10, s25, s14, $0xb8;
	[tilespmem:$0xF230] =	vst v63  }
0x141: {  	s26 =	rddreg [dreg:$0xb];
	s28 =	sadd.s32 $0x2940, s18  }
0x142: {  	[spmem:s2] =	stream.indirect.scatter.add.f32 [tilespmem:s26], [sflag:$0x1], $0x10, s28, s14, $0xb8;
	[tilespmem:$0xF230] =	vst v63  }
0x143: {  	s29 =	rddreg [dreg:$0xc];
	s30 =	sadd.s32 $0x2990, s18  }
0x144: {  	[spmem:s2] =	stream.indirect.scatter.add.f32 [tilespmem:s29], [sflag:$0x1], $0x10, s30, s14, $0xb8;
	[tilespmem:$0xF230] =	vst v63  }
0x145: {  	s21 =	sadd.s32 $0x29E0, s18;
	s31 =	rddreg [dreg:$0xd]  }
0x146: {  	[spmem:s2] =	stream.indirect.scatter.add.f32 [tilespmem:s31], [sflag:$0x1], $0x10, s21, s14, $0xb8;
	[tilespmem:$0xF230] =	vst v63  }
0x147: {  	s22 =	rddreg [dreg:$0xe];
	s23 =	sadd.s32 $0x2A30, s18  }
0x148: {  	[spmem:s2] =	stream.indirect.scatter.add.f32 [tilespmem:s22], [sflag:$0x1], $0x10, s23, s14, $0xb8;
	[tilespmem:$0xF230] =	vst v63  }
0x149: {  	s24 =	rddreg [dreg:$0xf];
	s25 =	sadd.s32 $0x2A80, s18  }
0x14a: {  	[spmem:s2] =	stream.indirect.scatter.add.f32 [tilespmem:s24], [sflag:$0x1], $0x10, s25, s14, $0xb8;
	[tilespmem:$0xF230] =	vst v63  }
0x14b: {  	s26 =	rddreg [dreg:$0x10];
	s28 =	sadd.s32 $0x2AD0, s18  }
0x14c: {  	[spmem:s2] =	stream.indirect.scatter.add.f32 [tilespmem:s26], [sflag:$0x1], $0x10, s28, s14, $0xb8;
	[tilespmem:$0xF230] =	vst v63  }
0x14d: {  	s29 =	rddreg [dreg:$0x11];
	s30 =	sadd.s32 $0x2B20, s18  }
0x14e: {  	[spmem:s2] =	stream.indirect.scatter.add.f32 [tilespmem:s29], [sflag:$0x1], $0x10, s30, s14, $0xb8;
	[tilespmem:$0xF230] =	vst v63  }
0x14f: {  	s20 =	sadd.s32 $0x2B70, s18;
	s31 =	rddreg [dreg:$0x12]  }
0x150: {  	[spmem:s2] =	stream.indirect.scatter.add.f32 [tilespmem:s31], [sflag:$0x1], $0x10, s20, s14, $0xb8;
	[tilespmem:$0xF230] =	vst v63  }
0x151: {  	s22 =	rddreg [dreg:$0x13];
	s23 =	sadd.s32 $0x2BC0, s18  }
0x152: {  	[spmem:s2] =	stream.indirect.scatter.add.f32 [tilespmem:s22], [sflag:$0x1], $0x10, s23, s14, $0xb8;
	[tilespmem:$0xF230] =	vst v63  }
0x153: {  	s24 =	rddreg [dreg:$0x14];
	s25 =	sadd.s32 $0x2C10, s18  }
0x154: {  	[spmem:s2] =	stream.indirect.scatter.add.f32 [tilespmem:s24], [sflag:$0x1], $0x10, s25, s14, $0xb8;
	[tilespmem:$0xF230] =	vst v63  }
0x155: {  	s26 =	rddreg [dreg:$0x15];
	s28 =	sadd.s32 $0x2C60, s18  }
0x156: {  	[spmem:s2] =	stream.indirect.scatter.add.f32 [tilespmem:s26], [sflag:$0x1], $0x10, s28, s14, $0xb8;
	[tilespmem:$0xF230] =	vst v63  }
0x157: {  	s29 =	rddreg [dreg:$0x16];
	s30 =	sadd.s32 $0x2CB0, s18  }
0x158: {  	[spmem:s2] =	stream.indirect.scatter.add.f32 [tilespmem:s29], [sflag:$0x1], $0x10, s30, s14, $0xb8;
	[tilespmem:$0xF230] =	vst v63  }
0x159: {  	s31 =	rddreg [dreg:$0x17];
	s22 =	sadd.s32 $0x2D00, s18  }
0x15a: {  	[spmem:s2] =	stream.indirect.scatter.add.f32 [tilespmem:s31], [sflag:$0x1], $0x10, s22, s14, $0xb8;
	[tilespmem:$0xF230] =	vst v63  }
0x15b: {  	s23 =	rddreg [dreg:$0x18];
	s24 =	sadd.s32 $0x2D50, s18  }
0x15c: {  	[spmem:s2] =	stream.indirect.scatter.add.f32 [tilespmem:s23], [sflag:$0x1], $0x10, s24, s14, $0xb8;
	[tilespmem:$0xF230] =	vst v63  }
0x15d: {  	s25 =	rddreg [dreg:$0x19];
	s26 =	sadd.s32 $0x2DA0, s18  }
0x15e: {  	[spmem:s2] =	stream.indirect.scatter.add.f32 [tilespmem:s25], [sflag:$0x1], $0x10, s26, s14, $0xb8;
	[tilespmem:$0xF230] =	vst v63  }
0x15f: {  	s28 =	rddreg [dreg:$0x1a];
	s29 =	sadd.s32 $0x2DF0, s18  }
0x160: {  	[spmem:s2] =	stream.indirect.scatter.add.f32 [tilespmem:s28], [sflag:$0x1], $0x10, s29, s14, $0xb8;
	[tilespmem:$0xF230] =	vst v63  }
0x161: {  	s30 =	rddreg [dreg:$0x1b];
	s31 =	sadd.s32 $0x2E40, s18  }
0x162: {  	[spmem:s2] =	stream.indirect.scatter.add.f32 [tilespmem:s30], [sflag:$0x1], $0x10, s31, s14, $0xb8;
	[tilespmem:$0xF230] =	vst v63  }
0x163: {  	s18 =	sadd.s32 $0x2E90, s18  }
0x164: {  	[spmem:s2] =	stream.indirect.scatter.add.f32 [tilespmem:s15], [sflag:$0x1], $0x10, s18, s14, $0xb8;
	[tilespmem:$0xF230] =	vst v63  }
0x165: {  	_ =	swait.ge [sflag:s16], $0x500  }
0x166: {  	[sflag:s16] =	ssyncset.done $0x0  }
0x167: {  	[sflag:s16] =	ssyncadd.s32 $0xFFFFFB00  }
0x168: {  	_ =	swait.ge [sflag:s16], $0x500  }
0x169: {  	[sflag:s16] =	ssyncset.done $0x0  }
0x16a: {  	[sflag:s16] =	ssyncadd.s32 $0xFFFFFB00  }
0x16b: {  	_ =	swait.ge [sflag:s16], $0x500  }
0x16c: {  	[sflag:s16] =	ssyncset.done $0x0  }
0x16d: {  	[sflag:s16] =	ssyncadd.s32 $0xFFFFFB00  }
0x16e: {  	_ =	swait.ge [sflag:s16], $0x500  }
0x16f: {  	[sflag:s16] =	ssyncset.done $0x0  }
0x170: {  	[sflag:s16] =	ssyncadd.s32 $0xFFFFFB00  }
0x171: {  	_ =	swait.ge [sflag:s16], $0x500  }
0x172: {  	[sflag:s16] =	ssyncset.done $0x0  }
0x173: {  	[sflag:s16] =	ssyncadd.s32 $0xFFFFFB00  }
0x174: {  	_ =	swait.ge [sflag:s16], $0x500  }
0x175: {  	[sflag:s16] =	ssyncset.done $0x0  }
0x176: {  	[sflag:s16] =	ssyncadd.s32 $0xFFFFFB00  }
0x177: {  	_ =	swait.ge [sflag:s16], $0x500  }
0x178: {  	[sflag:s16] =	ssyncset.done $0x0  }
0x179: {  	[sflag:s16] =	ssyncadd.s32 $0xFFFFFB00  }
0x17a: {  	_ =	swait.ge [sflag:s16], $0x500  }
0x17b: {  	[sflag:s16] =	ssyncset.done $0x0  }
0x17c: {  	[sflag:s16] =	ssyncadd.s32 $0xFFFFFB00  }
0x17d: {  	_ =	swait.ge [sflag:s16], $0x500  }
0x17e: {  	[sflag:s16] =	ssyncset.done $0x0  }
0x17f: {  	[sflag:s16] =	ssyncadd.s32 $0xFFFFFB00  }
0x180: {  	_ =	swait.ge [sflag:s16], $0x500  }
0x181: {  	[sflag:s16] =	ssyncset.done $0x0  }
0x182: {  	[sflag:s16] =	ssyncadd.s32 $0xFFFFFB00  }
0x183: {  	_ =	swait.ge [sflag:s16], $0x500  }
0x184: {  	[sflag:s16] =	ssyncset.done $0x0  }
0x185: {  	[sflag:s16] =	ssyncadd.s32 $0xFFFFFB00  }
0x186: {  	_ =	swait.ge [sflag:s16], $0x500  }
0x187: {  	[sflag:s16] =	ssyncset.done $0x0  }
0x188: {  	[sflag:s16] =	ssyncadd.s32 $0xFFFFFB00  }
0x189: {  	_ =	swait.ge [sflag:s16], $0x500  }
0x18a: {  	[sflag:s16] =	ssyncset.done $0x0  }
0x18b: {  	[sflag:s16] =	ssyncadd.s32 $0xFFFFFB00  }
0x18c: {  	_ =	swait.ge [sflag:s16], $0x500  }
0x18d: {  	[sflag:s16] =	ssyncset.done $0x0  }
0x18e: {  	[sflag:s16] =	ssyncadd.s32 $0xFFFFFB00  }
0x18f: {  	_ =	swait.ge [sflag:s16], $0x500  }
0x190: {  	[sflag:s16] =	ssyncset.done $0x0  }
0x191: {  	[sflag:s16] =	ssyncadd.s32 $0xFFFFFB00  }
0x192: {  	_ =	swait.ge [sflag:s16], $0x500  }
0x193: {  	[sflag:s16] =	ssyncset.done $0x0  }
0x194: {  	[sflag:s16] =	ssyncadd.s32 $0xFFFFFB00  }
0x195: {  	_ =	swait.ge [sflag:s16], $0x500  }
0x196: {  	[sflag:s16] =	ssyncset.done $0x0  }
0x197: {  	[sflag:s16] =	ssyncadd.s32 $0xFFFFFB00  }
0x198: {  	_ =	swait.ge [sflag:s16], $0x500  }
0x199: {  	[sflag:s16] =	ssyncset.done $0x0  }
0x19a: {  	[sflag:s16] =	ssyncadd.s32 $0xFFFFFB00  }
0x19b: {  	_ =	swait.ge [sflag:s16], $0x500  }
0x19c: {  	[sflag:s16] =	ssyncset.done $0x0  }
0x19d: {  	[sflag:s16] =	ssyncadd.s32 $0xFFFFFB00  }
0x19e: {  	_ =	swait.ge [sflag:s16], $0x500  }
0x19f: {  	[sflag:s16] =	ssyncset.done $0x0  }
0x1a0: {  	[sflag:s16] =	ssyncadd.s32 $0xFFFFFB00  }
0x1a1: {  	_ =	swait.ge [sflag:s16], $0x500  }
0x1a2: {  	[sflag:s16] =	ssyncset.done $0x0  }
0x1a3: {  	[sflag:s16] =	ssyncadd.s32 $0xFFFFFB00  }
0x1a4: {  	_ =	swait.ge [sflag:s16], $0x500  }
0x1a5: {  	[sflag:s16] =	ssyncset.done $0x0  }
0x1a6: {  	[sflag:s16] =	ssyncadd.s32 $0xFFFFFB00  }
0x1a7: {  	_ =	swait.ge [sflag:s16], $0x500  }
0x1a8: {  	[sflag:s16] =	ssyncset.done $0x0  }
0x1a9: {  	[sflag:s16] =	ssyncadd.s32 $0xFFFFFB00  }
0x1aa: {  	_ =	swait.ge [sflag:s16], $0x500  }
0x1ab: {  	[sflag:s16] =	ssyncset.done $0x0  }
0x1ac: {  	[sflag:s16] =	ssyncadd.s32 $0xFFFFFB00  }
0x1ad: {  	_ =	swait.ge [sflag:s16], $0x500  }
0x1ae: {  	[sflag:s16] =	ssyncset.done $0x0  }
0x1af: {  	[sflag:s16] =	ssyncadd.s32 $0xFFFFFB00  }
0x1b0: {  	[bflag:$0x0] =	sbarrier.arrive $0xFFFF  }
0x1b1: {  	[tilespmem:s10], [sflag:$0x2] =	stream.linear.gather [spmem:s5], $0x2710, $0x38;
	[tilespmem:$0xF230] =	vst v63  }
0x1b2: {  	s17 =	sadd.s32 $0x1, s17;
	_ =	swait.ge [sflag:s11], $0x2710  }
0x1b3: {  	p0 =	sne.s32 s17, s8;
	[sflag:s11] =	ssyncset.done $0x0  }
.Ltmp1:
0x1b4: {  	[sflag:s11] =	ssyncadd.s32 $0xFFFFD8F0;
	(pc) =	sbr.rel @p0 .LBB2_1-.Ltmp1, $4  }
0x1b5: {  	[hbm4b:s7+s3] =	stream.linear.scatter [tilespmem:s10], [sflag:$0x2], $0x2710, $0x38;
	[tilespmem:$0xF230] =	vst v63  }
0x1b6: {  	_ =	swait.ge [sflag:s11], $0x2710  }
0x1b7: {  	[sflag:s11] =	ssyncset.done $0x0  }
0x1b8: {  	[sflag:s11] =	ssyncadd.s32 $0xFFFFD8F0  }
0x1b9: {  	_ =	sfence.sel $0x180000  }
0x1ba: {  	[bflag:$0x0] =	sbarrier.arrive $0xFFFF  }
0x1bb: {  	p0 =	sne.s32 s1, $0x0;
	_ =	strace $0x90000050  }
0x1bc: {  	s0 =	sadd.s32 @!p0 $0x100000, s0;
	[bflag:$0x2] =	sbarrier.arrive $0xFFFF  }
0x1bd: {  	[sflag:s0] =	ssyncadd.tile.s32 @!p0 $0x1;
	_ =	shalt  }
.Lfunc_end2:
_tile_overlayer_lowered:
.L_overlay_start_2:
0x1be: {  	(tag) =	ssettag $0x2  }
0x1bf: {  	s0 =	rddreg [dreg:$0x0];
	s2 =	stileid.u32  }
0x1c0: {  	s1 =	rddreg [dreg:$0x1];
	p0 =	sne.s32 s2, $0x0  }
0x1c1: {  	s3 =	rddreg [dreg:$0x2];
	[bflag:$0x3] =	sbarrier.arrive $0xFFFF;
	s2 =	simm.s32 @!p0 $0x1C02  }
0x1c2: {  	[timem:s3], [sflag:s2] =	dma.local @!p0 [hbm:s0], s1  }
0x1c3: {  	s0 =	simm.s32 @!p0 $0x2  }
0x1c4: {  	_ =	swait.ge @!p0 [sflag:s0], s1  }
0x1c5: {  	s1 =	ssub.s32 @!p0 $0x0, s1;
	[sflag:s0] =	ssyncset.done @!p0 $0x0  }
0x1c6: {  	[sflag:s0] =	ssyncadd.s32 @!p0 s1  }
0x1c7: {  	[bflag:$0x3] =	sbarrier.arrive $0xFFFF  }
0x1c8: {  	_ =	shalt  }

</sc_bundles>
